<compile_context>
chip_gen: v7x
topology: tpu7x:2x2x1
jax: 0.10.2.dev20260603
libtpu: 0.0.44.dev20260713+nightly
codegen_flags: <defaults>
</compile_context>

<pallas_src>
import functools

import jax
import jax.numpy as jnp
from jax import lax
from jax.experimental import pallas as pl
from jax.experimental.pallas import tpu as pltpu
from jax.experimental.pallas import tpu_sc as plsc

NCLS = 3
NTILE = 4
TSIZE = 104.0
CONF_T = 0.3
NMS_T = 0.2
NB = 16
NBOX = 20000
CH = 400
NCHUNK = NBOX // CH
CAP = 20032
DEAD = -1.0
NTASK = NB * NCLS
NWORK = 32


def _sc_task(t, x_hbm, out_hbm, stage0, stage1, bx1, by1, bx2, by2, bcf, bsc,
             feat, sem0, sem1):
    img = t // NCLS
    c_iv = jnp.full((16,), t % NCLS, jnp.int32)
    iota = lax.iota(jnp.int32, 16)

    io8 = iota * 8

    def proc_chunk(stg, offv):
        def vec_body(j, off2v):
            base = j * 128 + io8

            def col(c):
                return plsc.load_gather(stg, [base + c])

            cx = col(0)
            cy = col(1)
            wd = col(2)
            ht = col(3)
            cf = col(4)
            c0 = col(5)
            c1 = col(6)
            c2 = col(7)
            hw = wd * 0.5
            hh = ht * 0.5
            cmax = jnp.maximum(jnp.maximum(c0, c1), c2)
            cp = jnp.where((c0 >= c1) & (c0 >= c2), 0,
                           jnp.where(c1 >= c2, 1, 2))
            m = (cf >= CONF_T) & (cp == c_iv)
            kcum = plsc.cumsum(jnp.where(m, 1, 0))
            pos = off2v + kcum - 1
            plsc.store_scatter(bx1, [pos], cx - hw, mask=m)
            plsc.store_scatter(by1, [pos], cy - hh, mask=m)
            plsc.store_scatter(bx2, [pos], cx + hw, mask=m)
            plsc.store_scatter(by2, [pos], cy + hh, mask=m)
            plsc.store_scatter(bcf, [pos], cf, mask=m)
            plsc.store_scatter(bsc, [pos], cf * cmax, mask=m)
            return off2v + plsc.all_reduce_population_count(m)

        return lax.fori_loop(0, CH // 16, vec_body, offv)

    def start_chunk(k, stg, sem):
        pltpu.make_async_copy(
            x_hbm.at[img, pl.ds(k * CH * 8, CH * 8)], stg, sem
        ).start()

    def wait_chunk(k, stg, sem):
        pltpu.make_async_copy(
            x_hbm.at[img, pl.ds(k * CH * 8, CH * 8)], stg, sem
        ).wait()

    start_chunk(0, stage0, sem0)

    def chunk_pair(k2, offv):
        ka = 2 * k2
        start_chunk(ka + 1, stage1, sem1)
        wait_chunk(ka, stage0, sem0)
        offv = proc_chunk(stage0, offv)

        @pl.when(ka + 2 < NCHUNK)
        def _():
            start_chunk(ka + 2, stage0, sem0)

        wait_chunk(ka + 1, stage1, sem1)
        return proc_chunk(stage1, offv)

    offv = lax.fori_loop(0, NCHUNK // 2, chunk_pair,
                         jnp.zeros((16,), jnp.int32))
    n0 = jnp.sum(offv) >> 4
    bsc[pl.ds(n0, 16)] = jnp.full((16,), DEAD, jnp.float32)

    def am_body(j, c):
        vmax, vidx = c
        sc = bsc[pl.ds(j * 16, 16)]
        upd = sc > vmax
        return (jnp.where(upd, sc, vmax), jnp.where(upd, j * 16 + iota, vidx))

    vmax, vidx = lax.fori_loop(
        0, (n0 + 15) // 16, am_body,
        (jnp.full((16,), DEAD, jnp.float32), jnp.zeros((16,), jnp.int32)),
    )
    m0 = jnp.max(vmax)
    i0 = jnp.min(jnp.where(vmax == m0, vidx, CAP))

    zeros16 = jnp.zeros((16,), jnp.float32)

    def cond(st):
        return st[1] >= 0.0

    def body(st):
        n, _m, idx, xi, yi = st
        iv = jnp.full((16,), idx, jnp.int32)
        x1i = plsc.load_gather(bx1, [iv])
        y1i = plsc.load_gather(by1, [iv])
        x2i = plsc.load_gather(bx2, [iv])
        y2i = plsc.load_gather(by2, [iv])
        cfi = plsc.load_gather(bcf, [iv])
        a1 = (x2i - x1i + 1.0) * (y2i - y1i + 1.0)

        def sweep(j, c):
            woffv, ws, wx, wy1, wy2, nvm, nvi = c
            b = j * 16
            x1 = bx1[pl.ds(b, 16)]
            y1 = by1[pl.ds(b, 16)]
            x2 = bx2[pl.ds(b, 16)]
            y2 = by2[pl.ds(b, 16)]
            cf = bcf[pl.ds(b, 16)]
            sc = bsc[pl.ds(b, 16)]
            alive = sc >= 0.0
            dw = jnp.maximum(jnp.minimum(x2i, x2) - jnp.maximum(x1i, x1) + 1.0, 0.0)
            dh = jnp.maximum(jnp.minimum(y2i, y2) - jnp.maximum(y1i, y1) + 1.0, 0.0)
            inter = dw * dh
            a2 = (x2 - x1 + 1.0) * (y2 - y1 + 1.0)
            iou = inter / (a1 + a2 - inter + 1e-16)
            supp = (iou > NMS_T) & alive
            w = jnp.where(supp, cf, 0.0)
            keep = alive & (~supp)
            kcum = plsc.cumsum(jnp.where(keep, 1, 0))
            pos = woffv + kcum - 1
            plsc.store_scatter(bx1, [pos], x1, mask=keep)
            plsc.store_scatter(by1, [pos], y1, mask=keep)
            plsc.store_scatter(bx2, [pos], x2, mask=keep)
            plsc.store_scatter(by2, [pos], y2, mask=keep)
            plsc.store_scatter(bcf, [pos], cf, mask=keep)
            plsc.store_scatter(bsc, [pos], sc, mask=keep)
            upd = keep & (sc > nvm)
            return (
                woffv + plsc.all_reduce_population_count(keep),
                ws + w,
                wx + w * x1,
                wy1 + w * y1,
                wy2 + w * y2,
                jnp.where(upd, sc, nvm),
                jnp.where(upd, pos, nvi),
            )

        woffv, ws, wx, wy1, wy2, nvm, nvi = lax.fori_loop(
            0, (n + 15) // 16, sweep,
            (jnp.zeros((16,), jnp.int32), zeros16, zeros16, zeros16, zeros16,
             jnp.full((16,), DEAD, jnp.float32), jnp.zeros((16,), jnp.int32)),
        )
        woff = jnp.sum(woffv) >> 4
        bsc[pl.ds(woff, 16)] = jnp.full((16,), DEAD, jnp.float32)

        wsum_v = jnp.full((16,), jnp.sum(ws), jnp.float32)
        mx1_v = jnp.full((16,), jnp.sum(wx), jnp.float32) / wsum_v
        my1_v = jnp.full((16,), jnp.sum(wy1), jnp.float32) / wsum_v
        my2_v = jnp.full((16,), jnp.sum(wy2), jnp.float32) / wsum_v

        def tile_idx(q):
            ti = q.astype(jnp.int32)
            fl = ti - jnp.where(ti.astype(jnp.float32) > q, 1, 0)
            fl = jnp.minimum(fl, NTILE - 1)
            return ((fl % NTILE) + NTILE) % NTILE

        c_iv = jnp.full((16,), t % NCLS, jnp.int32)
        bxa = tile_idx(mx1_v * (1.0 / TSIZE)) * NCLS + c_iv
        bxb = tile_idx(my2_v * (1.0 / TSIZE)) * NCLS + c_iv
        bya = tile_idx(my1_v * (1.0 / TSIZE)) * NCLS + c_iv
        byb = tile_idx(cfi * (1.0 / TSIZE)) * NCLS + c_iv
        xi = xi + jnp.where(iota == bxa, cfi, 0.0)
        xi = xi + jnp.where((iota == bxb) & (bxa != bxb), cfi, 0.0)
        yi = yi + jnp.where(iota == bya, cfi, 0.0)
        yi = yi + jnp.where((iota == byb) & (bya != byb), cfi, 0.0)

        nm = jnp.max(nvm)
        ni = jnp.min(jnp.where(nvm == nm, nvi, CAP))
        return (woff, nm, ni, xi, yi)

    _, _, _, xi, yi = lax.while_loop(
        cond, body, (n0, m0, i0, zeros16, zeros16)
    )
    feat[0, :] = xi
    feat[1, :] = yi
    pltpu.sync_copy(feat, out_hbm.at[t])


def _sc_nms(x):
    mesh = plsc.VectorSubcoreMesh(core_axis_name="c", subcore_axis_name="s")

    @functools.partial(
        pl.kernel,
        mesh=mesh,
        compiler_params=pltpu.CompilerParams(needs_layout_passes=False),
        out_type=jax.ShapeDtypeStruct((NTASK, 2, 16), jnp.float32),
        scratch_types=[
            pltpu.VMEM((CH * 8,), jnp.float32),
            pltpu.VMEM((CH * 8,), jnp.float32),
            pltpu.VMEM((CAP,), jnp.float32),
            pltpu.VMEM((CAP,), jnp.float32),
            pltpu.VMEM((CAP,), jnp.float32),
            pltpu.VMEM((CAP,), jnp.float32),
            pltpu.VMEM((CAP,), jnp.float32),
            pltpu.VMEM((CAP,), jnp.float32),
            pltpu.VMEM((2, 16), jnp.float32),
            pltpu.SemaphoreType.DMA,
            pltpu.SemaphoreType.DMA,
        ],
    )
    def k(x_hbm, out_hbm, stage0, stage1, bx1, by1, bx2, by2, bcf, bsc, feat,
          sem0, sem1):
        wid = lax.axis_index("s") * 2 + lax.axis_index("c")
        _sc_task(wid, x_hbm, out_hbm, stage0, stage1,
                 bx1, by1, bx2, by2, bcf, bsc, feat, sem0, sem1)

        @pl.when(wid + NWORK < NTASK)
        def _():
            _sc_task(wid + NWORK, x_hbm, out_hbm, stage0, stage1,
                     bx1, by1, bx2, by2, bcf, bsc, feat, sem0, sem1)

    return k(x)


def _mlp_body(f_ref, wx1, bx1, wx2, bx2, wx3, bx3, wx4, bx4,
              wy1, by1, wy2, by2, wy3, by3, wy4, by4, ox_ref, oy_ref):
    br = lax.broadcasted_iota(jnp.int32, (NB, NTASK), 0)
    bc = lax.broadcasted_iota(jnp.int32, (NB, NTASK), 1)
    sel = (bc // NCLS == br).astype(jnp.float32)

    def head(fv, w1, b1, w2, b2, w3, b3, w4, b4):
        f = jax.lax.dot(sel, fv, precision=jax.lax.Precision.HIGHEST)[:, :12]
        h = jnp.maximum(jax.lax.dot(f, w1[:], precision=jax.lax.Precision.HIGHEST) + b1[:], 0.0)
        h = jnp.maximum(jax.lax.dot(h, w2[:], precision=jax.lax.Precision.HIGHEST) + b2[:], 0.0)
        h = jnp.maximum(jax.lax.dot(h, w3[:], precision=jax.lax.Precision.HIGHEST) + b3[:], 0.0)
        return jax.lax.dot(h, w4[:], precision=jax.lax.Precision.HIGHEST) + b4[:]

    ox_ref[:] = head(f_ref[:, 0, :], wx1, bx1, wx2, bx2, wx3, bx3, wx4, bx4)
    oy_ref[:] = head(f_ref[:, 1, :], wy1, by1, wy2, by2, wy3, by3, wy4, by4)


def _mlp(feats, *wb):
    return pl.pallas_call(
        _mlp_body,
        out_shape=(
            jax.ShapeDtypeStruct((NB, NTILE), jnp.float32),
            jax.ShapeDtypeStruct((NB, NTILE), jnp.float32),
        ),
    )(feats, *wb)


def kernel(x, Wx1, bx1, Wx2, bx2, Wx3, bx3, Wx4, bx4,
           Wy1, by1, Wy2, by2, Wy3, by3, Wy4, by4):
    feats = _sc_nms(x.reshape(NB, NBOX * 8))
    out_x, out_y = _mlp(feats, Wx1, bx1, Wx2, bx2, Wx3, bx3, Wx4, bx4,
                        Wy1, by1, Wy2, by2, Wy3, by3, Wy4, by4)
    return (out_x, out_y, jnp.asarray(0.0, dtype=jnp.float32))

# --- scband reference (transcript-rebuilt; emitter-appended) ---
"""Pipeline reference for scband-roilayer-72490458022384 (READ-ONLY COPY).

The authoritative reference and input builder live on the scoring server;
editing this copy changes nothing except your own understanding.
"""

import jax, jax.numpy as jnp
import numpy as np

NUM_CLASSES = 3
NUM_TILES = 4
IMG_DIM = 416
TILE_SIZE = IMG_DIM // NUM_TILES
CONF_THRES = 0.3
NMS_THRES = 0.2
B = 16
N = 20000


def xywh2xyxy(p):
    return jnp.stack(
        [
            p[..., 0] - p[..., 2] / 2.0,
            p[..., 1] - p[..., 3] / 2.0,
            p[..., 0] + p[..., 2] / 2.0,
            p[..., 1] + p[..., 3] / 2.0,
        ],
        axis=-1,
    )


def bbox_iou(box1, boxes):
    ix1 = jnp.maximum(box1[0], boxes[:, 0])
    iy1 = jnp.maximum(box1[1], boxes[:, 1])
    ix2 = jnp.minimum(box1[2], boxes[:, 2])
    iy2 = jnp.minimum(box1[3], boxes[:, 3])
    inter = jnp.clip(ix2 - ix1 + 1.0, 0.0, None) * jnp.clip(iy2 - iy1 + 1.0, 0.0, None)
    a1 = (box1[2] - box1[0] + 1.0) * (box1[3] - box1[1] + 1.0)
    a2 = (boxes[:, 2] - boxes[:, 0] + 1.0) * (boxes[:, 3] - boxes[:, 1] + 1.0)
    return inter / (a1 + a2 - inter + 1e-16)


def non_max_suppression(pred_img, conf_thres, nms_thres):
    n = pred_img.shape[0]
    boxes = xywh2xyxy(pred_img[:, :4])
    conf = pred_img[:, 4]
    cls_scores = pred_img[:, 5:]
    valid = conf >= conf_thres
    score = conf * cls_scores.max(1)
    order = jnp.argsort(jnp.where(valid, -score, jnp.inf))
    class_confs = cls_scores.max(1).astype(jnp.float32)
    class_preds = cls_scores.argmax(1).astype(jnp.float32)
    dets = jnp.concatenate(
        [boxes, conf[:, None], class_confs[:, None], class_preds[:, None]], 1
    )[order]
    alive0 = valid[order]

    def cond(state):
        alive, kept, kmask, k = state
        return jnp.any(alive)

    def body(state):
        alive, kept, kmask, k = state
        idx = jnp.argmax(alive)
        box = dets[idx]
        iou = bbox_iou(box[:4], dets[:, :4])
        invalid = (iou > nms_thres) & (box[6] == dets[:, 6]) & alive
        w = jnp.where(invalid, dets[:, 4], 0.0)
        merged = jnp.concatenate(
            [(w[:, None] * dets[:, :4]).sum(0) / w.sum(), box[4:]]
        )
        kept = kept.at[k].set(merged)
        kmask = kmask.at[k].set(True)
        return alive & ~invalid, kept, kmask, k + 1

    kept0 = jnp.zeros((n, 7), jnp.float32)
    kmask0 = jnp.zeros((n,), bool)
    _, kept, kmask, _ = jax.lax.while_loop(
        cond, body, (alive0, kept0, kmask0, jnp.int32(0))
    )
    return kept, kmask


def build_features(x):
    def one_image(pred_img):
        kept, kmask = non_max_suppression(pred_img, CONF_THRES, NMS_THRES)
        s = jnp.where(kmask, kept[:, 4], 0.0)

        def tile_idx(col):
            # NOTE: replicates the original bug where max(.,0) is overwritten by min(.,T-1);
            # negative tile indices wrap (numpy/torch negative indexing), faithful to torch.
            t = jnp.minimum(jnp.floor(col / TILE_SIZE).astype(jnp.int32), NUM_TILES - 1)
            return jnp.mod(t, NUM_TILES)

        xt = tile_idx(kept[:, 0])
        yt = tile_idx(kept[:, 1])
        xt2 = tile_idx(kept[:, 3])
        yt2 = tile_idx(kept[:, 4])
        c = kept[:, 6].astype(jnp.int32)
        xi = jnp.zeros((NUM_TILES, NUM_CLASSES), jnp.float32)
        yi = jnp.zeros((NUM_TILES, NUM_CLASSES), jnp.float32)
        xi = xi.at[xt, c].add(s)
        yi = yi.at[yt, c].add(s)
        xi = xi.at[xt2, c].add(jnp.where(xt != xt2, s, 0.0))
        yi = yi.at[yt2, c].add(jnp.where(yt != yt2, s, 0.0))
        return xi.reshape(-1), yi.reshape(-1)

    return jax.vmap(one_image)(x)


def mlp(f, W1, b1, W2, b2, W3, b3, W4, b4):
    # Dropout layers are identity in eval mode.
    h = jnp.maximum(f @ W1 + b1, 0.0)
    h = jnp.maximum(h @ W2 + b2, 0.0)
    h = jnp.maximum(h @ W3 + b3, 0.0)
    return h @ W4 + b4


def setup_inputs(seed: int = 0):
    key = jax.random.key(seed)
    ks = jax.random.split(key, 17)

    def w(k, shape):
        return jax.random.normal(k, shape, dtype=jnp.float32) * 0.05

    d_in = NUM_CLASSES * NUM_TILES
    inp = {'x': jax.random.uniform(ks[0], (B, N, 5 + NUM_CLASSES), dtype=jnp.float32)}
    dims = [(d_in, 64), (64, 32), (32, 24), (24, NUM_TILES)]
    k_i = 1
    for pre in ['x', 'y']:
        for li, (di, do) in enumerate(dims):
            inp['W' + pre + str(li + 1)] = w(ks[k_i], (di, do)); k_i += 1
            inp['b' + pre + str(li + 1)] = w(ks[k_i], (do,)); k_i += 1
    return inp


def reference(x, Wx1, bx1, Wx2, bx2, Wx3, bx3, Wx4, bx4, Wy1, by1, Wy2, by2, Wy3, by3, Wy4, by4):
    fx, fy = build_features(x)
    out_x = mlp(fx, Wx1, bx1, Wx2, bx2, Wx3, bx3, Wx4, bx4)
    out_y = mlp(fy, Wy1, by1, Wy2, by2, Wy3, by3, Wy4, by4)
    return (out_x, out_y, jnp.asarray(0.0, dtype=jnp.float32))

if __name__ == "__main__":
    import jax
    _d = setup_inputs()
    print(jax.jit(kernel)(*tuple(_d.values())))

</pallas_src>

<mosaic_0001>
#map = affine_map<(d0, d1) -> (0, 0)>
#map1 = affine_map<(d0, d1) -> (0, 0, 0)>
module attributes {stable_mosaic.version = 14 : i64} {
  func.func @k(%arg0: i32, %arg1: i32, %arg2: memref<16x160000xf32, #tpu.memory_space<hbm>>, %arg3: memref<48x2x16xf32, #tpu.memory_space<hbm>>, %arg4: memref<3200xf32, #tpu.memory_space<vmem>>, %arg5: memref<3200xf32, #tpu.memory_space<vmem>>, %arg6: memref<20032xf32, #tpu.memory_space<vmem>>, %arg7: memref<20032xf32, #tpu.memory_space<vmem>>, %arg8: memref<20032xf32, #tpu.memory_space<vmem>>, %arg9: memref<20032xf32, #tpu.memory_space<vmem>>, %arg10: memref<20032xf32, #tpu.memory_space<vmem>>, %arg11: memref<20032xf32, #tpu.memory_space<vmem>>, %arg12: memref<2x16xf32, #tpu.memory_space<vmem>>, %arg13: memref<!tpu.dma_semaphore, #tpu.memory_space<semaphore_mem>>, %arg14: memref<!tpu.dma_semaphore, #tpu.memory_space<semaphore_mem>>) attributes {dimension_semantics = [#tpu.dimension_semantics<core_parallel>, #tpu.dimension_semantics<subcore_parallel>], iteration_bounds = array<i64: 2, 16>, scalar_prefetch = 0 : i64, scratch_operands = 11 : i64, tpu.core_type = #tpu.core_type<sc_vector_subcore>, window_params = [{transform_indices = #map}, {transform_indices = #map1}]} {
    %mul3A = arith.constant 2 : i32
    %mul3A_0 = arith.muli %arg1, %mul3A : i32
    %add3A = arith.addi %mul3A_0, %arg0 : i32
    %jit3A = arith.constant 3 : i32
    %div3A = arith.divsi %add3A, %jit3A : i32
    %sign3A = arith.constant 0 : i32
    %sign3A_1 = arith.cmpi sgt, %add3A, %sign3A : i32
    %sign3A_2 = arith.extui %sign3A_1 : i1 to i32
    %sign3A_3 = arith.constant 0 : i32
    %sign3A_4 = arith.cmpi slt, %add3A, %sign3A_3 : i32
    %sign3A_5 = arith.extui %sign3A_4 : i1 to i32
    %sign3A_6 = arith.subi %sign3A_2, %sign3A_5 : i32
    %sign3A_7 = arith.constant 0 : i32
    %sign3A_8 = arith.cmpi sgt, %jit3A, %sign3A_7 : i32
    %sign3A_9 = arith.extui %sign3A_8 : i1 to i32
    %sign3A_10 = arith.constant 0 : i32
    %sign3A_11 = arith.cmpi slt, %jit3A, %sign3A_10 : i32
    %sign3A_12 = arith.extui %sign3A_11 : i1 to i32
    %sign3A_13 = arith.subi %sign3A_9, %sign3A_12 : i32
    %ne3A = arith.cmpi ne, %sign3A_6, %sign3A_13 : i32
    %rem3A = arith.remsi %add3A, %jit3A : i32
    %ne3A_14 = arith.constant 0 : i32
    %ne3A_15 = arith.cmpi ne, %rem3A, %ne3A_14 : i32
    %and3A = arith.andi %ne3A, %ne3A_15 : i1
    %sub3A = arith.constant 1 : i32
    %sub3A_16 = arith.subi %div3A, %sub3A : i32
    %select_n3A = arith.select %and3A, %sub3A_16, %div3A : i32
    %jit3A_17 = arith.constant 3 : i32
    %eq3A = arith.constant 0 : i32
    %eq3A_18 = arith.cmpi eq, %jit3A_17, %eq3A : i32
    %jit3A_19 = arith.constant 1 : i32
    %select_n3A_20 = arith.select %eq3A_18, %jit3A_19, %jit3A_17 : i32
    %rem3A_21 = arith.remsi %add3A, %select_n3A_20 : i32
    %ne3A_22 = arith.constant 0 : i32
    %ne3A_23 = arith.cmpi ne, %rem3A_21, %ne3A_22 : i32
    %lt3A = arith.constant 0 : i32
    %lt3A_24 = arith.cmpi slt, %rem3A_21, %lt3A : i32
    %lt3A_25 = arith.constant 0 : i32
    %lt3A_26 = arith.cmpi slt, %select_n3A_20, %lt3A_25 : i32
    %ne3A_27 = arith.xori %lt3A_24, %lt3A_26 : i1
    %and3A_28 = arith.andi %ne3A_27, %ne3A_23 : i1
    %add3A_29 = arith.addi %rem3A_21, %select_n3A_20 : i32
    %select_n3A_30 = arith.select %and3A_28, %add3A_29, %rem3A_21 : i32
    %broadcast_in_dim3A = vector.broadcast %select_n3A_30 : i32 to vector<16xi32>
    %iota3A = tpu.iota {dimensions = array<i32: 0>} : vector<16xi32>
    %mul3A_31 = arith.constant 8 : i32
    %mul3A_32 = vector.broadcast %mul3A_31 : i32 to vector<16xi32>
    %mul3A_33 = arith.muli %iota3A, %mul3A_32 : vector<16xi32>
    %dma_start3A = arith.constant 0 : i32
    %dma_start3A_34 = tpu.memref_slice %arg2[%select_n3A, %dma_start3A] : memref<16x160000xf32, #tpu.memory_space<hbm>> -> memref<1x3200xf32, #tpu.memory_space<hbm>>
    %dma_start3A_35 = tpu.memref_squeeze %dma_start3A_34 : memref<1x3200xf32, #tpu.memory_space<hbm>> -> memref<3200xf32, #tpu.memory_space<hbm>>
    %dma_start3A_36 = arith.constant 0 : i32
    %dma_start3A_37 = tpu.memref_slice %arg2[%select_n3A, %dma_start3A_36] : memref<16x160000xf32, #tpu.memory_space<hbm>> -> memref<1x3200xf32, #tpu.memory_space<hbm>>
    %dma_start3A_38 = tpu.memref_squeeze %dma_start3A_37 : memref<1x3200xf32, #tpu.memory_space<hbm>> -> memref<3200xf32, #tpu.memory_space<hbm>>
    tpu.enqueue_dma source(%dma_start3A_38 : memref<3200xf32, #tpu.memory_space<hbm>>) target(%arg4 : memref<3200xf32, #tpu.memory_space<vmem>>) target_semaphore(%arg13 : memref<!tpu.dma_semaphore, #tpu.memory_space<semaphore_mem>>)
    %broadcast_in_dim3A_39 = arith.constant 0 : i32
    %broadcast_in_dim3A_40 = vector.broadcast %broadcast_in_dim3A_39 : i32 to vector<16xi32>
    %scan3A = arith.constant 0 : i32
    %scan3A_41 = arith.constant 25 : i32
    %scan3A_42 = arith.addi %scan3A, %scan3A_41 : i32
    %scan3A_43 = arith.constant 1 : i32
    %scan3A_44 = scf.for %scan3A_124 = %scan3A to %scan3A_42 step %scan3A_43 iter_args(%scan3A_125 = %broadcast_in_dim3A_40) -> (vector<16xi32>)  : i32 {
      %mul3A_126 = arith.constant 2 : i32
      %mul3A_127 = arith.muli %mul3A_126, %scan3A_124 : i32
      %add3A_128 = arith.constant 1 : i32
      %add3A_129 = arith.addi %mul3A_127, %add3A_128 : i32
      %mul3A_130 = arith.constant 400 : i32
      %mul3A_131 = arith.muli %add3A_129, %mul3A_130 : i32
      %mul3A_132 = arith.constant 8 : i32
      %mul3A_133 = arith.muli %mul3A_131, %mul3A_132 : i32
      %dma_start3A_134 = tpu.memref_slice %arg2[%select_n3A, %mul3A_133] : memref<16x160000xf32, #tpu.memory_space<hbm>> -> memref<1x3200xf32, #tpu.memory_space<hbm>>
      %dma_start3A_135 = tpu.memref_squeeze %dma_start3A_134 : memref<1x3200xf32, #tpu.memory_space<hbm>> -> memref<3200xf32, #tpu.memory_space<hbm>>
      %dma_start3A_136 = tpu.memref_slice %arg2[%select_n3A, %mul3A_133] : memref<16x160000xf32, #tpu.memory_space<hbm>> -> memref<1x3200xf32, #tpu.memory_space<hbm>>
      %dma_start3A_137 = tpu.memref_squeeze %dma_start3A_136 : memref<1x3200xf32, #tpu.memory_space<hbm>> -> memref<3200xf32, #tpu.memory_space<hbm>>
      tpu.enqueue_dma source(%dma_start3A_137 : memref<3200xf32, #tpu.memory_space<hbm>>) target(%arg5 : memref<3200xf32, #tpu.memory_space<vmem>>) target_semaphore(%arg14 : memref<!tpu.dma_semaphore, #tpu.memory_space<semaphore_mem>>)
      %mul3A_138 = arith.constant 400 : i32
      %mul3A_139 = arith.muli %mul3A_127, %mul3A_138 : i32
      %mul3A_140 = arith.constant 8 : i32
      %mul3A_141 = arith.muli %mul3A_139, %mul3A_140 : i32
      %dma_wait3A = tpu.memref_slice %arg2[%select_n3A, %mul3A_141] : memref<16x160000xf32, #tpu.memory_space<hbm>> -> memref<1x3200xf32, #tpu.memory_space<hbm>>
      %dma_wait3A_142 = tpu.memref_squeeze %dma_wait3A : memref<1x3200xf32, #tpu.memory_space<hbm>> -> memref<3200xf32, #tpu.memory_space<hbm>>
      %dma_wait3A_143 = tpu.memref_slice %arg2[%select_n3A, %mul3A_141] : memref<16x160000xf32, #tpu.memory_space<hbm>> -> memref<1x3200xf32, #tpu.memory_space<hbm>>
      %dma_wait3A_144 = tpu.memref_squeeze %dma_wait3A_143 : memref<1x3200xf32, #tpu.memory_space<hbm>> -> memref<3200xf32, #tpu.memory_space<hbm>>
      tpu.wait_dma2 semaphore(%arg13 : memref<!tpu.dma_semaphore, #tpu.memory_space<semaphore_mem>>) src(%dma_wait3A_144 : memref<3200xf32, #tpu.memory_space<hbm>>) dst(%arg4 : memref<3200xf32, #tpu.memory_space<vmem>>)
      %scan3A_145 = arith.constant 0 : i32
      %scan3A_146 = arith.constant 25 : i32
      %scan3A_147 = arith.addi %scan3A_145, %scan3A_146 : i32
      %scan3A_148 = arith.constant 1 : i32
      %scan3A_149 = scf.for %scan3A_174 = %scan3A_145 to %scan3A_147 step %scan3A_148 iter_args(%scan3A_175 = %scan3A_125) -> (vector<16xi32>)  : i32 {
        %mul3A_176 = arith.constant 128 : i32
        %mul3A_177 = arith.muli %scan3A_174, %mul3A_176 : i32
        %add3A_178 = vector.broadcast %mul3A_177 : i32 to vector<16xi32>
        %add3A_179 = arith.addi %add3A_178, %mul3A_33 : vector<16xi32>
        %add3A_180 = arith.constant 0 : i32
        %add3A_181 = vector.broadcast %add3A_180 : i32 to vector<16xi32>
        %add3A_182 = arith.addi %add3A_179, %add3A_181 : vector<16xi32>
        %gather3A = tpu.vector_load_idx %arg4[%add3A_182] : memref<3200xf32, #tpu.memory_space<vmem>>[vector<16xi32>], vector<16xf32>,
        %add3A_183 = arith.constant 1 : i32
        %add3A_184 = vector.broadcast %add3A_183 : i32 to vector<16xi32>
        %add3A_185 = arith.addi %add3A_179, %add3A_184 : vector<16xi32>
        %gather3A_186 = tpu.vector_load_idx %arg4[%add3A_185] : memref<3200xf32, #tpu.memory_space<vmem>>[vector<16xi32>], vector<16xf32>,
        %add3A_187 = arith.constant 2 : i32
        %add3A_188 = vector.broadcast %add3A_187 : i32 to vector<16xi32>
        %add3A_189 = arith.addi %add3A_179, %add3A_188 : vector<16xi32>
        %gather3A_190 = tpu.vector_load_idx %arg4[%add3A_189] : memref<3200xf32, #tpu.memory_space<vmem>>[vector<16xi32>], vector<16xf32>,
        %add3A_191 = arith.constant 3 : i32
        %add3A_192 = vector.broadcast %add3A_191 : i32 to vector<16xi32>
        %add3A_193 = arith.addi %add3A_179, %add3A_192 : vector<16xi32>
        %gather3A_194 = tpu.vector_load_idx %arg4[%add3A_193] : memref<3200xf32, #tpu.memory_space<vmem>>[vector<16xi32>], vector<16xf32>,
        %add3A_195 = arith.constant 4 : i32
        %add3A_196 = vector.broadcast %add3A_195 : i32 to vector<16xi32>
        %add3A_197 = arith.addi %add3A_179, %add3A_196 : vector<16xi32>
        %gather3A_198 = tpu.vector_load_idx %arg4[%add3A_197] : memref<3200xf32, #tpu.memory_space<vmem>>[vector<16xi32>], vector<16xf32>,
        %add3A_199 = arith.constant 5 : i32
        %add3A_200 = vector.broadcast %add3A_199 : i32 to vector<16xi32>
        %add3A_201 = arith.addi %add3A_179, %add3A_200 : vector<16xi32>
        %gather3A_202 = tpu.vector_load_idx %arg4[%add3A_201] : memref<3200xf32, #tpu.memory_space<vmem>>[vector<16xi32>], vector<16xf32>,
        %add3A_203 = arith.constant 6 : i32
        %add3A_204 = vector.broadcast %add3A_203 : i32 to vector<16xi32>
        %add3A_205 = arith.addi %add3A_179, %add3A_204 : vector<16xi32>
        %gather3A_206 = tpu.vector_load_idx %arg4[%add3A_205] : memref<3200xf32, #tpu.memory_space<vmem>>[vector<16xi32>], vector<16xf32>,
        %add3A_207 = arith.constant 7 : i32
        %add3A_208 = vector.broadcast %add3A_207 : i32 to vector<16xi32>
        %add3A_209 = arith.addi %add3A_179, %add3A_208 : vector<16xi32>
        %gather3A_210 = tpu.vector_load_idx %arg4[%add3A_209] : memref<3200xf32, #tpu.memory_space<vmem>>[vector<16xi32>], vector<16xf32>,
        %mul3A_211 = arith.constant 5.000000e-01 : f32
        %mul3A_212 = vector.broadcast %mul3A_211 : f32 to vector<16xf32>
        %mul3A_213 = arith.mulf %gather3A_190, %mul3A_212 : vector<16xf32>
        %mul3A_214 = arith.constant 5.000000e-01 : f32
        %mul3A_215 = vector.broadcast %mul3A_214 : f32 to vector<16xf32>
        %mul3A_216 = arith.mulf %gather3A_194, %mul3A_215 : vector<16xf32>
        %max3A = arith.maximumf %gather3A_202, %gather3A_206 : vector<16xf32>
        %max3A_217 = arith.maximumf %max3A, %gather3A_210 : vector<16xf32>
        %ge3A = arith.cmpf oge, %gather3A_202, %gather3A_206 : vector<16xf32>
        %ge3A_218 = arith.cmpf oge, %gather3A_202, %gather3A_210 : vector<16xf32>
        %and3A_219 = arith.andi %ge3A, %ge3A_218 : vector<16xi1>
        %ge3A_220 = arith.cmpf oge, %gather3A_206, %gather3A_210 : vector<16xf32>
        %jit3A_221 = arith.constant 1 : i32
        %jit3A_222 = arith.constant 2 : i32
        %broadcast_in_dim3A_223 = vector.broadcast %jit3A_221 : i32 to vector<16xi32>
        %broadcast_in_dim3A_224 = vector.broadcast %jit3A_222 : i32 to vector<16xi32>
        %select_n3A_225 = arith.select %ge3A_220, %broadcast_in_dim3A_223, %broadcast_in_dim3A_224 : vector<16xi1>, vector<16xi32>
        %jit3A_226 = arith.constant 0 : i32
        %broadcast_in_dim3A_227 = vector.broadcast %jit3A_226 : i32 to vector<16xi32>
        %select_n3A_228 = arith.select %and3A_219, %broadcast_in_dim3A_227, %select_n3A_225 : vector<16xi1>, vector<16xi32>
        %ge3A_229 = arith.constant 3.000000e-01 : f32
        %ge3A_230 = vector.broadcast %ge3A_229 : f32 to vector<16xf32>
        %ge3A_231 = arith.cmpf oge, %gather3A_198, %ge3A_230 : vector<16xf32>
        %eq3A_232 = arith.cmpi eq, %select_n3A_228, %broadcast_in_dim3A : vector<16xi32>
        %and3A_233 = arith.andi %ge3A_231, %eq3A_232 : vector<16xi1>
        %jit3A_234 = arith.constant 1 : i32
        %jit3A_235 = arith.constant 0 : i32
        %broadcast_in_dim3A_236 = vector.broadcast %jit3A_234 : i32 to vector<16xi32>
        %broadcast_in_dim3A_237 = vector.broadcast %jit3A_235 : i32 to vector<16xi32>
        %select_n3A_238 = arith.select %and3A_233, %broadcast_in_dim3A_236, %broadcast_in_dim3A_237 : vector<16xi1>, vector<16xi32>
        %broadcast_in_dim3A_239 = arith.constant true
        %broadcast_in_dim3A_240 = vector.broadcast %broadcast_in_dim3A_239 : i1 to vector<16xi1>
        %masked_cumsum3A = tpu.scan <sum>, %select_n3A_238 masked %broadcast_in_dim3A_240 : vector<16xi32>, vector<16xi1> -> vector<16xi32>
        %add3A_241 = arith.addi %scan3A_175, %masked_cumsum3A : vector<16xi32>
        %sub3A_242 = arith.constant 1 : i32
        %sub3A_243 = vector.broadcast %sub3A_242 : i32 to vector<16xi32>
        %sub3A_244 = arith.subi %add3A_241, %sub3A_243 : vector<16xi32>
        %sub3A_245 = arith.subf %gather3A, %mul3A_213 : vector<16xf32>
        tpu.vector_store_idx %arg6[%sub3A_244], %sub3A_245 masked %and3A_233 : memref<20032xf32, #tpu.memory_space<vmem>>[vector<16xi32>], vector<16xf32>, vector<16xi1>
        %sub3A_246 = arith.subf %gather3A_186, %mul3A_216 : vector<16xf32>
        tpu.vector_store_idx %arg7[%sub3A_244], %sub3A_246 masked %and3A_233 : memref<20032xf32, #tpu.memory_space<vmem>>[vector<16xi32>], vector<16xf32>, vector<16xi1>
        %add3A_247 = arith.addf %gather3A, %mul3A_213 : vector<16xf32>
        tpu.vector_store_idx %arg8[%sub3A_244], %add3A_247 masked %and3A_233 : memref<20032xf32, #tpu.memory_space<vmem>>[vector<16xi32>], vector<16xf32>, vector<16xi1>
        %add3A_248 = arith.addf %gather3A_186, %mul3A_216 : vector<16xf32>
        tpu.vector_store_idx %arg9[%sub3A_244], %add3A_248 masked %and3A_233 : memref<20032xf32, #tpu.memory_space<vmem>>[vector<16xi32>], vector<16xf32>, vector<16xi1>
        tpu.vector_store_idx %arg10[%sub3A_244], %gather3A_198 masked %and3A_233 : memref<20032xf32, #tpu.memory_space<vmem>>[vector<16xi32>], vector<16xf32>, vector<16xi1>
        %mul3A_249 = arith.mulf %gather3A_198, %max3A_217 : vector<16xf32>
        tpu.vector_store_idx %arg11[%sub3A_244], %mul3A_249 masked %and3A_233 : memref<20032xf32, #tpu.memory_space<vmem>>[vector<16xi32>], vector<16xf32>, vector<16xi1>
        %all_reduce_population_count3A = tpu.all_reduce %and3A_233 {dim = 0 : i64, kind = #tpu.reduction_kind<sum>} : vector<16xi1> -> vector<16xi32>
        %add3A_250 = arith.addi %scan3A_175, %all_reduce_population_count3A : vector<16xi32>
        scf.yield %add3A_250 : vector<16xi32>
      }
      %scan3A_150 = arith.constant 25 : i32
      %add3A_151 = arith.constant 2 : i32
      %add3A_152 = arith.addi %mul3A_127, %add3A_151 : i32
      %lt3A_153 = arith.constant 50 : i32
      %lt3A_154 = arith.cmpi slt, %add3A_152, %lt3A_153 : i32
      %convert_element_type3A_155 = arith.extui %lt3A_154 : i1 to i32
      %cond3A_156 = arith.constant 0 : i32
      %cond3A_157 = arith.cmpi ne, %convert_element_type3A_155, %cond3A_156 : i32
      scf.if %cond3A_157 {
        %add3A_174 = arith.constant 2 : i32
        %add3A_175 = arith.addi %mul3A_127, %add3A_174 : i32
        %mul3A_176 = arith.constant 400 : i32
        %mul3A_177 = arith.muli %add3A_175, %mul3A_176 : i32
        %mul3A_178 = arith.constant 8 : i32
        %mul3A_179 = arith.muli %mul3A_177, %mul3A_178 : i32
        %dma_start3A_180 = tpu.memref_slice %arg2[%select_n3A, %mul3A_179] : memref<16x160000xf32, #tpu.memory_space<hbm>> -> memref<1x3200xf32, #tpu.memory_space<hbm>>
        %dma_start3A_181 = tpu.memref_squeeze %dma_start3A_180 : memref<1x3200xf32, #tpu.memory_space<hbm>> -> memref<3200xf32, #tpu.memory_space<hbm>>
        %dma_start3A_182 = tpu.memref_slice %arg2[%select_n3A, %mul3A_179] : memref<16x160000xf32, #tpu.memory_space<hbm>> -> memref<1x3200xf32, #tpu.memory_space<hbm>>
        %dma_start3A_183 = tpu.memref_squeeze %dma_start3A_182 : memref<1x3200xf32, #tpu.memory_space<hbm>> -> memref<3200xf32, #tpu.memory_space<hbm>>
        tpu.enqueue_dma source(%dma_start3A_183 : memref<3200xf32, #tpu.memory_space<hbm>>) target(%arg4 : memref<3200xf32, #tpu.memory_space<vmem>>) target_semaphore(%arg13 : memref<!tpu.dma_semaphore, #tpu.memory_space<semaphore_mem>>)
      } else {
      }
      %add3A_158 = arith.constant 1 : i32
      %add3A_159 = arith.addi %mul3A_127, %add3A_158 : i32
      %mul3A_160 = arith.constant 400 : i32
      %mul3A_161 = arith.muli %add3A_159, %mul3A_160 : i32
      %mul3A_162 = arith.constant 8 : i32
      %mul3A_163 = arith.muli %mul3A_161, %mul3A_162 : i32
      %dma_wait3A_164 = tpu.memref_slice %arg2[%select_n3A, %mul3A_163] : memref<16x160000xf32, #tpu.memory_space<hbm>> -> memref<1x3200xf32, #tpu.memory_space<hbm>>
      %dma_wait3A_165 = tpu.memref_squeeze %dma_wait3A_164 : memref<1x3200xf32, #tpu.memory_space<hbm>> -> memref<3200xf32, #tpu.memory_space<hbm>>
      %dma_wait3A_166 = tpu.memref_slice %arg2[%select_n3A, %mul3A_163] : memref<16x160000xf32, #tpu.memory_space<hbm>> -> memref<1x3200xf32, #tpu.memory_space<hbm>>
      %dma_wait3A_167 = tpu.memref_squeeze %dma_wait3A_166 : memref<1x3200xf32, #tpu.memory_space<hbm>> -> memref<3200xf32, #tpu.memory_space<hbm>>
      tpu.wait_dma2 semaphore(%arg14 : memref<!tpu.dma_semaphore, #tpu.memory_space<semaphore_mem>>) src(%dma_wait3A_167 : memref<3200xf32, #tpu.memory_space<hbm>>) dst(%arg5 : memref<3200xf32, #tpu.memory_space<vmem>>)
      %scan3A_168 = arith.constant 0 : i32
      %scan3A_169 = arith.constant 25 : i32
      %scan3A_170 = arith.addi %scan3A_168, %scan3A_169 : i32
      %scan3A_171 = arith.constant 1 : i32
      %scan3A_172 = scf.for %scan3A_174 = %scan3A_168 to %scan3A_170 step %scan3A_171 iter_args(%scan3A_175 = %scan3A_149) -> (vector<16xi32>)  : i32 {
        %mul3A_176 = arith.constant 128 : i32
        %mul3A_177 = arith.muli %scan3A_174, %mul3A_176 : i32
        %add3A_178 = vector.broadcast %mul3A_177 : i32 to vector<16xi32>
        %add3A_179 = arith.addi %add3A_178, %mul3A_33 : vector<16xi32>
        %add3A_180 = arith.constant 0 : i32
        %add3A_181 = vector.broadcast %add3A_180 : i32 to vector<16xi32>
        %add3A_182 = arith.addi %add3A_179, %add3A_181 : vector<16xi32>
        %gather3A = tpu.vector_load_idx %arg5[%add3A_182] : memref<3200xf32, #tpu.memory_space<vmem>>[vector<16xi32>], vector<16xf32>,
        %add3A_183 = arith.constant 1 : i32
        %add3A_184 = vector.broadcast %add3A_183 : i32 to vector<16xi32>
        %add3A_185 = arith.addi %add3A_179, %add3A_184 : vector<16xi32>
        %gather3A_186 = tpu.vector_load_idx %arg5[%add3A_185] : memref<3200xf32, #tpu.memory_space<vmem>>[vector<16xi32>], vector<16xf32>,
        %add3A_187 = arith.constant 2 : i32
        %add3A_188 = vector.broadcast %add3A_187 : i32 to vector<16xi32>
        %add3A_189 = arith.addi %add3A_179, %add3A_188 : vector<16xi32>
        %gather3A_190 = tpu.vector_load_idx %arg5[%add3A_189] : memref<3200xf32, #tpu.memory_space<vmem>>[vector<16xi32>], vector<16xf32>,
        %add3A_191 = arith.constant 3 : i32
        %add3A_192 = vector.broadcast %add3A_191 : i32 to vector<16xi32>
        %add3A_193 = arith.addi %add3A_179, %add3A_192 : vector<16xi32>
        %gather3A_194 = tpu.vector_load_idx %arg5[%add3A_193] : memref<3200xf32, #tpu.memory_space<vmem>>[vector<16xi32>], vector<16xf32>,
        %add3A_195 = arith.constant 4 : i32
        %add3A_196 = vector.broadcast %add3A_195 : i32 to vector<16xi32>
        %add3A_197 = arith.addi %add3A_179, %add3A_196 : vector<16xi32>
        %gather3A_198 = tpu.vector_load_idx %arg5[%add3A_197] : memref<3200xf32, #tpu.memory_space<vmem>>[vector<16xi32>], vector<16xf32>,
        %add3A_199 = arith.constant 5 : i32
        %add3A_200 = vector.broadcast %add3A_199 : i32 to vector<16xi32>
        %add3A_201 = arith.addi %add3A_179, %add3A_200 : vector<16xi32>
        %gather3A_202 = tpu.vector_load_idx %arg5[%add3A_201] : memref<3200xf32, #tpu.memory_space<vmem>>[vector<16xi32>], vector<16xf32>,
        %add3A_203 = arith.constant 6 : i32
        %add3A_204 = vector.broadcast %add3A_203 : i32 to vector<16xi32>
        %add3A_205 = arith.addi %add3A_179, %add3A_204 : vector<16xi32>
        %gather3A_206 = tpu.vector_load_idx %arg5[%add3A_205] : memref<3200xf32, #tpu.memory_space<vmem>>[vector<16xi32>], vector<16xf32>,
        %add3A_207 = arith.constant 7 : i32
        %add3A_208 = vector.broadcast %add3A_207 : i32 to vector<16xi32>
        %add3A_209 = arith.addi %add3A_179, %add3A_208 : vector<16xi32>
        %gather3A_210 = tpu.vector_load_idx %arg5[%add3A_209] : memref<3200xf32, #tpu.memory_space<vmem>>[vector<16xi32>], vector<16xf32>,
        %mul3A_211 = arith.constant 5.000000e-01 : f32
        %mul3A_212 = vector.broadcast %mul3A_211 : f32 to vector<16xf32>
        %mul3A_213 = arith.mulf %gather3A_190, %mul3A_212 : vector<16xf32>
        %mul3A_214 = arith.constant 5.000000e-01 : f32
        %mul3A_215 = vector.broadcast %mul3A_214 : f32 to vector<16xf32>
        %mul3A_216 = arith.mulf %gather3A_194, %mul3A_215 : vector<16xf32>
        %max3A = arith.maximumf %gather3A_202, %gather3A_206 : vector<16xf32>
        %max3A_217 = arith.maximumf %max3A, %gather3A_210 : vector<16xf32>
        %ge3A = arith.cmpf oge, %gather3A_202, %gather3A_206 : vector<16xf32>
        %ge3A_218 = arith.cmpf oge, %gather3A_202, %gather3A_210 : vector<16xf32>
        %and3A_219 = arith.andi %ge3A, %ge3A_218 : vector<16xi1>
        %ge3A_220 = arith.cmpf oge, %gather3A_206, %gather3A_210 : vector<16xf32>
        %jit3A_221 = arith.constant 1 : i32
        %jit3A_222 = arith.constant 2 : i32
        %broadcast_in_dim3A_223 = vector.broadcast %jit3A_221 : i32 to vector<16xi32>
        %broadcast_in_dim3A_224 = vector.broadcast %jit3A_222 : i32 to vector<16xi32>
        %select_n3A_225 = arith.select %ge3A_220, %broadcast_in_dim3A_223, %broadcast_in_dim3A_224 : vector<16xi1>, vector<16xi32>
        %jit3A_226 = arith.constant 0 : i32
        %broadcast_in_dim3A_227 = vector.broadcast %jit3A_226 : i32 to vector<16xi32>
        %select_n3A_228 = arith.select %and3A_219, %broadcast_in_dim3A_227, %select_n3A_225 : vector<16xi1>, vector<16xi32>
        %ge3A_229 = arith.constant 3.000000e-01 : f32
        %ge3A_230 = vector.broadcast %ge3A_229 : f32 to vector<16xf32>
        %ge3A_231 = arith.cmpf oge, %gather3A_198, %ge3A_230 : vector<16xf32>
        %eq3A_232 = arith.cmpi eq, %select_n3A_228, %broadcast_in_dim3A : vector<16xi32>
        %and3A_233 = arith.andi %ge3A_231, %eq3A_232 : vector<16xi1>
        %jit3A_234 = arith.constant 1 : i32
        %jit3A_235 = arith.constant 0 : i32
        %broadcast_in_dim3A_236 = vector.broadcast %jit3A_234 : i32 to vector<16xi32>
        %broadcast_in_dim3A_237 = vector.broadcast %jit3A_235 : i32 to vector<16xi32>
        %select_n3A_238 = arith.select %and3A_233, %broadcast_in_dim3A_236, %broadcast_in_dim3A_237 : vector<16xi1>, vector<16xi32>
        %broadcast_in_dim3A_239 = arith.constant true
        %broadcast_in_dim3A_240 = vector.broadcast %broadcast_in_dim3A_239 : i1 to vector<16xi1>
        %masked_cumsum3A = tpu.scan <sum>, %select_n3A_238 masked %broadcast_in_dim3A_240 : vector<16xi32>, vector<16xi1> -> vector<16xi32>
        %add3A_241 = arith.addi %scan3A_175, %masked_cumsum3A : vector<16xi32>
        %sub3A_242 = arith.constant 1 : i32
        %sub3A_243 = vector.broadcast %sub3A_242 : i32 to vector<16xi32>
        %sub3A_244 = arith.subi %add3A_241, %sub3A_243 : vector<16xi32>
        %sub3A_245 = arith.subf %gather3A, %mul3A_213 : vector<16xf32>
        tpu.vector_store_idx %arg6[%sub3A_244], %sub3A_245 masked %and3A_233 : memref<20032xf32, #tpu.memory_space<vmem>>[vector<16xi32>], vector<16xf32>, vector<16xi1>
        %sub3A_246 = arith.subf %gather3A_186, %mul3A_216 : vector<16xf32>
        tpu.vector_store_idx %arg7[%sub3A_244], %sub3A_246 masked %and3A_233 : memref<20032xf32, #tpu.memory_space<vmem>>[vector<16xi32>], vector<16xf32>, vector<16xi1>
        %add3A_247 = arith.addf %gather3A, %mul3A_213 : vector<16xf32>
        tpu.vector_store_idx %arg8[%sub3A_244], %add3A_247 masked %and3A_233 : memref<20032xf32, #tpu.memory_space<vmem>>[vector<16xi32>], vector<16xf32>, vector<16xi1>
        %add3A_248 = arith.addf %gather3A_186, %mul3A_216 : vector<16xf32>
        tpu.vector_store_idx %arg9[%sub3A_244], %add3A_248 masked %and3A_233 : memref<20032xf32, #tpu.memory_space<vmem>>[vector<16xi32>], vector<16xf32>, vector<16xi1>
        tpu.vector_store_idx %arg10[%sub3A_244], %gather3A_198 masked %and3A_233 : memref<20032xf32, #tpu.memory_space<vmem>>[vector<16xi32>], vector<16xf32>, vector<16xi1>
        %mul3A_249 = arith.mulf %gather3A_198, %max3A_217 : vector<16xf32>
        tpu.vector_store_idx %arg11[%sub3A_244], %mul3A_249 masked %and3A_233 : memref<20032xf32, #tpu.memory_space<vmem>>[vector<16xi32>], vector<16xf32>, vector<16xi1>
        %all_reduce_population_count3A = tpu.all_reduce %and3A_233 {dim = 0 : i64, kind = #tpu.reduction_kind<sum>} : vector<16xi1> -> vector<16xi32>
        %add3A_250 = arith.addi %scan3A_175, %all_reduce_population_count3A : vector<16xi32>
        scf.yield %add3A_250 : vector<16xi32>
      }
      %scan3A_173 = arith.constant 25 : i32
      scf.yield %scan3A_172 : vector<16xi32>
    }
    %scan3A_45 = arith.constant 25 : i32
    %reduce_sum3A = arith.constant true
    %reduce_sum3A_46 = vector.broadcast %reduce_sum3A : i1 to vector<16xi1>
    %reduce_sum3A_47 = tpu.scan <sum>, %scan3A_44 masked %reduce_sum3A_46 : vector<16xi32>, vector<16xi1> -> vector<16xi32>
    %reduce_sum3A_48 = vector.extract %reduce_sum3A_47[15] : i32 from vector<16xi32>
    %shift_right_arithmetic3A = arith.constant 4 : i32
    %shift_right_arithmetic3A_49 = arith.shrsi %reduce_sum3A_48, %shift_right_arithmetic3A : i32
    %broadcast_in_dim3A_50 = arith.constant -1.000000e+00 : f32
    %broadcast_in_dim3A_51 = vector.broadcast %broadcast_in_dim3A_50 : f32 to vector<16xf32>
    %swap3A = arith.index_cast %shift_right_arithmetic3A_49 : i32 to index
    %swap3A_52 = tpu.vector_load %arg11[%swap3A] {strides = array<i32>} : memref<20032xf32, #tpu.memory_space<vmem>>, vector<16xf32>,
    tpu.vector_store %arg11[%swap3A], %broadcast_in_dim3A_51 {strides = array<i32>} : memref<20032xf32, #tpu.memory_space<vmem>>, vector<16xf32>,
    %add3A_53 = arith.constant 15 : i32
    %add3A_54 = arith.addi %shift_right_arithmetic3A_49, %add3A_53 : i32
    %jit3A_55 = arith.constant 16 : i32
    %div3A_56 = arith.divsi %add3A_54, %jit3A_55 : i32
    %sign3A_57 = arith.constant 0 : i32
    %sign3A_58 = arith.cmpi sgt, %add3A_54, %sign3A_57 : i32
    %sign3A_59 = arith.extui %sign3A_58 : i1 to i32
    %sign3A_60 = arith.constant 0 : i32
    %sign3A_61 = arith.cmpi slt, %add3A_54, %sign3A_60 : i32
    %sign3A_62 = arith.extui %sign3A_61 : i1 to i32
    %sign3A_63 = arith.subi %sign3A_59, %sign3A_62 : i32
    %sign3A_64 = arith.constant 0 : i32
    %sign3A_65 = arith.cmpi sgt, %jit3A_55, %sign3A_64 : i32
    %sign3A_66 = arith.extui %sign3A_65 : i1 to i32
    %sign3A_67 = arith.constant 0 : i32
    %sign3A_68 = arith.cmpi slt, %jit3A_55, %sign3A_67 : i32
    %sign3A_69 = arith.extui %sign3A_68 : i1 to i32
    %sign3A_70 = arith.subi %sign3A_66, %sign3A_69 : i32
    %ne3A_71 = arith.cmpi ne, %sign3A_63, %sign3A_70 : i32
    %rem3A_72 = arith.remsi %add3A_54, %jit3A_55 : i32
    %ne3A_73 = arith.constant 0 : i32
    %ne3A_74 = arith.cmpi ne, %rem3A_72, %ne3A_73 : i32
    %and3A_75 = arith.andi %ne3A_71, %ne3A_74 : i1
    %sub3A_76 = arith.constant 1 : i32
    %sub3A_77 = arith.subi %div3A_56, %sub3A_76 : i32
    %select_n3A_78 = arith.select %and3A_75, %sub3A_77, %div3A_56 : i32
    %broadcast_in_dim3A_79 = arith.constant -1.000000e+00 : f32
    %broadcast_in_dim3A_80 = vector.broadcast %broadcast_in_dim3A_79 : f32 to vector<16xf32>
    %broadcast_in_dim3A_81 = arith.constant 0 : i32
    %broadcast_in_dim3A_82 = vector.broadcast %broadcast_in_dim3A_81 : i32 to vector<16xi32>
    %while3A = arith.constant 0 : i32
    %while3A_83 = arith.subi %select_n3A_78, %while3A : i32
    %while3A_84 = arith.addi %while3A, %while3A_83 : i32
    %while3A_85 = arith.constant 1 : i32
    %while3A_86 = arith.divsi %while3A_83, %while3A_85 : i32
    %while3A_87 = arith.muli %while3A_86, %while3A_85 : i32
    %while3A_88 = arith.addi %while3A, %while3A_87 : i32
    %while3A_89 = arith.constant 1 : i32
    %while3A_90:2 = scf.for %while3A_124 = %while3A to %while3A_88 step %while3A_89 iter_args(%while3A_125 = %broadcast_in_dim3A_80, %while3A_126 = %broadcast_in_dim3A_82) -> (vector<16xf32>, vector<16xi32>)  : i32 {
      %mul3A_127 = arith.constant 16 : i32
      %mul3A_128 = arith.muli %while3A_124, %mul3A_127 : i32
      %get3A = arith.index_cast %mul3A_128 : i32 to index
      %get3A_129 = tpu.vector_load %arg11[%get3A] {strides = array<i32>} : memref<20032xf32, #tpu.memory_space<vmem>>, vector<16xf32>,
      %gt3A = arith.cmpf ogt, %get3A_129, %while3A_125 : vector<16xf32>
      %select_n3A_130 = arith.select %gt3A, %get3A_129, %while3A_125 : vector<16xi1>, vector<16xf32>
      %mul3A_131 = arith.constant 16 : i32
      %mul3A_132 = arith.muli %while3A_124, %mul3A_131 : i32
      %add3A_133 = vector.broadcast %mul3A_132 : i32 to vector<16xi32>
      %add3A_134 = arith.addi %add3A_133, %iota3A : vector<16xi32>
      %select_n3A_135 = arith.select %gt3A, %add3A_134, %while3A_126 : vector<16xi1>, vector<16xi32>
      scf.yield %select_n3A_130, %select_n3A_135 : vector<16xf32>, vector<16xi32>
    }
    %while3A_91 = arith.constant 1 : i32
    %while3A_92:2 = scf.for %while3A_124 = %while3A_88 to %while3A_84 step %while3A_91 iter_args(%while3A_125 = %while3A_90#0, %while3A_126 = %while3A_90#1) -> (vector<16xf32>, vector<16xi32>)  : i32 {
      %mul3A_127 = arith.constant 16 : i32
      %mul3A_128 = arith.muli %while3A_124, %mul3A_127 : i32
      %get3A = arith.index_cast %mul3A_128 : i32 to index
      %get3A_129 = tpu.vector_load %arg11[%get3A] {strides = array<i32>} : memref<20032xf32, #tpu.memory_space<vmem>>, vector<16xf32>,
      %gt3A = arith.cmpf ogt, %get3A_129, %while3A_125 : vector<16xf32>
      %select_n3A_130 = arith.select %gt3A, %get3A_129, %while3A_125 : vector<16xi1>, vector<16xf32>
      %mul3A_131 = arith.constant 16 : i32
      %mul3A_132 = arith.muli %while3A_124, %mul3A_131 : i32
      %add3A_133 = vector.broadcast %mul3A_132 : i32 to vector<16xi32>
      %add3A_134 = arith.addi %add3A_133, %iota3A : vector<16xi32>
      %select_n3A_135 = arith.select %gt3A, %add3A_134, %while3A_126 : vector<16xi1>, vector<16xi32>
      scf.yield %select_n3A_130, %select_n3A_135 : vector<16xf32>, vector<16xi32>
    }
    %reduce_max3A = arith.constant true
    %reduce_max3A_93 = vector.broadcast %reduce_max3A : i1 to vector<16xi1>
    %reduce_max3A_94 = tpu.scan <max>, %while3A_92#0 masked %reduce_max3A_93 : vector<16xf32>, vector<16xi1> -> vector<16xf32>
    %reduce_max3A_95 = vector.extract %reduce_max3A_94[15] : f32 from vector<16xf32>
    %eq3A_96 = vector.broadcast %reduce_max3A_95 : f32 to vector<16xf32>
    %eq3A_97 = arith.cmpf oeq, %while3A_92#0, %eq3A_96 : vector<16xf32>
    %jit3A_98 = arith.constant 20032 : i32
    %broadcast_in_dim3A_99 = vector.broadcast %jit3A_98 : i32 to vector<16xi32>
    %select_n3A_100 = arith.select %eq3A_97, %while3A_92#1, %broadcast_in_dim3A_99 : vector<16xi1>, vector<16xi32>
    %reduce_min3A = arith.constant true
    %reduce_min3A_101 = vector.broadcast %reduce_min3A : i1 to vector<16xi1>
    %reduce_min3A_102 = arith.constant -2147483648 : i32
    %reduce_min3A_103 = vector.broadcast %reduce_min3A_102 : i32 to vector<16xi32>
    %reduce_min3A_104 = arith.xori %select_n3A_100, %reduce_min3A_103 : vector<16xi32>
    %reduce_min3A_105 = tpu.scan <min>, %reduce_min3A_104 masked %reduce_min3A_101 : vector<16xi32>, vector<16xi1> -> vector<16xi32>
    %reduce_min3A_106 = arith.xori %reduce_min3A_105, %reduce_min3A_103 : vector<16xi32>
    %reduce_min3A_107 = vector.extract %reduce_min3A_106[15] : i32 from vector<16xi32>
    %broadcast_in_dim3A_108 = arith.constant 0.000000e+00 : f32
    %broadcast_in_dim3A_109 = vector.broadcast %broadcast_in_dim3A_108 : f32 to vector<16xf32>
    %while3A_110:5 = scf.while (%while3A_124 = %shift_right_arithmetic3A_49, %while3A_125 = %reduce_max3A_95, %while3A_126 = %reduce_min3A_107, %while3A_127 = %broadcast_in_dim3A_109, %while3A_128 = %broadcast_in_dim3A_109) : (i32, f32, i32, vector<16xf32>, vector<16xf32>) -> (i32, f32, i32, vector<16xf32>, vector<16xf32>) {
      %ge3A = arith.constant 0.000000e+00 : f32
      %ge3A_129 = arith.cmpf oge, %while3A_125, %ge3A : f32
      scf.condition(%ge3A_129) %while3A_124, %while3A_125, %while3A_126, %while3A_127, %while3A_128 : i32, f32, i32, vector<16xf32>, vector<16xf32>
    } do {
    ^bb0(%while3A_124: i32, %while3A_125: f32, %while3A_126: i32, %while3A_127: vector<16xf32>, %while3A_128: vector<16xf32>):
      %broadcast_in_dim3A_129 = vector.broadcast %while3A_126 : i32 to vector<16xi32>
      %gather3A = tpu.vector_load_idx %arg6[%broadcast_in_dim3A_129] : memref<20032xf32, #tpu.memory_space<vmem>>[vector<16xi32>], vector<16xf32>,
      %gather3A_130 = tpu.vector_load_idx %arg7[%broadcast_in_dim3A_129] : memref<20032xf32, #tpu.memory_space<vmem>>[vector<16xi32>], vector<16xf32>,
      %gather3A_131 = tpu.vector_load_idx %arg8[%broadcast_in_dim3A_129] : memref<20032xf32, #tpu.memory_space<vmem>>[vector<16xi32>], vector<16xf32>,
      %gather3A_132 = tpu.vector_load_idx %arg9[%broadcast_in_dim3A_129] : memref<20032xf32, #tpu.memory_space<vmem>>[vector<16xi32>], vector<16xf32>,
      %gather3A_133 = tpu.vector_load_idx %arg10[%broadcast_in_dim3A_129] : memref<20032xf32, #tpu.memory_space<vmem>>[vector<16xi32>], vector<16xf32>,
      %sub3A_134 = arith.subf %gather3A_131, %gather3A : vector<16xf32>
      %add3A_135 = arith.constant 1.000000e+00 : f32
      %add3A_136 = vector.broadcast %add3A_135 : f32 to vector<16xf32>
      %add3A_137 = arith.addf %sub3A_134, %add3A_136 : vector<16xf32>
      %sub3A_138 = arith.subf %gather3A_132, %gather3A_130 : vector<16xf32>
      %add3A_139 = arith.constant 1.000000e+00 : f32
      %add3A_140 = vector.broadcast %add3A_139 : f32 to vector<16xf32>
      %add3A_141 = arith.addf %sub3A_138, %add3A_140 : vector<16xf32>
      %mul3A_142 = arith.mulf %add3A_137, %add3A_141 : vector<16xf32>
      %add3A_143 = arith.constant 15 : i32
      %add3A_144 = arith.addi %while3A_124, %add3A_143 : i32
      %jit3A_145 = arith.constant 16 : i32
      %div3A_146 = arith.divsi %add3A_144, %jit3A_145 : i32
      %sign3A_147 = arith.constant 0 : i32
      %sign3A_148 = arith.cmpi sgt, %add3A_144, %sign3A_147 : i32
      %sign3A_149 = arith.extui %sign3A_148 : i1 to i32
      %sign3A_150 = arith.constant 0 : i32
      %sign3A_151 = arith.cmpi slt, %add3A_144, %sign3A_150 : i32
      %sign3A_152 = arith.extui %sign3A_151 : i1 to i32
      %sign3A_153 = arith.subi %sign3A_149, %sign3A_152 : i32
      %sign3A_154 = arith.constant 0 : i32
      %sign3A_155 = arith.cmpi sgt, %jit3A_145, %sign3A_154 : i32
      %sign3A_156 = arith.extui %sign3A_155 : i1 to i32
      %sign3A_157 = arith.constant 0 : i32
      %sign3A_158 = arith.cmpi slt, %jit3A_145, %sign3A_157 : i32
      %sign3A_159 = arith.extui %sign3A_158 : i1 to i32
      %sign3A_160 = arith.subi %sign3A_156, %sign3A_159 : i32
      %ne3A_161 = arith.cmpi ne, %sign3A_153, %sign3A_160 : i32
      %rem3A_162 = arith.remsi %add3A_144, %jit3A_145 : i32
      %ne3A_163 = arith.constant 0 : i32
      %ne3A_164 = arith.cmpi ne, %rem3A_162, %ne3A_163 : i32
      %and3A_165 = arith.andi %ne3A_161, %ne3A_164 : i1
      %sub3A_166 = arith.constant 1 : i32
      %sub3A_167 = arith.subi %div3A_146, %sub3A_166 : i32
      %select_n3A_168 = arith.select %and3A_165, %sub3A_167, %div3A_146 : i32
      %broadcast_in_dim3A_169 = arith.constant 0 : i32
      %broadcast_in_dim3A_170 = vector.broadcast %broadcast_in_dim3A_169 : i32 to vector<16xi32>
      %broadcast_in_dim3A_171 = arith.constant -1.000000e+00 : f32
      %broadcast_in_dim3A_172 = vector.broadcast %broadcast_in_dim3A_171 : f32 to vector<16xf32>
      %broadcast_in_dim3A_173 = arith.constant 0 : i32
      %broadcast_in_dim3A_174 = vector.broadcast %broadcast_in_dim3A_173 : i32 to vector<16xi32>
      %while3A_175 = arith.constant 0 : i32
      %while3A_176 = arith.subi %select_n3A_168, %while3A_175 : i32
      %while3A_177 = arith.addi %while3A_175, %while3A_176 : i32
      %while3A_178 = arith.constant 1 : i32
      %while3A_179 = arith.divsi %while3A_176, %while3A_178 : i32
      %while3A_180 = arith.muli %while3A_179, %while3A_178 : i32
      %while3A_181 = arith.addi %while3A_175, %while3A_180 : i32
      %while3A_182 = arith.constant 1 : i32
      %while3A_183:7 = scf.for %while3A_539 = %while3A_175 to %while3A_181 step %while3A_182 iter_args(%while3A_540 = %broadcast_in_dim3A_170, %while3A_541 = %broadcast_in_dim3A_109, %while3A_542 = %broadcast_in_dim3A_109, %while3A_543 = %broadcast_in_dim3A_109, %while3A_544 = %broadcast_in_dim3A_109, %while3A_545 = %broadcast_in_dim3A_172, %while3A_546 = %broadcast_in_dim3A_174) -> (vector<16xi32>, vector<16xf32>, vector<16xf32>, vector<16xf32>, vector<16xf32>, vector<16xf32>, vector<16xi32>)  : i32 {
        %mul3A_547 = arith.constant 16 : i32
        %mul3A_548 = arith.muli %while3A_539, %mul3A_547 : i32
        %get3A = arith.index_cast %mul3A_548 : i32 to index
        %get3A_549 = tpu.vector_load %arg6[%get3A] {strides = array<i32>} : memref<20032xf32, #tpu.memory_space<vmem>>, vector<16xf32>,
        %get3A_550 = arith.index_cast %mul3A_548 : i32 to index
        %get3A_551 = tpu.vector_load %arg7[%get3A_550] {strides = array<i32>} : memref<20032xf32, #tpu.memory_space<vmem>>, vector<16xf32>,
        %get3A_552 = arith.index_cast %mul3A_548 : i32 to index
        %get3A_553 = tpu.vector_load %arg8[%get3A_552] {strides = array<i32>} : memref<20032xf32, #tpu.memory_space<vmem>>, vector<16xf32>,
        %get3A_554 = arith.index_cast %mul3A_548 : i32 to index
        %get3A_555 = tpu.vector_load %arg9[%get3A_554] {strides = array<i32>} : memref<20032xf32, #tpu.memory_space<vmem>>, vector<16xf32>,
        %get3A_556 = arith.index_cast %mul3A_548 : i32 to index
        %get3A_557 = tpu.vector_load %arg10[%get3A_556] {strides = array<i32>} : memref<20032xf32, #tpu.memory_space<vmem>>, vector<16xf32>,
        %get3A_558 = arith.index_cast %mul3A_548 : i32 to index
        %get3A_559 = tpu.vector_load %arg11[%get3A_558] {strides = array<i32>} : memref<20032xf32, #tpu.memory_space<vmem>>, vector<16xf32>,
        %ge3A = arith.constant 0.000000e+00 : f32
        %ge3A_560 = vector.broadcast %ge3A : f32 to vector<16xf32>
        %ge3A_561 = arith.cmpf oge, %get3A_559, %ge3A_560 : vector<16xf32>
        %min3A_562 = arith.minimumf %gather3A_131, %get3A_553 : vector<16xf32>
        %max3A = arith.maximumf %gather3A, %get3A_549 : vector<16xf32>
        %sub3A_563 = arith.subf %min3A_562, %max3A : vector<16xf32>
        %add3A_564 = arith.constant 1.000000e+00 : f32
        %add3A_565 = vector.broadcast %add3A_564 : f32 to vector<16xf32>
        %add3A_566 = arith.addf %sub3A_563, %add3A_565 : vector<16xf32>
        %max3A_567 = arith.constant 0.000000e+00 : f32
        %max3A_568 = vector.broadcast %max3A_567 : f32 to vector<16xf32>
        %max3A_569 = arith.maximumf %add3A_566, %max3A_568 : vector<16xf32>
        %min3A_570 = arith.minimumf %gather3A_132, %get3A_555 : vector<16xf32>
        %max3A_571 = arith.maximumf %gather3A_130, %get3A_551 : vector<16xf32>
        %sub3A_572 = arith.subf %min3A_570, %max3A_571 : vector<16xf32>
        %add3A_573 = arith.constant 1.000000e+00 : f32
        %add3A_574 = vector.broadcast %add3A_573 : f32 to vector<16xf32>
        %add3A_575 = arith.addf %sub3A_572, %add3A_574 : vector<16xf32>
        %max3A_576 = arith.constant 0.000000e+00 : f32
        %max3A_577 = vector.broadcast %max3A_576 : f32 to vector<16xf32>
        %max3A_578 = arith.maximumf %add3A_575, %max3A_577 : vector<16xf32>
        %mul3A_579 = arith.mulf %max3A_569, %max3A_578 : vector<16xf32>
        %sub3A_580 = arith.subf %get3A_553, %get3A_549 : vector<16xf32>
        %add3A_581 = arith.constant 1.000000e+00 : f32
        %add3A_582 = vector.broadcast %add3A_581 : f32 to vector<16xf32>
        %add3A_583 = arith.addf %sub3A_580, %add3A_582 : vector<16xf32>
        %sub3A_584 = arith.subf %get3A_555, %get3A_551 : vector<16xf32>
        %add3A_585 = arith.constant 1.000000e+00 : f32
        %add3A_586 = vector.broadcast %add3A_585 : f32 to vector<16xf32>
        %add3A_587 = arith.addf %sub3A_584, %add3A_586 : vector<16xf32>
        %mul3A_588 = arith.mulf %add3A_583, %add3A_587 : vector<16xf32>
        %add3A_589 = arith.addf %mul3A_142, %mul3A_588 : vector<16xf32>
        %sub3A_590 = arith.subf %add3A_589, %mul3A_579 : vector<16xf32>
        %add3A_591 = arith.constant 1.000000e-16 : f32
        %add3A_592 = vector.broadcast %add3A_591 : f32 to vector<16xf32>
        %add3A_593 = arith.addf %sub3A_590, %add3A_592 : vector<16xf32>
        %div3A_594 = arith.divf %mul3A_579, %add3A_593 : vector<16xf32>
        %gt3A_595 = arith.constant 2.000000e-01 : f32
        %gt3A_596 = vector.broadcast %gt3A_595 : f32 to vector<16xf32>
        %gt3A_597 = arith.cmpf ogt, %div3A_594, %gt3A_596 : vector<16xf32>
        %and3A_598 = arith.andi %gt3A_597, %ge3A_561 : vector<16xi1>
        %jit3A_599 = arith.constant 0.000000e+00 : f32
        %broadcast_in_dim3A_600 = vector.broadcast %jit3A_599 : f32 to vector<16xf32>
        %select_n3A_601 = arith.select %and3A_598, %get3A_557, %broadcast_in_dim3A_600 : vector<16xi1>, vector<16xf32>
        %not3A = arith.constant dense<true> : vector<16xi1>
        %not3A_602 = arith.xori %and3A_598, %not3A : vector<16xi1>
        %and3A_603 = arith.andi %ge3A_561, %not3A_602 : vector<16xi1>
        %jit3A_604 = arith.constant 1 : i32
        %jit3A_605 = arith.constant 0 : i32
        %broadcast_in_dim3A_606 = vector.broadcast %jit3A_604 : i32 to vector<16xi32>
        %broadcast_in_dim3A_607 = vector.broadcast %jit3A_605 : i32 to vector<16xi32>
        %select_n3A_608 = arith.select %and3A_603, %broadcast_in_dim3A_606, %broadcast_in_dim3A_607 : vector<16xi1>, vector<16xi32>
        %broadcast_in_dim3A_609 = arith.constant true
        %broadcast_in_dim3A_610 = vector.broadcast %broadcast_in_dim3A_609 : i1 to vector<16xi1>
        %masked_cumsum3A = tpu.scan <sum>, %select_n3A_608 masked %broadcast_in_dim3A_610 : vector<16xi32>, vector<16xi1> -> vector<16xi32>
        %add3A_611 = arith.addi %while3A_540, %masked_cumsum3A : vector<16xi32>
        %sub3A_612 = arith.constant 1 : i32
        %sub3A_613 = vector.broadcast %sub3A_612 : i32 to vector<16xi32>
        %sub3A_614 = arith.subi %add3A_611, %sub3A_613 : vector<16xi32>
        tpu.vector_store_idx %arg6[%sub3A_614], %get3A_549 masked %and3A_603 : memref<20032xf32, #tpu.memory_space<vmem>>[vector<16xi32>], vector<16xf32>, vector<16xi1>
        tpu.vector_store_idx %arg7[%sub3A_614], %get3A_551 masked %and3A_603 : memref<20032xf32, #tpu.memory_space<vmem>>[vector<16xi32>], vector<16xf32>, vector<16xi1>
        tpu.vector_store_idx %arg8[%sub3A_614], %get3A_553 masked %and3A_603 : memref<20032xf32, #tpu.memory_space<vmem>>[vector<16xi32>], vector<16xf32>, vector<16xi1>
        tpu.vector_store_idx %arg9[%sub3A_614], %get3A_555 masked %and3A_603 : memref<20032xf32, #tpu.memory_space<vmem>>[vector<16xi32>], vector<16xf32>, vector<16xi1>
        tpu.vector_store_idx %arg10[%sub3A_614], %get3A_557 masked %and3A_603 : memref<20032xf32, #tpu.memory_space<vmem>>[vector<16xi32>], vector<16xf32>, vector<16xi1>
        tpu.vector_store_idx %arg11[%sub3A_614], %get3A_559 masked %and3A_603 : memref<20032xf32, #tpu.memory_space<vmem>>[vector<16xi32>], vector<16xf32>, vector<16xi1>
        %gt3A_615 = arith.cmpf ogt, %get3A_559, %while3A_545 : vector<16xf32>
        %and3A_616 = arith.andi %and3A_603, %gt3A_615 : vector<16xi1>
        %all_reduce_population_count3A = tpu.all_reduce %and3A_603 {dim = 0 : i64, kind = #tpu.reduction_kind<sum>} : vector<16xi1> -> vector<16xi32>
        %add3A_617 = arith.addi %while3A_540, %all_reduce_population_count3A : vector<16xi32>
        %add3A_618 = arith.addf %while3A_541, %select_n3A_601 : vector<16xf32>
        %mul3A_619 = arith.mulf %select_n3A_601, %get3A_549 : vector<16xf32>
        %add3A_620 = arith.addf %while3A_542, %mul3A_619 : vector<16xf32>
        %mul3A_621 = arith.mulf %select_n3A_601, %get3A_551 : vector<16xf32>
        %add3A_622 = arith.addf %while3A_543, %mul3A_621 : vector<16xf32>
        %mul3A_623 = arith.mulf %select_n3A_601, %get3A_555 : vector<16xf32>
        %add3A_624 = arith.addf %while3A_544, %mul3A_623 : vector<16xf32>
        %select_n3A_625 = arith.select %and3A_616, %get3A_559, %while3A_545 : vector<16xi1>, vector<16xf32>
        %select_n3A_626 = arith.select %and3A_616, %sub3A_614, %while3A_546 : vector<16xi1>, vector<16xi32>
        scf.yield %add3A_617, %add3A_618, %add3A_620, %add3A_622, %add3A_624, %select_n3A_625, %select_n3A_626 : vector<16xi32>, vector<16xf32>, vector<16xf32>, vector<16xf32>, vector<16xf32>, vector<16xf32>, vector<16xi32>
      }
      %while3A_184 = arith.constant 1 : i32
      %while3A_185:7 = scf.for %while3A_539 = %while3A_181 to %while3A_177 step %while3A_184 iter_args(%while3A_540 = %while3A_183#0, %while3A_541 = %while3A_183#1, %while3A_542 = %while3A_183#2, %while3A_543 = %while3A_183#3, %while3A_544 = %while3A_183#4, %while3A_545 = %while3A_183#5, %while3A_546 = %while3A_183#6) -> (vector<16xi32>, vector<16xf32>, vector<16xf32>, vector<16xf32>, vector<16xf32>, vector<16xf32>, vector<16xi32>)  : i32 {
        %mul3A_547 = arith.constant 16 : i32
        %mul3A_548 = arith.muli %while3A_539, %mul3A_547 : i32
        %get3A = arith.index_cast %mul3A_548 : i32 to index
        %get3A_549 = tpu.vector_load %arg6[%get3A] {strides = array<i32>} : memref<20032xf32, #tpu.memory_space<vmem>>, vector<16xf32>,
        %get3A_550 = arith.index_cast %mul3A_548 : i32 to index
        %get3A_551 = tpu.vector_load %arg7[%get3A_550] {strides = array<i32>} : memref<20032xf32, #tpu.memory_space<vmem>>, vector<16xf32>,
        %get3A_552 = arith.index_cast %mul3A_548 : i32 to index
        %get3A_553 = tpu.vector_load %arg8[%get3A_552] {strides = array<i32>} : memref<20032xf32, #tpu.memory_space<vmem>>, vector<16xf32>,
        %get3A_554 = arith.index_cast %mul3A_548 : i32 to index
        %get3A_555 = tpu.vector_load %arg9[%get3A_554] {strides = array<i32>} : memref<20032xf32, #tpu.memory_space<vmem>>, vector<16xf32>,
        %get3A_556 = arith.index_cast %mul3A_548 : i32 to index
        %get3A_557 = tpu.vector_load %arg10[%get3A_556] {strides = array<i32>} : memref<20032xf32, #tpu.memory_space<vmem>>, vector<16xf32>,
        %get3A_558 = arith.index_cast %mul3A_548 : i32 to index
        %get3A_559 = tpu.vector_load %arg11[%get3A_558] {strides = array<i32>} : memref<20032xf32, #tpu.memory_space<vmem>>, vector<16xf32>,
        %ge3A = arith.constant 0.000000e+00 : f32
        %ge3A_560 = vector.broadcast %ge3A : f32 to vector<16xf32>
        %ge3A_561 = arith.cmpf oge, %get3A_559, %ge3A_560 : vector<16xf32>
        %min3A_562 = arith.minimumf %gather3A_131, %get3A_553 : vector<16xf32>
        %max3A = arith.maximumf %gather3A, %get3A_549 : vector<16xf32>
        %sub3A_563 = arith.subf %min3A_562, %max3A : vector<16xf32>
        %add3A_564 = arith.constant 1.000000e+00 : f32
        %add3A_565 = vector.broadcast %add3A_564 : f32 to vector<16xf32>
        %add3A_566 = arith.addf %sub3A_563, %add3A_565 : vector<16xf32>
        %max3A_567 = arith.constant 0.000000e+00 : f32
        %max3A_568 = vector.broadcast %max3A_567 : f32 to vector<16xf32>
        %max3A_569 = arith.maximumf %add3A_566, %max3A_568 : vector<16xf32>
        %min3A_570 = arith.minimumf %gather3A_132, %get3A_555 : vector<16xf32>
        %max3A_571 = arith.maximumf %gather3A_130, %get3A_551 : vector<16xf32>
        %sub3A_572 = arith.subf %min3A_570, %max3A_571 : vector<16xf32>
        %add3A_573 = arith.constant 1.000000e+00 : f32
        %add3A_574 = vector.broadcast %add3A_573 : f32 to vector<16xf32>
        %add3A_575 = arith.addf %sub3A_572, %add3A_574 : vector<16xf32>
        %max3A_576 = arith.constant 0.000000e+00 : f32
        %max3A_577 = vector.broadcast %max3A_576 : f32 to vector<16xf32>
        %max3A_578 = arith.maximumf %add3A_575, %max3A_577 : vector<16xf32>
        %mul3A_579 = arith.mulf %max3A_569, %max3A_578 : vector<16xf32>
        %sub3A_580 = arith.subf %get3A_553, %get3A_549 : vector<16xf32>
        %add3A_581 = arith.constant 1.000000e+00 : f32
        %add3A_582 = vector.broadcast %add3A_581 : f32 to vector<16xf32>
        %add3A_583 = arith.addf %sub3A_580, %add3A_582 : vector<16xf32>
        %sub3A_584 = arith.subf %get3A_555, %get3A_551 : vector<16xf32>
        %add3A_585 = arith.constant 1.000000e+00 : f32
        %add3A_586 = vector.broadcast %add3A_585 : f32 to vector<16xf32>
        %add3A_587 = arith.addf %sub3A_584, %add3A_586 : vector<16xf32>
        %mul3A_588 = arith.mulf %add3A_583, %add3A_587 : vector<16xf32>
        %add3A_589 = arith.addf %mul3A_142, %mul3A_588 : vector<16xf32>
        %sub3A_590 = arith.subf %add3A_589, %mul3A_579 : vector<16xf32>
        %add3A_591 = arith.constant 1.000000e-16 : f32
        %add3A_592 = vector.broadcast %add3A_591 : f32 to vector<16xf32>
        %add3A_593 = arith.addf %sub3A_590, %add3A_592 : vector<16xf32>
        %div3A_594 = arith.divf %mul3A_579, %add3A_593 : vector<16xf32>
        %gt3A_595 = arith.constant 2.000000e-01 : f32
        %gt3A_596 = vector.broadcast %gt3A_595 : f32 to vector<16xf32>
        %gt3A_597 = arith.cmpf ogt, %div3A_594, %gt3A_596 : vector<16xf32>
        %and3A_598 = arith.andi %gt3A_597, %ge3A_561 : vector<16xi1>
        %jit3A_599 = arith.constant 0.000000e+00 : f32
        %broadcast_in_dim3A_600 = vector.broadcast %jit3A_599 : f32 to vector<16xf32>
        %select_n3A_601 = arith.select %and3A_598, %get3A_557, %broadcast_in_dim3A_600 : vector<16xi1>, vector<16xf32>
        %not3A = arith.constant dense<true> : vector<16xi1>
        %not3A_602 = arith.xori %and3A_598, %not3A : vector<16xi1>
        %and3A_603 = arith.andi %ge3A_561, %not3A_602 : vector<16xi1>
        %jit3A_604 = arith.constant 1 : i32
        %jit3A_605 = arith.constant 0 : i32
        %broadcast_in_dim3A_606 = vector.broadcast %jit3A_604 : i32 to vector<16xi32>
        %broadcast_in_dim3A_607 = vector.broadcast %jit3A_605 : i32 to vector<16xi32>
        %select_n3A_608 = arith.select %and3A_603, %broadcast_in_dim3A_606, %broadcast_in_dim3A_607 : vector<16xi1>, vector<16xi32>
        %broadcast_in_dim3A_609 = arith.constant true
        %broadcast_in_dim3A_610 = vector.broadcast %broadcast_in_dim3A_609 : i1 to vector<16xi1>
        %masked_cumsum3A = tpu.scan <sum>, %select_n3A_608 masked %broadcast_in_dim3A_610 : vector<16xi32>, vector<16xi1> -> vector<16xi32>
        %add3A_611 = arith.addi %while3A_540, %masked_cumsum3A : vector<16xi32>
        %sub3A_612 = arith.constant 1 : i32
        %sub3A_613 = vector.broadcast %sub3A_612 : i32 to vector<16xi32>
        %sub3A_614 = arith.subi %add3A_611, %sub3A_613 : vector<16xi32>
        tpu.vector_store_idx %arg6[%sub3A_614], %get3A_549 masked %and3A_603 : memref<20032xf32, #tpu.memory_space<vmem>>[vector<16xi32>], vector<16xf32>, vector<16xi1>
        tpu.vector_store_idx %arg7[%sub3A_614], %get3A_551 masked %and3A_603 : memref<20032xf32, #tpu.memory_space<vmem>>[vector<16xi32>], vector<16xf32>, vector<16xi1>
        tpu.vector_store_idx %arg8[%sub3A_614], %get3A_553 masked %and3A_603 : memref<20032xf32, #tpu.memory_space<vmem>>[vector<16xi32>], vector<16xf32>, vector<16xi1>
        tpu.vector_store_idx %arg9[%sub3A_614], %get3A_555 masked %and3A_603 : memref<20032xf32, #tpu.memory_space<vmem>>[vector<16xi32>], vector<16xf32>, vector<16xi1>
        tpu.vector_store_idx %arg10[%sub3A_614], %get3A_557 masked %and3A_603 : memref<20032xf32, #tpu.memory_space<vmem>>[vector<16xi32>], vector<16xf32>, vector<16xi1>
        tpu.vector_store_idx %arg11[%sub3A_614], %get3A_559 masked %and3A_603 : memref<20032xf32, #tpu.memory_space<vmem>>[vector<16xi32>], vector<16xf32>, vector<16xi1>
        %gt3A_615 = arith.cmpf ogt, %get3A_559, %while3A_545 : vector<16xf32>
        %and3A_616 = arith.andi %and3A_603, %gt3A_615 : vector<16xi1>
        %all_reduce_population_count3A = tpu.all_reduce %and3A_603 {dim = 0 : i64, kind = #tpu.reduction_kind<sum>} : vector<16xi1> -> vector<16xi32>
        %add3A_617 = arith.addi %while3A_540, %all_reduce_population_count3A : vector<16xi32>
        %add3A_618 = arith.addf %while3A_541, %select_n3A_601 : vector<16xf32>
        %mul3A_619 = arith.mulf %select_n3A_601, %get3A_549 : vector<16xf32>
        %add3A_620 = arith.addf %while3A_542, %mul3A_619 : vector<16xf32>
        %mul3A_621 = arith.mulf %select_n3A_601, %get3A_551 : vector<16xf32>
        %add3A_622 = arith.addf %while3A_543, %mul3A_621 : vector<16xf32>
        %mul3A_623 = arith.mulf %select_n3A_601, %get3A_555 : vector<16xf32>
        %add3A_624 = arith.addf %while3A_544, %mul3A_623 : vector<16xf32>
        %select_n3A_625 = arith.select %and3A_616, %get3A_559, %while3A_545 : vector<16xi1>, vector<16xf32>
        %select_n3A_626 = arith.select %and3A_616, %sub3A_614, %while3A_546 : vector<16xi1>, vector<16xi32>
        scf.yield %add3A_617, %add3A_618, %add3A_620, %add3A_622, %add3A_624, %select_n3A_625, %select_n3A_626 : vector<16xi32>, vector<16xf32>, vector<16xf32>, vector<16xf32>, vector<16xf32>, vector<16xf32>, vector<16xi32>
      }
      %reduce_sum3A_186 = arith.constant true
      %reduce_sum3A_187 = vector.broadcast %reduce_sum3A_186 : i1 to vector<16xi1>
      %reduce_sum3A_188 = tpu.scan <sum>, %while3A_185#0 masked %reduce_sum3A_187 : vector<16xi32>, vector<16xi1> -> vector<16xi32>
      %reduce_sum3A_189 = vector.extract %reduce_sum3A_188[15] : i32 from vector<16xi32>
      %shift_right_arithmetic3A_190 = arith.constant 4 : i32
      %shift_right_arithmetic3A_191 = arith.shrsi %reduce_sum3A_189, %shift_right_arithmetic3A_190 : i32
      %broadcast_in_dim3A_192 = arith.constant -1.000000e+00 : f32
      %broadcast_in_dim3A_193 = vector.broadcast %broadcast_in_dim3A_192 : f32 to vector<16xf32>
      %swap3A_194 = arith.index_cast %shift_right_arithmetic3A_191 : i32 to index
      %swap3A_195 = tpu.vector_load %arg11[%swap3A_194] {strides = array<i32>} : memref<20032xf32, #tpu.memory_space<vmem>>, vector<16xf32>,
      tpu.vector_store %arg11[%swap3A_194], %broadcast_in_dim3A_193 {strides = array<i32>} : memref<20032xf32, #tpu.memory_space<vmem>>, vector<16xf32>,
      %reduce_sum3A_196 = arith.constant true
      %reduce_sum3A_197 = vector.broadcast %reduce_sum3A_196 : i1 to vector<16xi1>
      %reduce_sum3A_198 = tpu.scan <sum>, %while3A_185#1 masked %reduce_sum3A_197 : vector<16xf32>, vector<16xi1> -> vector<16xf32>
      %reduce_sum3A_199 = vector.extract %reduce_sum3A_198[15] : f32 from vector<16xf32>
      %broadcast_in_dim3A_200 = vector.broadcast %reduce_sum3A_199 : f32 to vector<16xf32>
      %reduce_sum3A_201 = arith.constant true
      %reduce_sum3A_202 = vector.broadcast %reduce_sum3A_201 : i1 to vector<16xi1>
      %reduce_sum3A_203 = tpu.scan <sum>, %while3A_185#2 masked %reduce_sum3A_202 : vector<16xf32>, vector<16xi1> -> vector<16xf32>
      %reduce_sum3A_204 = vector.extract %reduce_sum3A_203[15] : f32 from vector<16xf32>
      %broadcast_in_dim3A_205 = vector.broadcast %reduce_sum3A_204 : f32 to vector<16xf32>
      %div3A_206 = arith.divf %broadcast_in_dim3A_205, %broadcast_in_dim3A_200 : vector<16xf32>
      %reduce_sum3A_207 = arith.constant true
      %reduce_sum3A_208 = vector.broadcast %reduce_sum3A_207 : i1 to vector<16xi1>
      %reduce_sum3A_209 = tpu.scan <sum>, %while3A_185#3 masked %reduce_sum3A_208 : vector<16xf32>, vector<16xi1> -> vector<16xf32>
      %reduce_sum3A_210 = vector.extract %reduce_sum3A_209[15] : f32 from vector<16xf32>
      %broadcast_in_dim3A_211 = vector.broadcast %reduce_sum3A_210 : f32 to vector<16xf32>
      %div3A_212 = arith.divf %broadcast_in_dim3A_211, %broadcast_in_dim3A_200 : vector<16xf32>
      %reduce_sum3A_213 = arith.constant true
      %reduce_sum3A_214 = vector.broadcast %reduce_sum3A_213 : i1 to vector<16xi1>
      %reduce_sum3A_215 = tpu.scan <sum>, %while3A_185#4 masked %reduce_sum3A_214 : vector<16xf32>, vector<16xi1> -> vector<16xf32>
      %reduce_sum3A_216 = vector.extract %reduce_sum3A_215[15] : f32 from vector<16xf32>
      %broadcast_in_dim3A_217 = vector.broadcast %reduce_sum3A_216 : f32 to vector<16xf32>
      %div3A_218 = arith.divf %broadcast_in_dim3A_217, %broadcast_in_dim3A_200 : vector<16xf32>
      %jit3A_219 = arith.constant 3 : i32
      %eq3A_220 = arith.constant 0 : i32
      %eq3A_221 = arith.cmpi eq, %jit3A_219, %eq3A_220 : i32
      %jit3A_222 = arith.constant 1 : i32
      %select_n3A_223 = arith.select %eq3A_221, %jit3A_222, %jit3A_219 : i32
      %rem3A_224 = arith.remsi %add3A, %select_n3A_223 : i32
      %ne3A_225 = arith.constant 0 : i32
      %ne3A_226 = arith.cmpi ne, %rem3A_224, %ne3A_225 : i32
      %lt3A_227 = arith.constant 0 : i32
      %lt3A_228 = arith.cmpi slt, %rem3A_224, %lt3A_227 : i32
      %lt3A_229 = arith.constant 0 : i32
      %lt3A_230 = arith.cmpi slt, %select_n3A_223, %lt3A_229 : i32
      %ne3A_231 = arith.xori %lt3A_228, %lt3A_230 : i1
      %and3A_232 = arith.andi %ne3A_231, %ne3A_226 : i1
      %add3A_233 = arith.addi %rem3A_224, %select_n3A_223 : i32
      %select_n3A_234 = arith.select %and3A_232, %add3A_233, %rem3A_224 : i32
      %broadcast_in_dim3A_235 = vector.broadcast %select_n3A_234 : i32 to vector<16xi32>
      %mul3A_236 = arith.constant 0.00961538497 : f32
      %mul3A_237 = vector.broadcast %mul3A_236 : f32 to vector<16xf32>
      %mul3A_238 = arith.mulf %div3A_206, %mul3A_237 : vector<16xf32>
      %convert_element_type3A_239 = arith.fptosi %mul3A_238 : vector<16xf32> to vector<16xi32>
      %convert_element_type3A_240 = arith.sitofp %convert_element_type3A_239 : vector<16xi32> to vector<16xf32>
      %gt3A = arith.cmpf ogt, %convert_element_type3A_240, %mul3A_238 : vector<16xf32>
      %jit3A_241 = arith.constant 1 : i32
      %jit3A_242 = arith.constant 0 : i32
      %broadcast_in_dim3A_243 = vector.broadcast %jit3A_241 : i32 to vector<16xi32>
      %broadcast_in_dim3A_244 = vector.broadcast %jit3A_242 : i32 to vector<16xi32>
      %select_n3A_245 = arith.select %gt3A, %broadcast_in_dim3A_243, %broadcast_in_dim3A_244 : vector<16xi1>, vector<16xi32>
      %sub3A_246 = arith.subi %convert_element_type3A_239, %select_n3A_245 : vector<16xi32>
      %min3A = arith.constant 3 : i32
      %min3A_247 = vector.broadcast %min3A : i32 to vector<16xi32>
      %min3A_248 = arith.minsi %sub3A_246, %min3A_247 : vector<16xi32>
      %jit3A_249 = arith.constant 4 : i32
      %eq3A_250 = arith.constant 0 : i32
      %eq3A_251 = arith.cmpi eq, %jit3A_249, %eq3A_250 : i32
      %jit3A_252 = arith.constant 1 : i32
      %select_n3A_253 = arith.select %eq3A_251, %jit3A_252, %jit3A_249 : i32
      %rem3A_254 = vector.broadcast %select_n3A_253 : i32 to vector<16xi32>
      %rem3A_255 = arith.remsi %min3A_248, %rem3A_254 : vector<16xi32>
      %ne3A_256 = arith.constant 0 : i32
      %ne3A_257 = vector.broadcast %ne3A_256 : i32 to vector<16xi32>
      %ne3A_258 = arith.cmpi ne, %rem3A_255, %ne3A_257 : vector<16xi32>
      %lt3A_259 = arith.constant 0 : i32
      %lt3A_260 = vector.broadcast %lt3A_259 : i32 to vector<16xi32>
      %lt3A_261 = arith.cmpi slt, %rem3A_255, %lt3A_260 : vector<16xi32>
      %lt3A_262 = arith.constant 0 : i32
      %lt3A_263 = arith.cmpi slt, %select_n3A_253, %lt3A_262 : i32
      %ne3A_264 = vector.broadcast %lt3A_263 : i1 to vector<16xi1>
      %ne3A_265 = vector.broadcast %ne3A_264 : vector<16xi1> to vector<16xi1>
      %ne3A_266 = arith.xori %lt3A_261, %ne3A_265 : vector<16xi1>
      %and3A_267 = arith.andi %ne3A_266, %ne3A_258 : vector<16xi1>
      %add3A_268 = vector.broadcast %select_n3A_253 : i32 to vector<16xi32>
      %add3A_269 = arith.addi %rem3A_255, %add3A_268 : vector<16xi32>
      %select_n3A_270 = arith.select %and3A_267, %add3A_269, %rem3A_255 : vector<16xi1>, vector<16xi32>
      %add3A_271 = arith.constant 4 : i32
      %add3A_272 = vector.broadcast %add3A_271 : i32 to vector<16xi32>
      %add3A_273 = arith.addi %select_n3A_270, %add3A_272 : vector<16xi32>
      %jit3A_274 = arith.constant 4 : i32
      %eq3A_275 = arith.constant 0 : i32
      %eq3A_276 = arith.cmpi eq, %jit3A_274, %eq3A_275 : i32
      %jit3A_277 = arith.constant 1 : i32
      %select_n3A_278 = arith.select %eq3A_276, %jit3A_277, %jit3A_274 : i32
      %rem3A_279 = vector.broadcast %select_n3A_278 : i32 to vector<16xi32>
      %rem3A_280 = arith.remsi %add3A_273, %rem3A_279 : vector<16xi32>
      %ne3A_281 = arith.constant 0 : i32
      %ne3A_282 = vector.broadcast %ne3A_281 : i32 to vector<16xi32>
      %ne3A_283 = arith.cmpi ne, %rem3A_280, %ne3A_282 : vector<16xi32>
      %lt3A_284 = arith.constant 0 : i32
      %lt3A_285 = vector.broadcast %lt3A_284 : i32 to vector<16xi32>
      %lt3A_286 = arith.cmpi slt, %rem3A_280, %lt3A_285 : vector<16xi32>
      %lt3A_287 = arith.constant 0 : i32
      %lt3A_288 = arith.cmpi slt, %select_n3A_278, %lt3A_287 : i32
      %ne3A_289 = vector.broadcast %lt3A_288 : i1 to vector<16xi1>
      %ne3A_290 = vector.broadcast %ne3A_289 : vector<16xi1> to vector<16xi1>
      %ne3A_291 = arith.xori %lt3A_286, %ne3A_290 : vector<16xi1>
      %and3A_292 = arith.andi %ne3A_291, %ne3A_283 : vector<16xi1>
      %add3A_293 = vector.broadcast %select_n3A_278 : i32 to vector<16xi32>
      %add3A_294 = arith.addi %rem3A_280, %add3A_293 : vector<16xi32>
      %select_n3A_295 = arith.select %and3A_292, %add3A_294, %rem3A_280 : vector<16xi1>, vector<16xi32>
      %mul3A_296 = arith.constant 3 : i32
      %mul3A_297 = vector.broadcast %mul3A_296 : i32 to vector<16xi32>
      %mul3A_298 = arith.muli %select_n3A_295, %mul3A_297 : vector<16xi32>
      %add3A_299 = arith.addi %mul3A_298, %broadcast_in_dim3A_235 : vector<16xi32>
      %mul3A_300 = arith.constant 0.00961538497 : f32
      %mul3A_301 = vector.broadcast %mul3A_300 : f32 to vector<16xf32>
      %mul3A_302 = arith.mulf %div3A_218, %mul3A_301 : vector<16xf32>
      %convert_element_type3A_303 = arith.fptosi %mul3A_302 : vector<16xf32> to vector<16xi32>
      %convert_element_type3A_304 = arith.sitofp %convert_element_type3A_303 : vector<16xi32> to vector<16xf32>
      %gt3A_305 = arith.cmpf ogt, %convert_element_type3A_304, %mul3A_302 : vector<16xf32>
      %jit3A_306 = arith.constant 1 : i32
      %jit3A_307 = arith.constant 0 : i32
      %broadcast_in_dim3A_308 = vector.broadcast %jit3A_306 : i32 to vector<16xi32>
      %broadcast_in_dim3A_309 = vector.broadcast %jit3A_307 : i32 to vector<16xi32>
      %select_n3A_310 = arith.select %gt3A_305, %broadcast_in_dim3A_308, %broadcast_in_dim3A_309 : vector<16xi1>, vector<16xi32>
      %sub3A_311 = arith.subi %convert_element_type3A_303, %select_n3A_310 : vector<16xi32>
      %min3A_312 = arith.constant 3 : i32
      %min3A_313 = vector.broadcast %min3A_312 : i32 to vector<16xi32>
      %min3A_314 = arith.minsi %sub3A_311, %min3A_313 : vector<16xi32>
      %jit3A_315 = arith.constant 4 : i32
      %eq3A_316 = arith.constant 0 : i32
      %eq3A_317 = arith.cmpi eq, %jit3A_315, %eq3A_316 : i32
      %jit3A_318 = arith.constant 1 : i32
      %select_n3A_319 = arith.select %eq3A_317, %jit3A_318, %jit3A_315 : i32
      %rem3A_320 = vector.broadcast %select_n3A_319 : i32 to vector<16xi32>
      %rem3A_321 = arith.remsi %min3A_314, %rem3A_320 : vector<16xi32>
      %ne3A_322 = arith.constant 0 : i32
      %ne3A_323 = vector.broadcast %ne3A_322 : i32 to vector<16xi32>
      %ne3A_324 = arith.cmpi ne, %rem3A_321, %ne3A_323 : vector<16xi32>
      %lt3A_325 = arith.constant 0 : i32
      %lt3A_326 = vector.broadcast %lt3A_325 : i32 to vector<16xi32>
      %lt3A_327 = arith.cmpi slt, %rem3A_321, %lt3A_326 : vector<16xi32>
      %lt3A_328 = arith.constant 0 : i32
      %lt3A_329 = arith.cmpi slt, %select_n3A_319, %lt3A_328 : i32
      %ne3A_330 = vector.broadcast %lt3A_329 : i1 to vector<16xi1>
      %ne3A_331 = vector.broadcast %ne3A_330 : vector<16xi1> to vector<16xi1>
      %ne3A_332 = arith.xori %lt3A_327, %ne3A_331 : vector<16xi1>
      %and3A_333 = arith.andi %ne3A_332, %ne3A_324 : vector<16xi1>
      %add3A_334 = vector.broadcast %select_n3A_319 : i32 to vector<16xi32>
      %add3A_335 = arith.addi %rem3A_321, %add3A_334 : vector<16xi32>
      %select_n3A_336 = arith.select %and3A_333, %add3A_335, %rem3A_321 : vector<16xi1>, vector<16xi32>
      %add3A_337 = arith.constant 4 : i32
      %add3A_338 = vector.broadcast %add3A_337 : i32 to vector<16xi32>
      %add3A_339 = arith.addi %select_n3A_336, %add3A_338 : vector<16xi32>
      %jit3A_340 = arith.constant 4 : i32
      %eq3A_341 = arith.constant 0 : i32
      %eq3A_342 = arith.cmpi eq, %jit3A_340, %eq3A_341 : i32
      %jit3A_343 = arith.constant 1 : i32
      %select_n3A_344 = arith.select %eq3A_342, %jit3A_343, %jit3A_340 : i32
      %rem3A_345 = vector.broadcast %select_n3A_344 : i32 to vector<16xi32>
      %rem3A_346 = arith.remsi %add3A_339, %rem3A_345 : vector<16xi32>
      %ne3A_347 = arith.constant 0 : i32
      %ne3A_348 = vector.broadcast %ne3A_347 : i32 to vector<16xi32>
      %ne3A_349 = arith.cmpi ne, %rem3A_346, %ne3A_348 : vector<16xi32>
      %lt3A_350 = arith.constant 0 : i32
      %lt3A_351 = vector.broadcast %lt3A_350 : i32 to vector<16xi32>
      %lt3A_352 = arith.cmpi slt, %rem3A_346, %lt3A_351 : vector<16xi32>
      %lt3A_353 = arith.constant 0 : i32
      %lt3A_354 = arith.cmpi slt, %select_n3A_344, %lt3A_353 : i32
      %ne3A_355 = vector.broadcast %lt3A_354 : i1 to vector<16xi1>
      %ne3A_356 = vector.broadcast %ne3A_355 : vector<16xi1> to vector<16xi1>
      %ne3A_357 = arith.xori %lt3A_352, %ne3A_356 : vector<16xi1>
      %and3A_358 = arith.andi %ne3A_357, %ne3A_349 : vector<16xi1>
      %add3A_359 = vector.broadcast %select_n3A_344 : i32 to vector<16xi32>
      %add3A_360 = arith.addi %rem3A_346, %add3A_359 : vector<16xi32>
      %select_n3A_361 = arith.select %and3A_358, %add3A_360, %rem3A_346 : vector<16xi1>, vector<16xi32>
      %mul3A_362 = arith.constant 3 : i32
      %mul3A_363 = vector.broadcast %mul3A_362 : i32 to vector<16xi32>
      %mul3A_364 = arith.muli %select_n3A_361, %mul3A_363 : vector<16xi32>
      %add3A_365 = arith.addi %mul3A_364, %broadcast_in_dim3A_235 : vector<16xi32>
      %mul3A_366 = arith.constant 0.00961538497 : f32
      %mul3A_367 = vector.broadcast %mul3A_366 : f32 to vector<16xf32>
      %mul3A_368 = arith.mulf %div3A_212, %mul3A_367 : vector<16xf32>
      %convert_element_type3A_369 = arith.fptosi %mul3A_368 : vector<16xf32> to vector<16xi32>
      %convert_element_type3A_370 = arith.sitofp %convert_element_type3A_369 : vector<16xi32> to vector<16xf32>
      %gt3A_371 = arith.cmpf ogt, %convert_element_type3A_370, %mul3A_368 : vector<16xf32>
      %jit3A_372 = arith.constant 1 : i32
      %jit3A_373 = arith.constant 0 : i32
      %broadcast_in_dim3A_374 = vector.broadcast %jit3A_372 : i32 to vector<16xi32>
      %broadcast_in_dim3A_375 = vector.broadcast %jit3A_373 : i32 to vector<16xi32>
      %select_n3A_376 = arith.select %gt3A_371, %broadcast_in_dim3A_374, %broadcast_in_dim3A_375 : vector<16xi1>, vector<16xi32>
      %sub3A_377 = arith.subi %convert_element_type3A_369, %select_n3A_376 : vector<16xi32>
      %min3A_378 = arith.constant 3 : i32
      %min3A_379 = vector.broadcast %min3A_378 : i32 to vector<16xi32>
      %min3A_380 = arith.minsi %sub3A_377, %min3A_379 : vector<16xi32>
      %jit3A_381 = arith.constant 4 : i32
      %eq3A_382 = arith.constant 0 : i32
      %eq3A_383 = arith.cmpi eq, %jit3A_381, %eq3A_382 : i32
      %jit3A_384 = arith.constant 1 : i32
      %select_n3A_385 = arith.select %eq3A_383, %jit3A_384, %jit3A_381 : i32
      %rem3A_386 = vector.broadcast %select_n3A_385 : i32 to vector<16xi32>
      %rem3A_387 = arith.remsi %min3A_380, %rem3A_386 : vector<16xi32>
      %ne3A_388 = arith.constant 0 : i32
      %ne3A_389 = vector.broadcast %ne3A_388 : i32 to vector<16xi32>
      %ne3A_390 = arith.cmpi ne, %rem3A_387, %ne3A_389 : vector<16xi32>
      %lt3A_391 = arith.constant 0 : i32
      %lt3A_392 = vector.broadcast %lt3A_391 : i32 to vector<16xi32>
      %lt3A_393 = arith.cmpi slt, %rem3A_387, %lt3A_392 : vector<16xi32>
      %lt3A_394 = arith.constant 0 : i32
      %lt3A_395 = arith.cmpi slt, %select_n3A_385, %lt3A_394 : i32
      %ne3A_396 = vector.broadcast %lt3A_395 : i1 to vector<16xi1>
      %ne3A_397 = vector.broadcast %ne3A_396 : vector<16xi1> to vector<16xi1>
      %ne3A_398 = arith.xori %lt3A_393, %ne3A_397 : vector<16xi1>
      %and3A_399 = arith.andi %ne3A_398, %ne3A_390 : vector<16xi1>
      %add3A_400 = vector.broadcast %select_n3A_385 : i32 to vector<16xi32>
      %add3A_401 = arith.addi %rem3A_387, %add3A_400 : vector<16xi32>
      %select_n3A_402 = arith.select %and3A_399, %add3A_401, %rem3A_387 : vector<16xi1>, vector<16xi32>
      %add3A_403 = arith.constant 4 : i32
      %add3A_404 = vector.broadcast %add3A_403 : i32 to vector<16xi32>
      %add3A_405 = arith.addi %select_n3A_402, %add3A_404 : vector<16xi32>
      %jit3A_406 = arith.constant 4 : i32
      %eq3A_407 = arith.constant 0 : i32
      %eq3A_408 = arith.cmpi eq, %jit3A_406, %eq3A_407 : i32
      %jit3A_409 = arith.constant 1 : i32
      %select_n3A_410 = arith.select %eq3A_408, %jit3A_409, %jit3A_406 : i32
      %rem3A_411 = vector.broadcast %select_n3A_410 : i32 to vector<16xi32>
      %rem3A_412 = arith.remsi %add3A_405, %rem3A_411 : vector<16xi32>
      %ne3A_413 = arith.constant 0 : i32
      %ne3A_414 = vector.broadcast %ne3A_413 : i32 to vector<16xi32>
      %ne3A_415 = arith.cmpi ne, %rem3A_412, %ne3A_414 : vector<16xi32>
      %lt3A_416 = arith.constant 0 : i32
      %lt3A_417 = vector.broadcast %lt3A_416 : i32 to vector<16xi32>
      %lt3A_418 = arith.cmpi slt, %rem3A_412, %lt3A_417 : vector<16xi32>
      %lt3A_419 = arith.constant 0 : i32
      %lt3A_420 = arith.cmpi slt, %select_n3A_410, %lt3A_419 : i32
      %ne3A_421 = vector.broadcast %lt3A_420 : i1 to vector<16xi1>
      %ne3A_422 = vector.broadcast %ne3A_421 : vector<16xi1> to vector<16xi1>
      %ne3A_423 = arith.xori %lt3A_418, %ne3A_422 : vector<16xi1>
      %and3A_424 = arith.andi %ne3A_423, %ne3A_415 : vector<16xi1>
      %add3A_425 = vector.broadcast %select_n3A_410 : i32 to vector<16xi32>
      %add3A_426 = arith.addi %rem3A_412, %add3A_425 : vector<16xi32>
      %select_n3A_427 = arith.select %and3A_424, %add3A_426, %rem3A_412 : vector<16xi1>, vector<16xi32>
      %mul3A_428 = arith.constant 3 : i32
      %mul3A_429 = vector.broadcast %mul3A_428 : i32 to vector<16xi32>
      %mul3A_430 = arith.muli %select_n3A_427, %mul3A_429 : vector<16xi32>
      %add3A_431 = arith.addi %mul3A_430, %broadcast_in_dim3A_235 : vector<16xi32>
      %mul3A_432 = arith.constant 0.00961538497 : f32
      %mul3A_433 = vector.broadcast %mul3A_432 : f32 to vector<16xf32>
      %mul3A_434 = arith.mulf %gather3A_133, %mul3A_433 : vector<16xf32>
      %convert_element_type3A_435 = arith.fptosi %mul3A_434 : vector<16xf32> to vector<16xi32>
      %convert_element_type3A_436 = arith.sitofp %convert_element_type3A_435 : vector<16xi32> to vector<16xf32>
      %gt3A_437 = arith.cmpf ogt, %convert_element_type3A_436, %mul3A_434 : vector<16xf32>
      %jit3A_438 = arith.constant 1 : i32
      %jit3A_439 = arith.constant 0 : i32
      %broadcast_in_dim3A_440 = vector.broadcast %jit3A_438 : i32 to vector<16xi32>
      %broadcast_in_dim3A_441 = vector.broadcast %jit3A_439 : i32 to vector<16xi32>
      %select_n3A_442 = arith.select %gt3A_437, %broadcast_in_dim3A_440, %broadcast_in_dim3A_441 : vector<16xi1>, vector<16xi32>
      %sub3A_443 = arith.subi %convert_element_type3A_435, %select_n3A_442 : vector<16xi32>
      %min3A_444 = arith.constant 3 : i32
      %min3A_445 = vector.broadcast %min3A_444 : i32 to vector<16xi32>
      %min3A_446 = arith.minsi %sub3A_443, %min3A_445 : vector<16xi32>
      %jit3A_447 = arith.constant 4 : i32
      %eq3A_448 = arith.constant 0 : i32
      %eq3A_449 = arith.cmpi eq, %jit3A_447, %eq3A_448 : i32
      %jit3A_450 = arith.constant 1 : i32
      %select_n3A_451 = arith.select %eq3A_449, %jit3A_450, %jit3A_447 : i32
      %rem3A_452 = vector.broadcast %select_n3A_451 : i32 to vector<16xi32>
      %rem3A_453 = arith.remsi %min3A_446, %rem3A_452 : vector<16xi32>
      %ne3A_454 = arith.constant 0 : i32
      %ne3A_455 = vector.broadcast %ne3A_454 : i32 to vector<16xi32>
      %ne3A_456 = arith.cmpi ne, %rem3A_453, %ne3A_455 : vector<16xi32>
      %lt3A_457 = arith.constant 0 : i32
      %lt3A_458 = vector.broadcast %lt3A_457 : i32 to vector<16xi32>
      %lt3A_459 = arith.cmpi slt, %rem3A_453, %lt3A_458 : vector<16xi32>
      %lt3A_460 = arith.constant 0 : i32
      %lt3A_461 = arith.cmpi slt, %select_n3A_451, %lt3A_460 : i32
      %ne3A_462 = vector.broadcast %lt3A_461 : i1 to vector<16xi1>
      %ne3A_463 = vector.broadcast %ne3A_462 : vector<16xi1> to vector<16xi1>
      %ne3A_464 = arith.xori %lt3A_459, %ne3A_463 : vector<16xi1>
      %and3A_465 = arith.andi %ne3A_464, %ne3A_456 : vector<16xi1>
      %add3A_466 = vector.broadcast %select_n3A_451 : i32 to vector<16xi32>
      %add3A_467 = arith.addi %rem3A_453, %add3A_466 : vector<16xi32>
      %select_n3A_468 = arith.select %and3A_465, %add3A_467, %rem3A_453 : vector<16xi1>, vector<16xi32>
      %add3A_469 = arith.constant 4 : i32
      %add3A_470 = vector.broadcast %add3A_469 : i32 to vector<16xi32>
      %add3A_471 = arith.addi %select_n3A_468, %add3A_470 : vector<16xi32>
      %jit3A_472 = arith.constant 4 : i32
      %eq3A_473 = arith.constant 0 : i32
      %eq3A_474 = arith.cmpi eq, %jit3A_472, %eq3A_473 : i32
      %jit3A_475 = arith.constant 1 : i32
      %select_n3A_476 = arith.select %eq3A_474, %jit3A_475, %jit3A_472 : i32
      %rem3A_477 = vector.broadcast %select_n3A_476 : i32 to vector<16xi32>
      %rem3A_478 = arith.remsi %add3A_471, %rem3A_477 : vector<16xi32>
      %ne3A_479 = arith.constant 0 : i32
      %ne3A_480 = vector.broadcast %ne3A_479 : i32 to vector<16xi32>
      %ne3A_481 = arith.cmpi ne, %rem3A_478, %ne3A_480 : vector<16xi32>
      %lt3A_482 = arith.constant 0 : i32
      %lt3A_483 = vector.broadcast %lt3A_482 : i32 to vector<16xi32>
      %lt3A_484 = arith.cmpi slt, %rem3A_478, %lt3A_483 : vector<16xi32>
      %lt3A_485 = arith.constant 0 : i32
      %lt3A_486 = arith.cmpi slt, %select_n3A_476, %lt3A_485 : i32
      %ne3A_487 = vector.broadcast %lt3A_486 : i1 to vector<16xi1>
      %ne3A_488 = vector.broadcast %ne3A_487 : vector<16xi1> to vector<16xi1>
      %ne3A_489 = arith.xori %lt3A_484, %ne3A_488 : vector<16xi1>
      %and3A_490 = arith.andi %ne3A_489, %ne3A_481 : vector<16xi1>
      %add3A_491 = vector.broadcast %select_n3A_476 : i32 to vector<16xi32>
      %add3A_492 = arith.addi %rem3A_478, %add3A_491 : vector<16xi32>
      %select_n3A_493 = arith.select %and3A_490, %add3A_492, %rem3A_478 : vector<16xi1>, vector<16xi32>
      %mul3A_494 = arith.constant 3 : i32
      %mul3A_495 = vector.broadcast %mul3A_494 : i32 to vector<16xi32>
      %mul3A_496 = arith.muli %select_n3A_493, %mul3A_495 : vector<16xi32>
      %add3A_497 = arith.addi %mul3A_496, %broadcast_in_dim3A_235 : vector<16xi32>
      %eq3A_498 = arith.cmpi eq, %iota3A, %add3A_299 : vector<16xi32>
      %jit3A_499 = arith.constant 0.000000e+00 : f32
      %broadcast_in_dim3A_500 = vector.broadcast %jit3A_499 : f32 to vector<16xf32>
      %select_n3A_501 = arith.select %eq3A_498, %gather3A_133, %broadcast_in_dim3A_500 : vector<16xi1>, vector<16xf32>
      %add3A_502 = arith.addf %while3A_127, %select_n3A_501 : vector<16xf32>
      %eq3A_503 = arith.cmpi eq, %iota3A, %add3A_365 : vector<16xi32>
      %ne3A_504 = arith.cmpi ne, %add3A_299, %add3A_365 : vector<16xi32>
      %and3A_505 = arith.andi %eq3A_503, %ne3A_504 : vector<16xi1>
      %jit3A_506 = arith.constant 0.000000e+00 : f32
      %broadcast_in_dim3A_507 = vector.broadcast %jit3A_506 : f32 to vector<16xf32>
      %select_n3A_508 = arith.select %and3A_505, %gather3A_133, %broadcast_in_dim3A_507 : vector<16xi1>, vector<16xf32>
      %add3A_509 = arith.addf %add3A_502, %select_n3A_508 : vector<16xf32>
      %eq3A_510 = arith.cmpi eq, %iota3A, %add3A_431 : vector<16xi32>
      %jit3A_511 = arith.constant 0.000000e+00 : f32
      %broadcast_in_dim3A_512 = vector.broadcast %jit3A_511 : f32 to vector<16xf32>
      %select_n3A_513 = arith.select %eq3A_510, %gather3A_133, %broadcast_in_dim3A_512 : vector<16xi1>, vector<16xf32>
      %add3A_514 = arith.addf %while3A_128, %select_n3A_513 : vector<16xf32>
      %eq3A_515 = arith.cmpi eq, %iota3A, %add3A_497 : vector<16xi32>
      %ne3A_516 = arith.cmpi ne, %add3A_431, %add3A_497 : vector<16xi32>
      %and3A_517 = arith.andi %eq3A_515, %ne3A_516 : vector<16xi1>
      %jit3A_518 = arith.constant 0.000000e+00 : f32
      %broadcast_in_dim3A_519 = vector.broadcast %jit3A_518 : f32 to vector<16xf32>
      %select_n3A_520 = arith.select %and3A_517, %gather3A_133, %broadcast_in_dim3A_519 : vector<16xi1>, vector<16xf32>
      %add3A_521 = arith.addf %add3A_514, %select_n3A_520 : vector<16xf32>
      %reduce_max3A_522 = arith.constant true
      %reduce_max3A_523 = vector.broadcast %reduce_max3A_522 : i1 to vector<16xi1>
      %reduce_max3A_524 = tpu.scan <max>, %while3A_185#5 masked %reduce_max3A_523 : vector<16xf32>, vector<16xi1> -> vector<16xf32>
      %reduce_max3A_525 = vector.extract %reduce_max3A_524[15] : f32 from vector<16xf32>
      %eq3A_526 = vector.broadcast %reduce_max3A_525 : f32 to vector<16xf32>
      %eq3A_527 = arith.cmpf oeq, %while3A_185#5, %eq3A_526 : vector<16xf32>
      %jit3A_528 = arith.constant 20032 : i32
      %broadcast_in_dim3A_529 = vector.broadcast %jit3A_528 : i32 to vector<16xi32>
      %select_n3A_530 = arith.select %eq3A_527, %while3A_185#6, %broadcast_in_dim3A_529 : vector<16xi1>, vector<16xi32>
      %reduce_min3A_531 = arith.constant true
      %reduce_min3A_532 = vector.broadcast %reduce_min3A_531 : i1 to vector<16xi1>
      %reduce_min3A_533 = arith.constant -2147483648 : i32
      %reduce_min3A_534 = vector.broadcast %reduce_min3A_533 : i32 to vector<16xi32>
      %reduce_min3A_535 = arith.xori %select_n3A_530, %reduce_min3A_534 : vector<16xi32>
      %reduce_min3A_536 = tpu.scan <min>, %reduce_min3A_535 masked %reduce_min3A_532 : vector<16xi32>, vector<16xi1> -> vector<16xi32>
      %reduce_min3A_537 = arith.xori %reduce_min3A_536, %reduce_min3A_534 : vector<16xi32>
      %reduce_min3A_538 = vector.extract %reduce_min3A_537[15] : i32 from vector<16xi32>
      scf.yield %shift_right_arithmetic3A_191, %reduce_max3A_525, %reduce_min3A_538, %add3A_509, %add3A_521 : i32, f32, i32, vector<16xf32>, vector<16xf32>
    }
    %swap3A_111 = arith.constant 0 : i32
    %swap3A_112 = arith.index_cast %swap3A_111 : i32 to index
    %swap3A_113 = arith.constant 0 : index
    %swap3A_114 = tpu.vector_load %arg12[%swap3A_112, %swap3A_113] {strides = array<i32>} : memref<2x16xf32, #tpu.memory_space<vmem>>, vector<16xf32>,
    tpu.vector_store %arg12[%swap3A_112, %swap3A_113], %while3A_110#3 {strides = array<i32>} : memref<2x16xf32, #tpu.memory_space<vmem>>, vector<16xf32>,
    %swap3A_115 = arith.constant 1 : i32
    %swap3A_116 = arith.index_cast %swap3A_115 : i32 to index
    %swap3A_117 = arith.constant 0 : index
    %swap3A_118 = tpu.vector_load %arg12[%swap3A_116, %swap3A_117] {strides = array<i32>} : memref<2x16xf32, #tpu.memory_space<vmem>>, vector<16xf32>,
    tpu.vector_store %arg12[%swap3A_116, %swap3A_117], %while3A_110#4 {strides = array<i32>} : memref<2x16xf32, #tpu.memory_space<vmem>>, vector<16xf32>,
    "tpu.region"() ({
      %run_scoped3A = tpu.sem_alloc : memref<!tpu.dma_semaphore, #tpu.memory_space<semaphore_mem>>
      %dma_start3A_124 = arith.constant 0 : i32
      %dma_start3A_125 = arith.constant 0 : i32
      %dma_start3A_126 = tpu.memref_slice %arg3[%add3A, %dma_start3A_124, %dma_start3A_125] : memref<48x2x16xf32, #tpu.memory_space<hbm>> -> memref<1x2x16xf32, #tpu.memory_space<hbm>>
      %dma_start3A_127 = tpu.memref_squeeze %dma_start3A_126 : memref<1x2x16xf32, #tpu.memory_space<hbm>> -> memref<2x16xf32, #tpu.memory_space<hbm>>
      %dma_start3A_128 = arith.constant 0 : i32
      %dma_start3A_129 = arith.constant 0 : i32
      %dma_start3A_130 = tpu.memref_slice %arg3[%add3A, %dma_start3A_128, %dma_start3A_129] : memref<48x2x16xf32, #tpu.memory_space<hbm>> -> memref<1x2x16xf32, #tpu.memory_space<hbm>>
      %dma_start3A_131 = tpu.memref_squeeze %dma_start3A_130 : memref<1x2x16xf32, #tpu.memory_space<hbm>> -> memref<2x16xf32, #tpu.memory_space<hbm>>
      tpu.enqueue_dma source(%arg12 : memref<2x16xf32, #tpu.memory_space<vmem>>) target(%dma_start3A_131 : memref<2x16xf32, #tpu.memory_space<hbm>>) target_semaphore(%run_scoped3A : memref<!tpu.dma_semaphore, #tpu.memory_space<semaphore_mem>>)
      %dma_wait3A = arith.constant 0 : i32
      %dma_wait3A_132 = arith.constant 0 : i32
      %dma_wait3A_133 = tpu.memref_slice %arg3[%add3A, %dma_wait3A, %dma_wait3A_132] : memref<48x2x16xf32, #tpu.memory_space<hbm>> -> memref<1x2x16xf32, #tpu.memory_space<hbm>>
      %dma_wait3A_134 = tpu.memref_squeeze %dma_wait3A_133 : memref<1x2x16xf32, #tpu.memory_space<hbm>> -> memref<2x16xf32, #tpu.memory_space<hbm>>
      %dma_wait3A_135 = arith.constant 0 : i32
      %dma_wait3A_136 = arith.constant 0 : i32
      %dma_wait3A_137 = tpu.memref_slice %arg3[%add3A, %dma_wait3A_135, %dma_wait3A_136] : memref<48x2x16xf32, #tpu.memory_space<hbm>> -> memref<1x2x16xf32, #tpu.memory_space<hbm>>
      %dma_wait3A_138 = tpu.memref_squeeze %dma_wait3A_137 : memref<1x2x16xf32, #tpu.memory_space<hbm>> -> memref<2x16xf32, #tpu.memory_space<hbm>>
      tpu.wait_dma2 semaphore(%run_scoped3A : memref<!tpu.dma_semaphore, #tpu.memory_space<semaphore_mem>>) src(%arg12 : memref<2x16xf32, #tpu.memory_space<vmem>>) dst(%dma_wait3A_138 : memref<2x16xf32, #tpu.memory_space<hbm>>)
      tpu.yield
    }) : () -> ()
    %add3A_119 = arith.constant 32 : i32
    %add3A_120 = arith.addi %add3A, %add3A_119 : i32
    %lt3A_121 = arith.constant 48 : i32
    %lt3A_122 = arith.cmpi slt, %add3A_120, %lt3A_121 : i32
    %convert_element_type3A = arith.extui %lt3A_122 : i1 to i32
    %cond3A = arith.constant 0 : i32
    %cond3A_123 = arith.cmpi ne, %convert_element_type3A, %cond3A : i32
    scf.if %cond3A_123 {
      %add3A_124 = arith.constant 32 : i32
      %add3A_125 = arith.addi %add3A, %add3A_124 : i32
      %jit3A_126 = arith.constant 3 : i32
      %div3A_127 = arith.divsi %add3A_125, %jit3A_126 : i32
      %sign3A_128 = arith.constant 0 : i32
      %sign3A_129 = arith.cmpi sgt, %add3A_125, %sign3A_128 : i32
      %sign3A_130 = arith.extui %sign3A_129 : i1 to i32
      %sign3A_131 = arith.constant 0 : i32
      %sign3A_132 = arith.cmpi slt, %add3A_125, %sign3A_131 : i32
      %sign3A_133 = arith.extui %sign3A_132 : i1 to i32
      %sign3A_134 = arith.subi %sign3A_130, %sign3A_133 : i32
      %sign3A_135 = arith.constant 0 : i32
      %sign3A_136 = arith.cmpi sgt, %jit3A_126, %sign3A_135 : i32
      %sign3A_137 = arith.extui %sign3A_136 : i1 to i32
      %sign3A_138 = arith.constant 0 : i32
      %sign3A_139 = arith.cmpi slt, %jit3A_126, %sign3A_138 : i32
      %sign3A_140 = arith.extui %sign3A_139 : i1 to i32
      %sign3A_141 = arith.subi %sign3A_137, %sign3A_140 : i32
      %ne3A_142 = arith.cmpi ne, %sign3A_134, %sign3A_141 : i32
      %rem3A_143 = arith.remsi %add3A_125, %jit3A_126 : i32
      %ne3A_144 = arith.constant 0 : i32
      %ne3A_145 = arith.cmpi ne, %rem3A_143, %ne3A_144 : i32
      %and3A_146 = arith.andi %ne3A_142, %ne3A_145 : i1
      %sub3A_147 = arith.constant 1 : i32
      %sub3A_148 = arith.subi %div3A_127, %sub3A_147 : i32
      %select_n3A_149 = arith.select %and3A_146, %sub3A_148, %div3A_127 : i32
      %jit3A_150 = arith.constant 3 : i32
      %eq3A_151 = arith.constant 0 : i32
      %eq3A_152 = arith.cmpi eq, %jit3A_150, %eq3A_151 : i32
      %jit3A_153 = arith.constant 1 : i32
      %select_n3A_154 = arith.select %eq3A_152, %jit3A_153, %jit3A_150 : i32
      %rem3A_155 = arith.remsi %add3A_125, %select_n3A_154 : i32
      %ne3A_156 = arith.constant 0 : i32
      %ne3A_157 = arith.cmpi ne, %rem3A_155, %ne3A_156 : i32
      %lt3A_158 = arith.constant 0 : i32
      %lt3A_159 = arith.cmpi slt, %rem3A_155, %lt3A_158 : i32
      %lt3A_160 = arith.constant 0 : i32
      %lt3A_161 = arith.cmpi slt, %select_n3A_154, %lt3A_160 : i32
      %ne3A_162 = arith.xori %lt3A_159, %lt3A_161 : i1
      %and3A_163 = arith.andi %ne3A_162, %ne3A_157 : i1
      %add3A_164 = arith.addi %rem3A_155, %select_n3A_154 : i32
      %select_n3A_165 = arith.select %and3A_163, %add3A_164, %rem3A_155 : i32
      %broadcast_in_dim3A_166 = vector.broadcast %select_n3A_165 : i32 to vector<16xi32>
      %iota3A_167 = tpu.iota {dimensions = array<i32: 0>} : vector<16xi32>
      %mul3A_168 = arith.constant 8 : i32
      %mul3A_169 = vector.broadcast %mul3A_168 : i32 to vector<16xi32>
      %mul3A_170 = arith.muli %iota3A_167, %mul3A_169 : vector<16xi32>
      %dma_start3A_171 = arith.constant 0 : i32
      %dma_start3A_172 = tpu.memref_slice %arg2[%select_n3A_149, %dma_start3A_171] : memref<16x160000xf32, #tpu.memory_space<hbm>> -> memref<1x3200xf32, #tpu.memory_space<hbm>>
      %dma_start3A_173 = tpu.memref_squeeze %dma_start3A_172 : memref<1x3200xf32, #tpu.memory_space<hbm>> -> memref<3200xf32, #tpu.memory_space<hbm>>
      %dma_start3A_174 = arith.constant 0 : i32
      %dma_start3A_175 = tpu.memref_slice %arg2[%select_n3A_149, %dma_start3A_174] : memref<16x160000xf32, #tpu.memory_space<hbm>> -> memref<1x3200xf32, #tpu.memory_space<hbm>>
      %dma_start3A_176 = tpu.memref_squeeze %dma_start3A_175 : memref<1x3200xf32, #tpu.memory_space<hbm>> -> memref<3200xf32, #tpu.memory_space<hbm>>
      tpu.enqueue_dma source(%dma_start3A_176 : memref<3200xf32, #tpu.memory_space<hbm>>) target(%arg4 : memref<3200xf32, #tpu.memory_space<vmem>>) target_semaphore(%arg13 : memref<!tpu.dma_semaphore, #tpu.memory_space<semaphore_mem>>)
      %broadcast_in_dim3A_177 = arith.constant 0 : i32
      %broadcast_in_dim3A_178 = vector.broadcast %broadcast_in_dim3A_177 : i32 to vector<16xi32>
      %scan3A_179 = arith.constant 0 : i32
      %scan3A_180 = arith.constant 25 : i32
      %scan3A_181 = arith.addi %scan3A_179, %scan3A_180 : i32
      %scan3A_182 = arith.constant 1 : i32
      %scan3A_183 = scf.for %scan3A_264 = %scan3A_179 to %scan3A_181 step %scan3A_182 iter_args(%scan3A_265 = %broadcast_in_dim3A_178) -> (vector<16xi32>)  : i32 {
        %mul3A_266 = arith.constant 2 : i32
        %mul3A_267 = arith.muli %mul3A_266, %scan3A_264 : i32
        %add3A_268 = arith.constant 1 : i32
        %add3A_269 = arith.addi %mul3A_267, %add3A_268 : i32
        %mul3A_270 = arith.constant 400 : i32
        %mul3A_271 = arith.muli %add3A_269, %mul3A_270 : i32
        %mul3A_272 = arith.constant 8 : i32
        %mul3A_273 = arith.muli %mul3A_271, %mul3A_272 : i32
        %dma_start3A_274 = tpu.memref_slice %arg2[%select_n3A_149, %mul3A_273] : memref<16x160000xf32, #tpu.memory_space<hbm>> -> memref<1x3200xf32, #tpu.memory_space<hbm>>
        %dma_start3A_275 = tpu.memref_squeeze %dma_start3A_274 : memref<1x3200xf32, #tpu.memory_space<hbm>> -> memref<3200xf32, #tpu.memory_space<hbm>>
        %dma_start3A_276 = tpu.memref_slice %arg2[%select_n3A_149, %mul3A_273] : memref<16x160000xf32, #tpu.memory_space<hbm>> -> memref<1x3200xf32, #tpu.memory_space<hbm>>
        %dma_start3A_277 = tpu.memref_squeeze %dma_start3A_276 : memref<1x3200xf32, #tpu.memory_space<hbm>> -> memref<3200xf32, #tpu.memory_space<hbm>>
        tpu.enqueue_dma source(%dma_start3A_277 : memref<3200xf32, #tpu.memory_space<hbm>>) target(%arg5 : memref<3200xf32, #tpu.memory_space<vmem>>) target_semaphore(%arg14 : memref<!tpu.dma_semaphore, #tpu.memory_space<semaphore_mem>>)
        %mul3A_278 = arith.constant 400 : i32
        %mul3A_279 = arith.muli %mul3A_267, %mul3A_278 : i32
        %mul3A_280 = arith.constant 8 : i32
        %mul3A_281 = arith.muli %mul3A_279, %mul3A_280 : i32
        %dma_wait3A = tpu.memref_slice %arg2[%select_n3A_149, %mul3A_281] : memref<16x160000xf32, #tpu.memory_space<hbm>> -> memref<1x3200xf32, #tpu.memory_space<hbm>>
        %dma_wait3A_282 = tpu.memref_squeeze %dma_wait3A : memref<1x3200xf32, #tpu.memory_space<hbm>> -> memref<3200xf32, #tpu.memory_space<hbm>>
        %dma_wait3A_283 = tpu.memref_slice %arg2[%select_n3A_149, %mul3A_281] : memref<16x160000xf32, #tpu.memory_space<hbm>> -> memref<1x3200xf32, #tpu.memory_space<hbm>>
        %dma_wait3A_284 = tpu.memref_squeeze %dma_wait3A_283 : memref<1x3200xf32, #tpu.memory_space<hbm>> -> memref<3200xf32, #tpu.memory_space<hbm>>
        tpu.wait_dma2 semaphore(%arg13 : memref<!tpu.dma_semaphore, #tpu.memory_space<semaphore_mem>>) src(%dma_wait3A_284 : memref<3200xf32, #tpu.memory_space<hbm>>) dst(%arg4 : memref<3200xf32, #tpu.memory_space<vmem>>)
        %scan3A_285 = arith.constant 0 : i32
        %scan3A_286 = arith.constant 25 : i32
        %scan3A_287 = arith.addi %scan3A_285, %scan3A_286 : i32
        %scan3A_288 = arith.constant 1 : i32
        %scan3A_289 = scf.for %scan3A_314 = %scan3A_285 to %scan3A_287 step %scan3A_288 iter_args(%scan3A_315 = %scan3A_265) -> (vector<16xi32>)  : i32 {
          %mul3A_316 = arith.constant 128 : i32
          %mul3A_317 = arith.muli %scan3A_314, %mul3A_316 : i32
          %add3A_318 = vector.broadcast %mul3A_317 : i32 to vector<16xi32>
          %add3A_319 = arith.addi %add3A_318, %mul3A_170 : vector<16xi32>
          %add3A_320 = arith.constant 0 : i32
          %add3A_321 = vector.broadcast %add3A_320 : i32 to vector<16xi32>
          %add3A_322 = arith.addi %add3A_319, %add3A_321 : vector<16xi32>
          %gather3A = tpu.vector_load_idx %arg4[%add3A_322] : memref<3200xf32, #tpu.memory_space<vmem>>[vector<16xi32>], vector<16xf32>,
          %add3A_323 = arith.constant 1 : i32
          %add3A_324 = vector.broadcast %add3A_323 : i32 to vector<16xi32>
          %add3A_325 = arith.addi %add3A_319, %add3A_324 : vector<16xi32>
          %gather3A_326 = tpu.vector_load_idx %arg4[%add3A_325] : memref<3200xf32, #tpu.memory_space<vmem>>[vector<16xi32>], vector<16xf32>,
          %add3A_327 = arith.constant 2 : i32
          %add3A_328 = vector.broadcast %add3A_327 : i32 to vector<16xi32>
          %add3A_329 = arith.addi %add3A_319, %add3A_328 : vector<16xi32>
          %gather3A_330 = tpu.vector_load_idx %arg4[%add3A_329] : memref<3200xf32, #tpu.memory_space<vmem>>[vector<16xi32>], vector<16xf32>,
          %add3A_331 = arith.constant 3 : i32
          %add3A_332 = vector.broadcast %add3A_331 : i32 to vector<16xi32>
          %add3A_333 = arith.addi %add3A_319, %add3A_332 : vector<16xi32>
          %gather3A_334 = tpu.vector_load_idx %arg4[%add3A_333] : memref<3200xf32, #tpu.memory_space<vmem>>[vector<16xi32>], vector<16xf32>,
          %add3A_335 = arith.constant 4 : i32
          %add3A_336 = vector.broadcast %add3A_335 : i32 to vector<16xi32>
          %add3A_337 = arith.addi %add3A_319, %add3A_336 : vector<16xi32>
          %gather3A_338 = tpu.vector_load_idx %arg4[%add3A_337] : memref<3200xf32, #tpu.memory_space<vmem>>[vector<16xi32>], vector<16xf32>,
          %add3A_339 = arith.constant 5 : i32
          %add3A_340 = vector.broadcast %add3A_339 : i32 to vector<16xi32>
          %add3A_341 = arith.addi %add3A_319, %add3A_340 : vector<16xi32>
          %gather3A_342 = tpu.vector_load_idx %arg4[%add3A_341] : memref<3200xf32, #tpu.memory_space<vmem>>[vector<16xi32>], vector<16xf32>,
          %add3A_343 = arith.constant 6 : i32
          %add3A_344 = vector.broadcast %add3A_343 : i32 to vector<16xi32>
          %add3A_345 = arith.addi %add3A_319, %add3A_344 : vector<16xi32>
          %gather3A_346 = tpu.vector_load_idx %arg4[%add3A_345] : memref<3200xf32, #tpu.memory_space<vmem>>[vector<16xi32>], vector<16xf32>,
          %add3A_347 = arith.constant 7 : i32
          %add3A_348 = vector.broadcast %add3A_347 : i32 to vector<16xi32>
          %add3A_349 = arith.addi %add3A_319, %add3A_348 : vector<16xi32>
          %gather3A_350 = tpu.vector_load_idx %arg4[%add3A_349] : memref<3200xf32, #tpu.memory_space<vmem>>[vector<16xi32>], vector<16xf32>,
          %mul3A_351 = arith.constant 5.000000e-01 : f32
          %mul3A_352 = vector.broadcast %mul3A_351 : f32 to vector<16xf32>
          %mul3A_353 = arith.mulf %gather3A_330, %mul3A_352 : vector<16xf32>
          %mul3A_354 = arith.constant 5.000000e-01 : f32
          %mul3A_355 = vector.broadcast %mul3A_354 : f32 to vector<16xf32>
          %mul3A_356 = arith.mulf %gather3A_334, %mul3A_355 : vector<16xf32>
          %max3A = arith.maximumf %gather3A_342, %gather3A_346 : vector<16xf32>
          %max3A_357 = arith.maximumf %max3A, %gather3A_350 : vector<16xf32>
          %ge3A = arith.cmpf oge, %gather3A_342, %gather3A_346 : vector<16xf32>
          %ge3A_358 = arith.cmpf oge, %gather3A_342, %gather3A_350 : vector<16xf32>
          %and3A_359 = arith.andi %ge3A, %ge3A_358 : vector<16xi1>
          %ge3A_360 = arith.cmpf oge, %gather3A_346, %gather3A_350 : vector<16xf32>
          %jit3A_361 = arith.constant 1 : i32
          %jit3A_362 = arith.constant 2 : i32
          %broadcast_in_dim3A_363 = vector.broadcast %jit3A_361 : i32 to vector<16xi32>
          %broadcast_in_dim3A_364 = vector.broadcast %jit3A_362 : i32 to vector<16xi32>
          %select_n3A_365 = arith.select %ge3A_360, %broadcast_in_dim3A_363, %broadcast_in_dim3A_364 : vector<16xi1>, vector<16xi32>
          %jit3A_366 = arith.constant 0 : i32
          %broadcast_in_dim3A_367 = vector.broadcast %jit3A_366 : i32 to vector<16xi32>
          %select_n3A_368 = arith.select %and3A_359, %broadcast_in_dim3A_367, %select_n3A_365 : vector<16xi1>, vector<16xi32>
          %ge3A_369 = arith.constant 3.000000e-01 : f32
          %ge3A_370 = vector.broadcast %ge3A_369 : f32 to vector<16xf32>
          %ge3A_371 = arith.cmpf oge, %gather3A_338, %ge3A_370 : vector<16xf32>
          %eq3A_372 = arith.cmpi eq, %select_n3A_368, %broadcast_in_dim3A_166 : vector<16xi32>
          %and3A_373 = arith.andi %ge3A_371, %eq3A_372 : vector<16xi1>
          %jit3A_374 = arith.constant 1 : i32
          %jit3A_375 = arith.constant 0 : i32
          %broadcast_in_dim3A_376 = vector.broadcast %jit3A_374 : i32 to vector<16xi32>
          %broadcast_in_dim3A_377 = vector.broadcast %jit3A_375 : i32 to vector<16xi32>
          %select_n3A_378 = arith.select %and3A_373, %broadcast_in_dim3A_376, %broadcast_in_dim3A_377 : vector<16xi1>, vector<16xi32>
          %broadcast_in_dim3A_379 = arith.constant true
          %broadcast_in_dim3A_380 = vector.broadcast %broadcast_in_dim3A_379 : i1 to vector<16xi1>
          %masked_cumsum3A = tpu.scan <sum>, %select_n3A_378 masked %broadcast_in_dim3A_380 : vector<16xi32>, vector<16xi1> -> vector<16xi32>
          %add3A_381 = arith.addi %scan3A_315, %masked_cumsum3A : vector<16xi32>
          %sub3A_382 = arith.constant 1 : i32
          %sub3A_383 = vector.broadcast %sub3A_382 : i32 to vector<16xi32>
          %sub3A_384 = arith.subi %add3A_381, %sub3A_383 : vector<16xi32>
          %sub3A_385 = arith.subf %gather3A, %mul3A_353 : vector<16xf32>
          tpu.vector_store_idx %arg6[%sub3A_384], %sub3A_385 masked %and3A_373 : memref<20032xf32, #tpu.memory_space<vmem>>[vector<16xi32>], vector<16xf32>, vector<16xi1>
          %sub3A_386 = arith.subf %gather3A_326, %mul3A_356 : vector<16xf32>
          tpu.vector_store_idx %arg7[%sub3A_384], %sub3A_386 masked %and3A_373 : memref<20032xf32, #tpu.memory_space<vmem>>[vector<16xi32>], vector<16xf32>, vector<16xi1>
          %add3A_387 = arith.addf %gather3A, %mul3A_353 : vector<16xf32>
          tpu.vector_store_idx %arg8[%sub3A_384], %add3A_387 masked %and3A_373 : memref<20032xf32, #tpu.memory_space<vmem>>[vector<16xi32>], vector<16xf32>, vector<16xi1>
          %add3A_388 = arith.addf %gather3A_326, %mul3A_356 : vector<16xf32>
          tpu.vector_store_idx %arg9[%sub3A_384], %add3A_388 masked %and3A_373 : memref<20032xf32, #tpu.memory_space<vmem>>[vector<16xi32>], vector<16xf32>, vector<16xi1>
          tpu.vector_store_idx %arg10[%sub3A_384], %gather3A_338 masked %and3A_373 : memref<20032xf32, #tpu.memory_space<vmem>>[vector<16xi32>], vector<16xf32>, vector<16xi1>
          %mul3A_389 = arith.mulf %gather3A_338, %max3A_357 : vector<16xf32>
          tpu.vector_store_idx %arg11[%sub3A_384], %mul3A_389 masked %and3A_373 : memref<20032xf32, #tpu.memory_space<vmem>>[vector<16xi32>], vector<16xf32>, vector<16xi1>
          %all_reduce_population_count3A = tpu.all_reduce %and3A_373 {dim = 0 : i64, kind = #tpu.reduction_kind<sum>} : vector<16xi1> -> vector<16xi32>
          %add3A_390 = arith.addi %scan3A_315, %all_reduce_population_count3A : vector<16xi32>
          scf.yield %add3A_390 : vector<16xi32>
        }
        %scan3A_290 = arith.constant 25 : i32
        %add3A_291 = arith.constant 2 : i32
        %add3A_292 = arith.addi %mul3A_267, %add3A_291 : i32
        %lt3A_293 = arith.constant 50 : i32
        %lt3A_294 = arith.cmpi slt, %add3A_292, %lt3A_293 : i32
        %convert_element_type3A_295 = arith.extui %lt3A_294 : i1 to i32
        %cond3A_296 = arith.constant 0 : i32
        %cond3A_297 = arith.cmpi ne, %convert_element_type3A_295, %cond3A_296 : i32
        scf.if %cond3A_297 {
          %add3A_314 = arith.constant 2 : i32
          %add3A_315 = arith.addi %mul3A_267, %add3A_314 : i32
          %mul3A_316 = arith.constant 400 : i32
          %mul3A_317 = arith.muli %add3A_315, %mul3A_316 : i32
          %mul3A_318 = arith.constant 8 : i32
          %mul3A_319 = arith.muli %mul3A_317, %mul3A_318 : i32
          %dma_start3A_320 = tpu.memref_slice %arg2[%select_n3A_149, %mul3A_319] : memref<16x160000xf32, #tpu.memory_space<hbm>> -> memref<1x3200xf32, #tpu.memory_space<hbm>>
          %dma_start3A_321 = tpu.memref_squeeze %dma_start3A_320 : memref<1x3200xf32, #tpu.memory_space<hbm>> -> memref<3200xf32, #tpu.memory_space<hbm>>
          %dma_start3A_322 = tpu.memref_slice %arg2[%select_n3A_149, %mul3A_319] : memref<16x160000xf32, #tpu.memory_space<hbm>> -> memref<1x3200xf32, #tpu.memory_space<hbm>>
          %dma_start3A_323 = tpu.memref_squeeze %dma_start3A_322 : memref<1x3200xf32, #tpu.memory_space<hbm>> -> memref<3200xf32, #tpu.memory_space<hbm>>
          tpu.enqueue_dma source(%dma_start3A_323 : memref<3200xf32, #tpu.memory_space<hbm>>) target(%arg4 : memref<3200xf32, #tpu.memory_space<vmem>>) target_semaphore(%arg13 : memref<!tpu.dma_semaphore, #tpu.memory_space<semaphore_mem>>)
        } else {
        }
        %add3A_298 = arith.constant 1 : i32
        %add3A_299 = arith.addi %mul3A_267, %add3A_298 : i32
        %mul3A_300 = arith.constant 400 : i32
        %mul3A_301 = arith.muli %add3A_299, %mul3A_300 : i32
        %mul3A_302 = arith.constant 8 : i32
        %mul3A_303 = arith.muli %mul3A_301, %mul3A_302 : i32
        %dma_wait3A_304 = tpu.memref_slice %arg2[%select_n3A_149, %mul3A_303] : memref<16x160000xf32, #tpu.memory_space<hbm>> -> memref<1x3200xf32, #tpu.memory_space<hbm>>
        %dma_wait3A_305 = tpu.memref_squeeze %dma_wait3A_304 : memref<1x3200xf32, #tpu.memory_space<hbm>> -> memref<3200xf32, #tpu.memory_space<hbm>>
        %dma_wait3A_306 = tpu.memref_slice %arg2[%select_n3A_149, %mul3A_303] : memref<16x160000xf32, #tpu.memory_space<hbm>> -> memref<1x3200xf32, #tpu.memory_space<hbm>>
        %dma_wait3A_307 = tpu.memref_squeeze %dma_wait3A_306 : memref<1x3200xf32, #tpu.memory_space<hbm>> -> memref<3200xf32, #tpu.memory_space<hbm>>
        tpu.wait_dma2 semaphore(%arg14 : memref<!tpu.dma_semaphore, #tpu.memory_space<semaphore_mem>>) src(%dma_wait3A_307 : memref<3200xf32, #tpu.memory_space<hbm>>) dst(%arg5 : memref<3200xf32, #tpu.memory_space<vmem>>)
        %scan3A_308 = arith.constant 0 : i32
        %scan3A_309 = arith.constant 25 : i32
        %scan3A_310 = arith.addi %scan3A_308, %scan3A_309 : i32
        %scan3A_311 = arith.constant 1 : i32
        %scan3A_312 = scf.for %scan3A_314 = %scan3A_308 to %scan3A_310 step %scan3A_311 iter_args(%scan3A_315 = %scan3A_289) -> (vector<16xi32>)  : i32 {
          %mul3A_316 = arith.constant 128 : i32
          %mul3A_317 = arith.muli %scan3A_314, %mul3A_316 : i32
          %add3A_318 = vector.broadcast %mul3A_317 : i32 to vector<16xi32>
          %add3A_319 = arith.addi %add3A_318, %mul3A_170 : vector<16xi32>
          %add3A_320 = arith.constant 0 : i32
          %add3A_321 = vector.broadcast %add3A_320 : i32 to vector<16xi32>
          %add3A_322 = arith.addi %add3A_319, %add3A_321 : vector<16xi32>
          %gather3A = tpu.vector_load_idx %arg5[%add3A_322] : memref<3200xf32, #tpu.memory_space<vmem>>[vector<16xi32>], vector<16xf32>,
          %add3A_323 = arith.constant 1 : i32
          %add3A_324 = vector.broadcast %add3A_323 : i32 to vector<16xi32>
          %add3A_325 = arith.addi %add3A_319, %add3A_324 : vector<16xi32>
          %gather3A_326 = tpu.vector_load_idx %arg5[%add3A_325] : memref<3200xf32, #tpu.memory_space<vmem>>[vector<16xi32>], vector<16xf32>,
          %add3A_327 = arith.constant 2 : i32
          %add3A_328 = vector.broadcast %add3A_327 : i32 to vector<16xi32>
          %add3A_329 = arith.addi %add3A_319, %add3A_328 : vector<16xi32>
          %gather3A_330 = tpu.vector_load_idx %arg5[%add3A_329] : memref<3200xf32, #tpu.memory_space<vmem>>[vector<16xi32>], vector<16xf32>,
          %add3A_331 = arith.constant 3 : i32
          %add3A_332 = vector.broadcast %add3A_331 : i32 to vector<16xi32>
          %add3A_333 = arith.addi %add3A_319, %add3A_332 : vector<16xi32>
          %gather3A_334 = tpu.vector_load_idx %arg5[%add3A_333] : memref<3200xf32, #tpu.memory_space<vmem>>[vector<16xi32>], vector<16xf32>,
          %add3A_335 = arith.constant 4 : i32
          %add3A_336 = vector.broadcast %add3A_335 : i32 to vector<16xi32>
          %add3A_337 = arith.addi %add3A_319, %add3A_336 : vector<16xi32>
          %gather3A_338 = tpu.vector_load_idx %arg5[%add3A_337] : memref<3200xf32, #tpu.memory_space<vmem>>[vector<16xi32>], vector<16xf32>,
          %add3A_339 = arith.constant 5 : i32
          %add3A_340 = vector.broadcast %add3A_339 : i32 to vector<16xi32>
          %add3A_341 = arith.addi %add3A_319, %add3A_340 : vector<16xi32>
          %gather3A_342 = tpu.vector_load_idx %arg5[%add3A_341] : memref<3200xf32, #tpu.memory_space<vmem>>[vector<16xi32>], vector<16xf32>,
          %add3A_343 = arith.constant 6 : i32
          %add3A_344 = vector.broadcast %add3A_343 : i32 to vector<16xi32>
          %add3A_345 = arith.addi %add3A_319, %add3A_344 : vector<16xi32>
          %gather3A_346 = tpu.vector_load_idx %arg5[%add3A_345] : memref<3200xf32, #tpu.memory_space<vmem>>[vector<16xi32>], vector<16xf32>,
          %add3A_347 = arith.constant 7 : i32
          %add3A_348 = vector.broadcast %add3A_347 : i32 to vector<16xi32>
          %add3A_349 = arith.addi %add3A_319, %add3A_348 : vector<16xi32>
          %gather3A_350 = tpu.vector_load_idx %arg5[%add3A_349] : memref<3200xf32, #tpu.memory_space<vmem>>[vector<16xi32>], vector<16xf32>,
          %mul3A_351 = arith.constant 5.000000e-01 : f32
          %mul3A_352 = vector.broadcast %mul3A_351 : f32 to vector<16xf32>
          %mul3A_353 = arith.mulf %gather3A_330, %mul3A_352 : vector<16xf32>
          %mul3A_354 = arith.constant 5.000000e-01 : f32
          %mul3A_355 = vector.broadcast %mul3A_354 : f32 to vector<16xf32>
          %mul3A_356 = arith.mulf %gather3A_334, %mul3A_355 : vector<16xf32>
          %max3A = arith.maximumf %gather3A_342, %gather3A_346 : vector<16xf32>
          %max3A_357 = arith.maximumf %max3A, %gather3A_350 : vector<16xf32>
          %ge3A = arith.cmpf oge, %gather3A_342, %gather3A_346 : vector<16xf32>
          %ge3A_358 = arith.cmpf oge, %gather3A_342, %gather3A_350 : vector<16xf32>
          %and3A_359 = arith.andi %ge3A, %ge3A_358 : vector<16xi1>
          %ge3A_360 = arith.cmpf oge, %gather3A_346, %gather3A_350 : vector<16xf32>
          %jit3A_361 = arith.constant 1 : i32
          %jit3A_362 = arith.constant 2 : i32
          %broadcast_in_dim3A_363 = vector.broadcast %jit3A_361 : i32 to vector<16xi32>
          %broadcast_in_dim3A_364 = vector.broadcast %jit3A_362 : i32 to vector<16xi32>
          %select_n3A_365 = arith.select %ge3A_360, %broadcast_in_dim3A_363, %broadcast_in_dim3A_364 : vector<16xi1>, vector<16xi32>
          %jit3A_366 = arith.constant 0 : i32
          %broadcast_in_dim3A_367 = vector.broadcast %jit3A_366 : i32 to vector<16xi32>
          %select_n3A_368 = arith.select %and3A_359, %broadcast_in_dim3A_367, %select_n3A_365 : vector<16xi1>, vector<16xi32>
          %ge3A_369 = arith.constant 3.000000e-01 : f32
          %ge3A_370 = vector.broadcast %ge3A_369 : f32 to vector<16xf32>
          %ge3A_371 = arith.cmpf oge, %gather3A_338, %ge3A_370 : vector<16xf32>
          %eq3A_372 = arith.cmpi eq, %select_n3A_368, %broadcast_in_dim3A_166 : vector<16xi32>
          %and3A_373 = arith.andi %ge3A_371, %eq3A_372 : vector<16xi1>
          %jit3A_374 = arith.constant 1 : i32
          %jit3A_375 = arith.constant 0 : i32
          %broadcast_in_dim3A_376 = vector.broadcast %jit3A_374 : i32 to vector<16xi32>
          %broadcast_in_dim3A_377 = vector.broadcast %jit3A_375 : i32 to vector<16xi32>
          %select_n3A_378 = arith.select %and3A_373, %broadcast_in_dim3A_376, %broadcast_in_dim3A_377 : vector<16xi1>, vector<16xi32>
          %broadcast_in_dim3A_379 = arith.constant true
          %broadcast_in_dim3A_380 = vector.broadcast %broadcast_in_dim3A_379 : i1 to vector<16xi1>
          %masked_cumsum3A = tpu.scan <sum>, %select_n3A_378 masked %broadcast_in_dim3A_380 : vector<16xi32>, vector<16xi1> -> vector<16xi32>
          %add3A_381 = arith.addi %scan3A_315, %masked_cumsum3A : vector<16xi32>
          %sub3A_382 = arith.constant 1 : i32
          %sub3A_383 = vector.broadcast %sub3A_382 : i32 to vector<16xi32>
          %sub3A_384 = arith.subi %add3A_381, %sub3A_383 : vector<16xi32>
          %sub3A_385 = arith.subf %gather3A, %mul3A_353 : vector<16xf32>
          tpu.vector_store_idx %arg6[%sub3A_384], %sub3A_385 masked %and3A_373 : memref<20032xf32, #tpu.memory_space<vmem>>[vector<16xi32>], vector<16xf32>, vector<16xi1>
          %sub3A_386 = arith.subf %gather3A_326, %mul3A_356 : vector<16xf32>
          tpu.vector_store_idx %arg7[%sub3A_384], %sub3A_386 masked %and3A_373 : memref<20032xf32, #tpu.memory_space<vmem>>[vector<16xi32>], vector<16xf32>, vector<16xi1>
          %add3A_387 = arith.addf %gather3A, %mul3A_353 : vector<16xf32>
          tpu.vector_store_idx %arg8[%sub3A_384], %add3A_387 masked %and3A_373 : memref<20032xf32, #tpu.memory_space<vmem>>[vector<16xi32>], vector<16xf32>, vector<16xi1>
          %add3A_388 = arith.addf %gather3A_326, %mul3A_356 : vector<16xf32>
          tpu.vector_store_idx %arg9[%sub3A_384], %add3A_388 masked %and3A_373 : memref<20032xf32, #tpu.memory_space<vmem>>[vector<16xi32>], vector<16xf32>, vector<16xi1>
          tpu.vector_store_idx %arg10[%sub3A_384], %gather3A_338 masked %and3A_373 : memref<20032xf32, #tpu.memory_space<vmem>>[vector<16xi32>], vector<16xf32>, vector<16xi1>
          %mul3A_389 = arith.mulf %gather3A_338, %max3A_357 : vector<16xf32>
          tpu.vector_store_idx %arg11[%sub3A_384], %mul3A_389 masked %and3A_373 : memref<20032xf32, #tpu.memory_space<vmem>>[vector<16xi32>], vector<16xf32>, vector<16xi1>
          %all_reduce_population_count3A = tpu.all_reduce %and3A_373 {dim = 0 : i64, kind = #tpu.reduction_kind<sum>} : vector<16xi1> -> vector<16xi32>
          %add3A_390 = arith.addi %scan3A_315, %all_reduce_population_count3A : vector<16xi32>
          scf.yield %add3A_390 : vector<16xi32>
        }
        %scan3A_313 = arith.constant 25 : i32
        scf.yield %scan3A_312 : vector<16xi32>
      }
      %scan3A_184 = arith.constant 25 : i32
      %reduce_sum3A_185 = arith.constant true
      %reduce_sum3A_186 = vector.broadcast %reduce_sum3A_185 : i1 to vector<16xi1>
      %reduce_sum3A_187 = tpu.scan <sum>, %scan3A_183 masked %reduce_sum3A_186 : vector<16xi32>, vector<16xi1> -> vector<16xi32>
      %reduce_sum3A_188 = vector.extract %reduce_sum3A_187[15] : i32 from vector<16xi32>
      %shift_right_arithmetic3A_189 = arith.constant 4 : i32
      %shift_right_arithmetic3A_190 = arith.shrsi %reduce_sum3A_188, %shift_right_arithmetic3A_189 : i32
      %broadcast_in_dim3A_191 = arith.constant -1.000000e+00 : f32
      %broadcast_in_dim3A_192 = vector.broadcast %broadcast_in_dim3A_191 : f32 to vector<16xf32>
      %swap3A_193 = arith.index_cast %shift_right_arithmetic3A_190 : i32 to index
      %swap3A_194 = tpu.vector_load %arg11[%swap3A_193] {strides = array<i32>} : memref<20032xf32, #tpu.memory_space<vmem>>, vector<16xf32>,
      tpu.vector_store %arg11[%swap3A_193], %broadcast_in_dim3A_192 {strides = array<i32>} : memref<20032xf32, #tpu.memory_space<vmem>>, vector<16xf32>,
      %add3A_195 = arith.constant 15 : i32
      %add3A_196 = arith.addi %shift_right_arithmetic3A_190, %add3A_195 : i32
      %jit3A_197 = arith.constant 16 : i32
      %div3A_198 = arith.divsi %add3A_196, %jit3A_197 : i32
      %sign3A_199 = arith.constant 0 : i32
      %sign3A_200 = arith.cmpi sgt, %add3A_196, %sign3A_199 : i32
      %sign3A_201 = arith.extui %sign3A_200 : i1 to i32
      %sign3A_202 = arith.constant 0 : i32
      %sign3A_203 = arith.cmpi slt, %add3A_196, %sign3A_202 : i32
      %sign3A_204 = arith.extui %sign3A_203 : i1 to i32
      %sign3A_205 = arith.subi %sign3A_201, %sign3A_204 : i32
      %sign3A_206 = arith.constant 0 : i32
      %sign3A_207 = arith.cmpi sgt, %jit3A_197, %sign3A_206 : i32
      %sign3A_208 = arith.extui %sign3A_207 : i1 to i32
      %sign3A_209 = arith.constant 0 : i32
      %sign3A_210 = arith.cmpi slt, %jit3A_197, %sign3A_209 : i32
      %sign3A_211 = arith.extui %sign3A_210 : i1 to i32
      %sign3A_212 = arith.subi %sign3A_208, %sign3A_211 : i32
      %ne3A_213 = arith.cmpi ne, %sign3A_205, %sign3A_212 : i32
      %rem3A_214 = arith.remsi %add3A_196, %jit3A_197 : i32
      %ne3A_215 = arith.constant 0 : i32
      %ne3A_216 = arith.cmpi ne, %rem3A_214, %ne3A_215 : i32
      %and3A_217 = arith.andi %ne3A_213, %ne3A_216 : i1
      %sub3A_218 = arith.constant 1 : i32
      %sub3A_219 = arith.subi %div3A_198, %sub3A_218 : i32
      %select_n3A_220 = arith.select %and3A_217, %sub3A_219, %div3A_198 : i32
      %broadcast_in_dim3A_221 = arith.constant -1.000000e+00 : f32
      %broadcast_in_dim3A_222 = vector.broadcast %broadcast_in_dim3A_221 : f32 to vector<16xf32>
      %broadcast_in_dim3A_223 = arith.constant 0 : i32
      %broadcast_in_dim3A_224 = vector.broadcast %broadcast_in_dim3A_223 : i32 to vector<16xi32>
      %while3A_225 = arith.constant 0 : i32
      %while3A_226 = arith.subi %select_n3A_220, %while3A_225 : i32
      %while3A_227 = arith.addi %while3A_225, %while3A_226 : i32
      %while3A_228 = arith.constant 1 : i32
      %while3A_229 = arith.divsi %while3A_226, %while3A_228 : i32
      %while3A_230 = arith.muli %while3A_229, %while3A_228 : i32
      %while3A_231 = arith.addi %while3A_225, %while3A_230 : i32
      %while3A_232 = arith.constant 1 : i32
      %while3A_233:2 = scf.for %while3A_264 = %while3A_225 to %while3A_231 step %while3A_232 iter_args(%while3A_265 = %broadcast_in_dim3A_222, %while3A_266 = %broadcast_in_dim3A_224) -> (vector<16xf32>, vector<16xi32>)  : i32 {
        %mul3A_267 = arith.constant 16 : i32
        %mul3A_268 = arith.muli %while3A_264, %mul3A_267 : i32
        %get3A = arith.index_cast %mul3A_268 : i32 to index
        %get3A_269 = tpu.vector_load %arg11[%get3A] {strides = array<i32>} : memref<20032xf32, #tpu.memory_space<vmem>>, vector<16xf32>,
        %gt3A = arith.cmpf ogt, %get3A_269, %while3A_265 : vector<16xf32>
        %select_n3A_270 = arith.select %gt3A, %get3A_269, %while3A_265 : vector<16xi1>, vector<16xf32>
        %mul3A_271 = arith.constant 16 : i32
        %mul3A_272 = arith.muli %while3A_264, %mul3A_271 : i32
        %add3A_273 = vector.broadcast %mul3A_272 : i32 to vector<16xi32>
        %add3A_274 = arith.addi %add3A_273, %iota3A_167 : vector<16xi32>
        %select_n3A_275 = arith.select %gt3A, %add3A_274, %while3A_266 : vector<16xi1>, vector<16xi32>
        scf.yield %select_n3A_270, %select_n3A_275 : vector<16xf32>, vector<16xi32>
      }
      %while3A_234 = arith.constant 1 : i32
      %while3A_235:2 = scf.for %while3A_264 = %while3A_231 to %while3A_227 step %while3A_234 iter_args(%while3A_265 = %while3A_233#0, %while3A_266 = %while3A_233#1) -> (vector<16xf32>, vector<16xi32>)  : i32 {
        %mul3A_267 = arith.constant 16 : i32
        %mul3A_268 = arith.muli %while3A_264, %mul3A_267 : i32
        %get3A = arith.index_cast %mul3A_268 : i32 to index
        %get3A_269 = tpu.vector_load %arg11[%get3A] {strides = array<i32>} : memref<20032xf32, #tpu.memory_space<vmem>>, vector<16xf32>,
        %gt3A = arith.cmpf ogt, %get3A_269, %while3A_265 : vector<16xf32>
        %select_n3A_270 = arith.select %gt3A, %get3A_269, %while3A_265 : vector<16xi1>, vector<16xf32>
        %mul3A_271 = arith.constant 16 : i32
        %mul3A_272 = arith.muli %while3A_264, %mul3A_271 : i32
        %add3A_273 = vector.broadcast %mul3A_272 : i32 to vector<16xi32>
        %add3A_274 = arith.addi %add3A_273, %iota3A_167 : vector<16xi32>
        %select_n3A_275 = arith.select %gt3A, %add3A_274, %while3A_266 : vector<16xi1>, vector<16xi32>
        scf.yield %select_n3A_270, %select_n3A_275 : vector<16xf32>, vector<16xi32>
      }
      %reduce_max3A_236 = arith.constant true
      %reduce_max3A_237 = vector.broadcast %reduce_max3A_236 : i1 to vector<16xi1>
      %reduce_max3A_238 = tpu.scan <max>, %while3A_235#0 masked %reduce_max3A_237 : vector<16xf32>, vector<16xi1> -> vector<16xf32>
      %reduce_max3A_239 = vector.extract %reduce_max3A_238[15] : f32 from vector<16xf32>
      %eq3A_240 = vector.broadcast %reduce_max3A_239 : f32 to vector<16xf32>
      %eq3A_241 = arith.cmpf oeq, %while3A_235#0, %eq3A_240 : vector<16xf32>
      %jit3A_242 = arith.constant 20032 : i32
      %broadcast_in_dim3A_243 = vector.broadcast %jit3A_242 : i32 to vector<16xi32>
      %select_n3A_244 = arith.select %eq3A_241, %while3A_235#1, %broadcast_in_dim3A_243 : vector<16xi1>, vector<16xi32>
      %reduce_min3A_245 = arith.constant true
      %reduce_min3A_246 = vector.broadcast %reduce_min3A_245 : i1 to vector<16xi1>
      %reduce_min3A_247 = arith.constant -2147483648 : i32
      %reduce_min3A_248 = vector.broadcast %reduce_min3A_247 : i32 to vector<16xi32>
      %reduce_min3A_249 = arith.xori %select_n3A_244, %reduce_min3A_248 : vector<16xi32>
      %reduce_min3A_250 = tpu.scan <min>, %reduce_min3A_249 masked %reduce_min3A_246 : vector<16xi32>, vector<16xi1> -> vector<16xi32>
      %reduce_min3A_251 = arith.xori %reduce_min3A_250, %reduce_min3A_248 : vector<16xi32>
      %reduce_min3A_252 = vector.extract %reduce_min3A_251[15] : i32 from vector<16xi32>
      %broadcast_in_dim3A_253 = arith.constant 0.000000e+00 : f32
      %broadcast_in_dim3A_254 = vector.broadcast %broadcast_in_dim3A_253 : f32 to vector<16xf32>
      %while3A_255:5 = scf.while (%while3A_264 = %shift_right_arithmetic3A_190, %while3A_265 = %reduce_max3A_239, %while3A_266 = %reduce_min3A_252, %while3A_267 = %broadcast_in_dim3A_254, %while3A_268 = %broadcast_in_dim3A_254) : (i32, f32, i32, vector<16xf32>, vector<16xf32>) -> (i32, f32, i32, vector<16xf32>, vector<16xf32>) {
        %ge3A = arith.constant 0.000000e+00 : f32
        %ge3A_269 = arith.cmpf oge, %while3A_265, %ge3A : f32
        scf.condition(%ge3A_269) %while3A_264, %while3A_265, %while3A_266, %while3A_267, %while3A_268 : i32, f32, i32, vector<16xf32>, vector<16xf32>
      } do {
      ^bb0(%while3A_264: i32, %while3A_265: f32, %while3A_266: i32, %while3A_267: vector<16xf32>, %while3A_268: vector<16xf32>):
        %broadcast_in_dim3A_269 = vector.broadcast %while3A_266 : i32 to vector<16xi32>
        %gather3A = tpu.vector_load_idx %arg6[%broadcast_in_dim3A_269] : memref<20032xf32, #tpu.memory_space<vmem>>[vector<16xi32>], vector<16xf32>,
        %gather3A_270 = tpu.vector_load_idx %arg7[%broadcast_in_dim3A_269] : memref<20032xf32, #tpu.memory_space<vmem>>[vector<16xi32>], vector<16xf32>,
        %gather3A_271 = tpu.vector_load_idx %arg8[%broadcast_in_dim3A_269] : memref<20032xf32, #tpu.memory_space<vmem>>[vector<16xi32>], vector<16xf32>,
        %gather3A_272 = tpu.vector_load_idx %arg9[%broadcast_in_dim3A_269] : memref<20032xf32, #tpu.memory_space<vmem>>[vector<16xi32>], vector<16xf32>,
        %gather3A_273 = tpu.vector_load_idx %arg10[%broadcast_in_dim3A_269] : memref<20032xf32, #tpu.memory_space<vmem>>[vector<16xi32>], vector<16xf32>,
        %sub3A_274 = arith.subf %gather3A_271, %gather3A : vector<16xf32>
        %add3A_275 = arith.constant 1.000000e+00 : f32
        %add3A_276 = vector.broadcast %add3A_275 : f32 to vector<16xf32>
        %add3A_277 = arith.addf %sub3A_274, %add3A_276 : vector<16xf32>
        %sub3A_278 = arith.subf %gather3A_272, %gather3A_270 : vector<16xf32>
        %add3A_279 = arith.constant 1.000000e+00 : f32
        %add3A_280 = vector.broadcast %add3A_279 : f32 to vector<16xf32>
        %add3A_281 = arith.addf %sub3A_278, %add3A_280 : vector<16xf32>
        %mul3A_282 = arith.mulf %add3A_277, %add3A_281 : vector<16xf32>
        %add3A_283 = arith.constant 15 : i32
        %add3A_284 = arith.addi %while3A_264, %add3A_283 : i32
        %jit3A_285 = arith.constant 16 : i32
        %div3A_286 = arith.divsi %add3A_284, %jit3A_285 : i32
        %sign3A_287 = arith.constant 0 : i32
        %sign3A_288 = arith.cmpi sgt, %add3A_284, %sign3A_287 : i32
        %sign3A_289 = arith.extui %sign3A_288 : i1 to i32
        %sign3A_290 = arith.constant 0 : i32
        %sign3A_291 = arith.cmpi slt, %add3A_284, %sign3A_290 : i32
        %sign3A_292 = arith.extui %sign3A_291 : i1 to i32
        %sign3A_293 = arith.subi %sign3A_289, %sign3A_292 : i32
        %sign3A_294 = arith.constant 0 : i32
        %sign3A_295 = arith.cmpi sgt, %jit3A_285, %sign3A_294 : i32
        %sign3A_296 = arith.extui %sign3A_295 : i1 to i32
        %sign3A_297 = arith.constant 0 : i32
        %sign3A_298 = arith.cmpi slt, %jit3A_285, %sign3A_297 : i32
        %sign3A_299 = arith.extui %sign3A_298 : i1 to i32
        %sign3A_300 = arith.subi %sign3A_296, %sign3A_299 : i32
        %ne3A_301 = arith.cmpi ne, %sign3A_293, %sign3A_300 : i32
        %rem3A_302 = arith.remsi %add3A_284, %jit3A_285 : i32
        %ne3A_303 = arith.constant 0 : i32
        %ne3A_304 = arith.cmpi ne, %rem3A_302, %ne3A_303 : i32
        %and3A_305 = arith.andi %ne3A_301, %ne3A_304 : i1
        %sub3A_306 = arith.constant 1 : i32
        %sub3A_307 = arith.subi %div3A_286, %sub3A_306 : i32
        %select_n3A_308 = arith.select %and3A_305, %sub3A_307, %div3A_286 : i32
        %broadcast_in_dim3A_309 = arith.constant 0 : i32
        %broadcast_in_dim3A_310 = vector.broadcast %broadcast_in_dim3A_309 : i32 to vector<16xi32>
        %broadcast_in_dim3A_311 = arith.constant -1.000000e+00 : f32
        %broadcast_in_dim3A_312 = vector.broadcast %broadcast_in_dim3A_311 : f32 to vector<16xf32>
        %broadcast_in_dim3A_313 = arith.constant 0 : i32
        %broadcast_in_dim3A_314 = vector.broadcast %broadcast_in_dim3A_313 : i32 to vector<16xi32>
        %while3A_315 = arith.constant 0 : i32
        %while3A_316 = arith.subi %select_n3A_308, %while3A_315 : i32
        %while3A_317 = arith.addi %while3A_315, %while3A_316 : i32
        %while3A_318 = arith.constant 1 : i32
        %while3A_319 = arith.divsi %while3A_316, %while3A_318 : i32
        %while3A_320 = arith.muli %while3A_319, %while3A_318 : i32
        %while3A_321 = arith.addi %while3A_315, %while3A_320 : i32
        %while3A_322 = arith.constant 1 : i32
        %while3A_323:7 = scf.for %while3A_679 = %while3A_315 to %while3A_321 step %while3A_322 iter_args(%while3A_680 = %broadcast_in_dim3A_310, %while3A_681 = %broadcast_in_dim3A_254, %while3A_682 = %broadcast_in_dim3A_254, %while3A_683 = %broadcast_in_dim3A_254, %while3A_684 = %broadcast_in_dim3A_254, %while3A_685 = %broadcast_in_dim3A_312, %while3A_686 = %broadcast_in_dim3A_314) -> (vector<16xi32>, vector<16xf32>, vector<16xf32>, vector<16xf32>, vector<16xf32>, vector<16xf32>, vector<16xi32>)  : i32 {
          %mul3A_687 = arith.constant 16 : i32
          %mul3A_688 = arith.muli %while3A_679, %mul3A_687 : i32
          %get3A = arith.index_cast %mul3A_688 : i32 to index
          %get3A_689 = tpu.vector_load %arg6[%get3A] {strides = array<i32>} : memref<20032xf32, #tpu.memory_space<vmem>>, vector<16xf32>,
          %get3A_690 = arith.index_cast %mul3A_688 : i32 to index
          %get3A_691 = tpu.vector_load %arg7[%get3A_690] {strides = array<i32>} : memref<20032xf32, #tpu.memory_space<vmem>>, vector<16xf32>,
          %get3A_692 = arith.index_cast %mul3A_688 : i32 to index
          %get3A_693 = tpu.vector_load %arg8[%get3A_692] {strides = array<i32>} : memref<20032xf32, #tpu.memory_space<vmem>>, vector<16xf32>,
          %get3A_694 = arith.index_cast %mul3A_688 : i32 to index
          %get3A_695 = tpu.vector_load %arg9[%get3A_694] {strides = array<i32>} : memref<20032xf32, #tpu.memory_space<vmem>>, vector<16xf32>,
          %get3A_696 = arith.index_cast %mul3A_688 : i32 to index
          %get3A_697 = tpu.vector_load %arg10[%get3A_696] {strides = array<i32>} : memref<20032xf32, #tpu.memory_space<vmem>>, vector<16xf32>,
          %get3A_698 = arith.index_cast %mul3A_688 : i32 to index
          %get3A_699 = tpu.vector_load %arg11[%get3A_698] {strides = array<i32>} : memref<20032xf32, #tpu.memory_space<vmem>>, vector<16xf32>,
          %ge3A = arith.constant 0.000000e+00 : f32
          %ge3A_700 = vector.broadcast %ge3A : f32 to vector<16xf32>
          %ge3A_701 = arith.cmpf oge, %get3A_699, %ge3A_700 : vector<16xf32>
          %min3A_702 = arith.minimumf %gather3A_271, %get3A_693 : vector<16xf32>
          %max3A = arith.maximumf %gather3A, %get3A_689 : vector<16xf32>
          %sub3A_703 = arith.subf %min3A_702, %max3A : vector<16xf32>
          %add3A_704 = arith.constant 1.000000e+00 : f32
          %add3A_705 = vector.broadcast %add3A_704 : f32 to vector<16xf32>
          %add3A_706 = arith.addf %sub3A_703, %add3A_705 : vector<16xf32>
          %max3A_707 = arith.constant 0.000000e+00 : f32
          %max3A_708 = vector.broadcast %max3A_707 : f32 to vector<16xf32>
          %max3A_709 = arith.maximumf %add3A_706, %max3A_708 : vector<16xf32>
          %min3A_710 = arith.minimumf %gather3A_272, %get3A_695 : vector<16xf32>
          %max3A_711 = arith.maximumf %gather3A_270, %get3A_691 : vector<16xf32>
          %sub3A_712 = arith.subf %min3A_710, %max3A_711 : vector<16xf32>
          %add3A_713 = arith.constant 1.000000e+00 : f32
          %add3A_714 = vector.broadcast %add3A_713 : f32 to vector<16xf32>
          %add3A_715 = arith.addf %sub3A_712, %add3A_714 : vector<16xf32>
          %max3A_716 = arith.constant 0.000000e+00 : f32
          %max3A_717 = vector.broadcast %max3A_716 : f32 to vector<16xf32>
          %max3A_718 = arith.maximumf %add3A_715, %max3A_717 : vector<16xf32>
          %mul3A_719 = arith.mulf %max3A_709, %max3A_718 : vector<16xf32>
          %sub3A_720 = arith.subf %get3A_693, %get3A_689 : vector<16xf32>
          %add3A_721 = arith.constant 1.000000e+00 : f32
          %add3A_722 = vector.broadcast %add3A_721 : f32 to vector<16xf32>
          %add3A_723 = arith.addf %sub3A_720, %add3A_722 : vector<16xf32>
          %sub3A_724 = arith.subf %get3A_695, %get3A_691 : vector<16xf32>
          %add3A_725 = arith.constant 1.000000e+00 : f32
          %add3A_726 = vector.broadcast %add3A_725 : f32 to vector<16xf32>
          %add3A_727 = arith.addf %sub3A_724, %add3A_726 : vector<16xf32>
          %mul3A_728 = arith.mulf %add3A_723, %add3A_727 : vector<16xf32>
          %add3A_729 = arith.addf %mul3A_282, %mul3A_728 : vector<16xf32>
          %sub3A_730 = arith.subf %add3A_729, %mul3A_719 : vector<16xf32>
          %add3A_731 = arith.constant 1.000000e-16 : f32
          %add3A_732 = vector.broadcast %add3A_731 : f32 to vector<16xf32>
          %add3A_733 = arith.addf %sub3A_730, %add3A_732 : vector<16xf32>
          %div3A_734 = arith.divf %mul3A_719, %add3A_733 : vector<16xf32>
          %gt3A_735 = arith.constant 2.000000e-01 : f32
          %gt3A_736 = vector.broadcast %gt3A_735 : f32 to vector<16xf32>
          %gt3A_737 = arith.cmpf ogt, %div3A_734, %gt3A_736 : vector<16xf32>
          %and3A_738 = arith.andi %gt3A_737, %ge3A_701 : vector<16xi1>
          %jit3A_739 = arith.constant 0.000000e+00 : f32
          %broadcast_in_dim3A_740 = vector.broadcast %jit3A_739 : f32 to vector<16xf32>
          %select_n3A_741 = arith.select %and3A_738, %get3A_697, %broadcast_in_dim3A_740 : vector<16xi1>, vector<16xf32>
          %not3A = arith.constant dense<true> : vector<16xi1>
          %not3A_742 = arith.xori %and3A_738, %not3A : vector<16xi1>
          %and3A_743 = arith.andi %ge3A_701, %not3A_742 : vector<16xi1>
          %jit3A_744 = arith.constant 1 : i32
          %jit3A_745 = arith.constant 0 : i32
          %broadcast_in_dim3A_746 = vector.broadcast %jit3A_744 : i32 to vector<16xi32>
          %broadcast_in_dim3A_747 = vector.broadcast %jit3A_745 : i32 to vector<16xi32>
          %select_n3A_748 = arith.select %and3A_743, %broadcast_in_dim3A_746, %broadcast_in_dim3A_747 : vector<16xi1>, vector<16xi32>
          %broadcast_in_dim3A_749 = arith.constant true
          %broadcast_in_dim3A_750 = vector.broadcast %broadcast_in_dim3A_749 : i1 to vector<16xi1>
          %masked_cumsum3A = tpu.scan <sum>, %select_n3A_748 masked %broadcast_in_dim3A_750 : vector<16xi32>, vector<16xi1> -> vector<16xi32>
          %add3A_751 = arith.addi %while3A_680, %masked_cumsum3A : vector<16xi32>
          %sub3A_752 = arith.constant 1 : i32
          %sub3A_753 = vector.broadcast %sub3A_752 : i32 to vector<16xi32>
          %sub3A_754 = arith.subi %add3A_751, %sub3A_753 : vector<16xi32>
          tpu.vector_store_idx %arg6[%sub3A_754], %get3A_689 masked %and3A_743 : memref<20032xf32, #tpu.memory_space<vmem>>[vector<16xi32>], vector<16xf32>, vector<16xi1>
          tpu.vector_store_idx %arg7[%sub3A_754], %get3A_691 masked %and3A_743 : memref<20032xf32, #tpu.memory_space<vmem>>[vector<16xi32>], vector<16xf32>, vector<16xi1>
          tpu.vector_store_idx %arg8[%sub3A_754], %get3A_693 masked %and3A_743 : memref<20032xf32, #tpu.memory_space<vmem>>[vector<16xi32>], vector<16xf32>, vector<16xi1>
          tpu.vector_store_idx %arg9[%sub3A_754], %get3A_695 masked %and3A_743 : memref<20032xf32, #tpu.memory_space<vmem>>[vector<16xi32>], vector<16xf32>, vector<16xi1>
          tpu.vector_store_idx %arg10[%sub3A_754], %get3A_697 masked %and3A_743 : memref<20032xf32, #tpu.memory_space<vmem>>[vector<16xi32>], vector<16xf32>, vector<16xi1>
          tpu.vector_store_idx %arg11[%sub3A_754], %get3A_699 masked %and3A_743 : memref<20032xf32, #tpu.memory_space<vmem>>[vector<16xi32>], vector<16xf32>, vector<16xi1>
          %gt3A_755 = arith.cmpf ogt, %get3A_699, %while3A_685 : vector<16xf32>
          %and3A_756 = arith.andi %and3A_743, %gt3A_755 : vector<16xi1>
          %all_reduce_population_count3A = tpu.all_reduce %and3A_743 {dim = 0 : i64, kind = #tpu.reduction_kind<sum>} : vector<16xi1> -> vector<16xi32>
          %add3A_757 = arith.addi %while3A_680, %all_reduce_population_count3A : vector<16xi32>
          %add3A_758 = arith.addf %while3A_681, %select_n3A_741 : vector<16xf32>
          %mul3A_759 = arith.mulf %select_n3A_741, %get3A_689 : vector<16xf32>
          %add3A_760 = arith.addf %while3A_682, %mul3A_759 : vector<16xf32>
          %mul3A_761 = arith.mulf %select_n3A_741, %get3A_691 : vector<16xf32>
          %add3A_762 = arith.addf %while3A_683, %mul3A_761 : vector<16xf32>
          %mul3A_763 = arith.mulf %select_n3A_741, %get3A_695 : vector<16xf32>
          %add3A_764 = arith.addf %while3A_684, %mul3A_763 : vector<16xf32>
          %select_n3A_765 = arith.select %and3A_756, %get3A_699, %while3A_685 : vector<16xi1>, vector<16xf32>
          %select_n3A_766 = arith.select %and3A_756, %sub3A_754, %while3A_686 : vector<16xi1>, vector<16xi32>
          scf.yield %add3A_757, %add3A_758, %add3A_760, %add3A_762, %add3A_764, %select_n3A_765, %select_n3A_766 : vector<16xi32>, vector<16xf32>, vector<16xf32>, vector<16xf32>, vector<16xf32>, vector<16xf32>, vector<16xi32>
        }
        %while3A_324 = arith.constant 1 : i32
        %while3A_325:7 = scf.for %while3A_679 = %while3A_321 to %while3A_317 step %while3A_324 iter_args(%while3A_680 = %while3A_323#0, %while3A_681 = %while3A_323#1, %while3A_682 = %while3A_323#2, %while3A_683 = %while3A_323#3, %while3A_684 = %while3A_323#4, %while3A_685 = %while3A_323#5, %while3A_686 = %while3A_323#6) -> (vector<16xi32>, vector<16xf32>, vector<16xf32>, vector<16xf32>, vector<16xf32>, vector<16xf32>, vector<16xi32>)  : i32 {
          %mul3A_687 = arith.constant 16 : i32
          %mul3A_688 = arith.muli %while3A_679, %mul3A_687 : i32
          %get3A = arith.index_cast %mul3A_688 : i32 to index
          %get3A_689 = tpu.vector_load %arg6[%get3A] {strides = array<i32>} : memref<20032xf32, #tpu.memory_space<vmem>>, vector<16xf32>,
          %get3A_690 = arith.index_cast %mul3A_688 : i32 to index
          %get3A_691 = tpu.vector_load %arg7[%get3A_690] {strides = array<i32>} : memref<20032xf32, #tpu.memory_space<vmem>>, vector<16xf32>,
          %get3A_692 = arith.index_cast %mul3A_688 : i32 to index
          %get3A_693 = tpu.vector_load %arg8[%get3A_692] {strides = array<i32>} : memref<20032xf32, #tpu.memory_space<vmem>>, vector<16xf32>,
          %get3A_694 = arith.index_cast %mul3A_688 : i32 to index
          %get3A_695 = tpu.vector_load %arg9[%get3A_694] {strides = array<i32>} : memref<20032xf32, #tpu.memory_space<vmem>>, vector<16xf32>,
          %get3A_696 = arith.index_cast %mul3A_688 : i32 to index
          %get3A_697 = tpu.vector_load %arg10[%get3A_696] {strides = array<i32>} : memref<20032xf32, #tpu.memory_space<vmem>>, vector<16xf32>,
          %get3A_698 = arith.index_cast %mul3A_688 : i32 to index
          %get3A_699 = tpu.vector_load %arg11[%get3A_698] {strides = array<i32>} : memref<20032xf32, #tpu.memory_space<vmem>>, vector<16xf32>,
          %ge3A = arith.constant 0.000000e+00 : f32
          %ge3A_700 = vector.broadcast %ge3A : f32 to vector<16xf32>
          %ge3A_701 = arith.cmpf oge, %get3A_699, %ge3A_700 : vector<16xf32>
          %min3A_702 = arith.minimumf %gather3A_271, %get3A_693 : vector<16xf32>
          %max3A = arith.maximumf %gather3A, %get3A_689 : vector<16xf32>
          %sub3A_703 = arith.subf %min3A_702, %max3A : vector<16xf32>
          %add3A_704 = arith.constant 1.000000e+00 : f32
          %add3A_705 = vector.broadcast %add3A_704 : f32 to vector<16xf32>
          %add3A_706 = arith.addf %sub3A_703, %add3A_705 : vector<16xf32>
          %max3A_707 = arith.constant 0.000000e+00 : f32
          %max3A_708 = vector.broadcast %max3A_707 : f32 to vector<16xf32>
          %max3A_709 = arith.maximumf %add3A_706, %max3A_708 : vector<16xf32>
          %min3A_710 = arith.minimumf %gather3A_272, %get3A_695 : vector<16xf32>
          %max3A_711 = arith.maximumf %gather3A_270, %get3A_691 : vector<16xf32>
          %sub3A_712 = arith.subf %min3A_710, %max3A_711 : vector<16xf32>
          %add3A_713 = arith.constant 1.000000e+00 : f32
          %add3A_714 = vector.broadcast %add3A_713 : f32 to vector<16xf32>
          %add3A_715 = arith.addf %sub3A_712, %add3A_714 : vector<16xf32>
          %max3A_716 = arith.constant 0.000000e+00 : f32
          %max3A_717 = vector.broadcast %max3A_716 : f32 to vector<16xf32>
          %max3A_718 = arith.maximumf %add3A_715, %max3A_717 : vector<16xf32>
          %mul3A_719 = arith.mulf %max3A_709, %max3A_718 : vector<16xf32>
          %sub3A_720 = arith.subf %get3A_693, %get3A_689 : vector<16xf32>
          %add3A_721 = arith.constant 1.000000e+00 : f32
          %add3A_722 = vector.broadcast %add3A_721 : f32 to vector<16xf32>
          %add3A_723 = arith.addf %sub3A_720, %add3A_722 : vector<16xf32>
          %sub3A_724 = arith.subf %get3A_695, %get3A_691 : vector<16xf32>
          %add3A_725 = arith.constant 1.000000e+00 : f32
          %add3A_726 = vector.broadcast %add3A_725 : f32 to vector<16xf32>
          %add3A_727 = arith.addf %sub3A_724, %add3A_726 : vector<16xf32>
          %mul3A_728 = arith.mulf %add3A_723, %add3A_727 : vector<16xf32>
          %add3A_729 = arith.addf %mul3A_282, %mul3A_728 : vector<16xf32>
          %sub3A_730 = arith.subf %add3A_729, %mul3A_719 : vector<16xf32>
          %add3A_731 = arith.constant 1.000000e-16 : f32
          %add3A_732 = vector.broadcast %add3A_731 : f32 to vector<16xf32>
          %add3A_733 = arith.addf %sub3A_730, %add3A_732 : vector<16xf32>
          %div3A_734 = arith.divf %mul3A_719, %add3A_733 : vector<16xf32>
          %gt3A_735 = arith.constant 2.000000e-01 : f32
          %gt3A_736 = vector.broadcast %gt3A_735 : f32 to vector<16xf32>
          %gt3A_737 = arith.cmpf ogt, %div3A_734, %gt3A_736 : vector<16xf32>
          %and3A_738 = arith.andi %gt3A_737, %ge3A_701 : vector<16xi1>
          %jit3A_739 = arith.constant 0.000000e+00 : f32
          %broadcast_in_dim3A_740 = vector.broadcast %jit3A_739 : f32 to vector<16xf32>
          %select_n3A_741 = arith.select %and3A_738, %get3A_697, %broadcast_in_dim3A_740 : vector<16xi1>, vector<16xf32>
          %not3A = arith.constant dense<true> : vector<16xi1>
          %not3A_742 = arith.xori %and3A_738, %not3A : vector<16xi1>
          %and3A_743 = arith.andi %ge3A_701, %not3A_742 : vector<16xi1>
          %jit3A_744 = arith.constant 1 : i32
          %jit3A_745 = arith.constant 0 : i32
          %broadcast_in_dim3A_746 = vector.broadcast %jit3A_744 : i32 to vector<16xi32>
          %broadcast_in_dim3A_747 = vector.broadcast %jit3A_745 : i32 to vector<16xi32>
          %select_n3A_748 = arith.select %and3A_743, %broadcast_in_dim3A_746, %broadcast_in_dim3A_747 : vector<16xi1>, vector<16xi32>
          %broadcast_in_dim3A_749 = arith.constant true
          %broadcast_in_dim3A_750 = vector.broadcast %broadcast_in_dim3A_749 : i1 to vector<16xi1>
          %masked_cumsum3A = tpu.scan <sum>, %select_n3A_748 masked %broadcast_in_dim3A_750 : vector<16xi32>, vector<16xi1> -> vector<16xi32>
          %add3A_751 = arith.addi %while3A_680, %masked_cumsum3A : vector<16xi32>
          %sub3A_752 = arith.constant 1 : i32
          %sub3A_753 = vector.broadcast %sub3A_752 : i32 to vector<16xi32>
          %sub3A_754 = arith.subi %add3A_751, %sub3A_753 : vector<16xi32>
          tpu.vector_store_idx %arg6[%sub3A_754], %get3A_689 masked %and3A_743 : memref<20032xf32, #tpu.memory_space<vmem>>[vector<16xi32>], vector<16xf32>, vector<16xi1>
          tpu.vector_store_idx %arg7[%sub3A_754], %get3A_691 masked %and3A_743 : memref<20032xf32, #tpu.memory_space<vmem>>[vector<16xi32>], vector<16xf32>, vector<16xi1>
          tpu.vector_store_idx %arg8[%sub3A_754], %get3A_693 masked %and3A_743 : memref<20032xf32, #tpu.memory_space<vmem>>[vector<16xi32>], vector<16xf32>, vector<16xi1>
          tpu.vector_store_idx %arg9[%sub3A_754], %get3A_695 masked %and3A_743 : memref<20032xf32, #tpu.memory_space<vmem>>[vector<16xi32>], vector<16xf32>, vector<16xi1>
          tpu.vector_store_idx %arg10[%sub3A_754], %get3A_697 masked %and3A_743 : memref<20032xf32, #tpu.memory_space<vmem>>[vector<16xi32>], vector<16xf32>, vector<16xi1>
          tpu.vector_store_idx %arg11[%sub3A_754], %get3A_699 masked %and3A_743 : memref<20032xf32, #tpu.memory_space<vmem>>[vector<16xi32>], vector<16xf32>, vector<16xi1>
          %gt3A_755 = arith.cmpf ogt, %get3A_699, %while3A_685 : vector<16xf32>
          %and3A_756 = arith.andi %and3A_743, %gt3A_755 : vector<16xi1>
          %all_reduce_population_count3A = tpu.all_reduce %and3A_743 {dim = 0 : i64, kind = #tpu.reduction_kind<sum>} : vector<16xi1> -> vector<16xi32>
          %add3A_757 = arith.addi %while3A_680, %all_reduce_population_count3A : vector<16xi32>
          %add3A_758 = arith.addf %while3A_681, %select_n3A_741 : vector<16xf32>
          %mul3A_759 = arith.mulf %select_n3A_741, %get3A_689 : vector<16xf32>
          %add3A_760 = arith.addf %while3A_682, %mul3A_759 : vector<16xf32>
          %mul3A_761 = arith.mulf %select_n3A_741, %get3A_691 : vector<16xf32>
          %add3A_762 = arith.addf %while3A_683, %mul3A_761 : vector<16xf32>
          %mul3A_763 = arith.mulf %select_n3A_741, %get3A_695 : vector<16xf32>
          %add3A_764 = arith.addf %while3A_684, %mul3A_763 : vector<16xf32>
          %select_n3A_765 = arith.select %and3A_756, %get3A_699, %while3A_685 : vector<16xi1>, vector<16xf32>
          %select_n3A_766 = arith.select %and3A_756, %sub3A_754, %while3A_686 : vector<16xi1>, vector<16xi32>
          scf.yield %add3A_757, %add3A_758, %add3A_760, %add3A_762, %add3A_764, %select_n3A_765, %select_n3A_766 : vector<16xi32>, vector<16xf32>, vector<16xf32>, vector<16xf32>, vector<16xf32>, vector<16xf32>, vector<16xi32>
        }
        %reduce_sum3A_326 = arith.constant true
        %reduce_sum3A_327 = vector.broadcast %reduce_sum3A_326 : i1 to vector<16xi1>
        %reduce_sum3A_328 = tpu.scan <sum>, %while3A_325#0 masked %reduce_sum3A_327 : vector<16xi32>, vector<16xi1> -> vector<16xi32>
        %reduce_sum3A_329 = vector.extract %reduce_sum3A_328[15] : i32 from vector<16xi32>
        %shift_right_arithmetic3A_330 = arith.constant 4 : i32
        %shift_right_arithmetic3A_331 = arith.shrsi %reduce_sum3A_329, %shift_right_arithmetic3A_330 : i32
        %broadcast_in_dim3A_332 = arith.constant -1.000000e+00 : f32
        %broadcast_in_dim3A_333 = vector.broadcast %broadcast_in_dim3A_332 : f32 to vector<16xf32>
        %swap3A_334 = arith.index_cast %shift_right_arithmetic3A_331 : i32 to index
        %swap3A_335 = tpu.vector_load %arg11[%swap3A_334] {strides = array<i32>} : memref<20032xf32, #tpu.memory_space<vmem>>, vector<16xf32>,
        tpu.vector_store %arg11[%swap3A_334], %broadcast_in_dim3A_333 {strides = array<i32>} : memref<20032xf32, #tpu.memory_space<vmem>>, vector<16xf32>,
        %reduce_sum3A_336 = arith.constant true
        %reduce_sum3A_337 = vector.broadcast %reduce_sum3A_336 : i1 to vector<16xi1>
        %reduce_sum3A_338 = tpu.scan <sum>, %while3A_325#1 masked %reduce_sum3A_337 : vector<16xf32>, vector<16xi1> -> vector<16xf32>
        %reduce_sum3A_339 = vector.extract %reduce_sum3A_338[15] : f32 from vector<16xf32>
        %broadcast_in_dim3A_340 = vector.broadcast %reduce_sum3A_339 : f32 to vector<16xf32>
        %reduce_sum3A_341 = arith.constant true
        %reduce_sum3A_342 = vector.broadcast %reduce_sum3A_341 : i1 to vector<16xi1>
        %reduce_sum3A_343 = tpu.scan <sum>, %while3A_325#2 masked %reduce_sum3A_342 : vector<16xf32>, vector<16xi1> -> vector<16xf32>
        %reduce_sum3A_344 = vector.extract %reduce_sum3A_343[15] : f32 from vector<16xf32>
        %broadcast_in_dim3A_345 = vector.broadcast %reduce_sum3A_344 : f32 to vector<16xf32>
        %div3A_346 = arith.divf %broadcast_in_dim3A_345, %broadcast_in_dim3A_340 : vector<16xf32>
        %reduce_sum3A_347 = arith.constant true
        %reduce_sum3A_348 = vector.broadcast %reduce_sum3A_347 : i1 to vector<16xi1>
        %reduce_sum3A_349 = tpu.scan <sum>, %while3A_325#3 masked %reduce_sum3A_348 : vector<16xf32>, vector<16xi1> -> vector<16xf32>
        %reduce_sum3A_350 = vector.extract %reduce_sum3A_349[15] : f32 from vector<16xf32>
        %broadcast_in_dim3A_351 = vector.broadcast %reduce_sum3A_350 : f32 to vector<16xf32>
        %div3A_352 = arith.divf %broadcast_in_dim3A_351, %broadcast_in_dim3A_340 : vector<16xf32>
        %reduce_sum3A_353 = arith.constant true
        %reduce_sum3A_354 = vector.broadcast %reduce_sum3A_353 : i1 to vector<16xi1>
        %reduce_sum3A_355 = tpu.scan <sum>, %while3A_325#4 masked %reduce_sum3A_354 : vector<16xf32>, vector<16xi1> -> vector<16xf32>
        %reduce_sum3A_356 = vector.extract %reduce_sum3A_355[15] : f32 from vector<16xf32>
        %broadcast_in_dim3A_357 = vector.broadcast %reduce_sum3A_356 : f32 to vector<16xf32>
        %div3A_358 = arith.divf %broadcast_in_dim3A_357, %broadcast_in_dim3A_340 : vector<16xf32>
        %jit3A_359 = arith.constant 3 : i32
        %eq3A_360 = arith.constant 0 : i32
        %eq3A_361 = arith.cmpi eq, %jit3A_359, %eq3A_360 : i32
        %jit3A_362 = arith.constant 1 : i32
        %select_n3A_363 = arith.select %eq3A_361, %jit3A_362, %jit3A_359 : i32
        %rem3A_364 = arith.remsi %add3A_125, %select_n3A_363 : i32
        %ne3A_365 = arith.constant 0 : i32
        %ne3A_366 = arith.cmpi ne, %rem3A_364, %ne3A_365 : i32
        %lt3A_367 = arith.constant 0 : i32
        %lt3A_368 = arith.cmpi slt, %rem3A_364, %lt3A_367 : i32
        %lt3A_369 = arith.constant 0 : i32
        %lt3A_370 = arith.cmpi slt, %select_n3A_363, %lt3A_369 : i32
        %ne3A_371 = arith.xori %lt3A_368, %lt3A_370 : i1
        %and3A_372 = arith.andi %ne3A_371, %ne3A_366 : i1
        %add3A_373 = arith.addi %rem3A_364, %select_n3A_363 : i32
        %select_n3A_374 = arith.select %and3A_372, %add3A_373, %rem3A_364 : i32
        %broadcast_in_dim3A_375 = vector.broadcast %select_n3A_374 : i32 to vector<16xi32>
        %mul3A_376 = arith.constant 0.00961538497 : f32
        %mul3A_377 = vector.broadcast %mul3A_376 : f32 to vector<16xf32>
        %mul3A_378 = arith.mulf %div3A_346, %mul3A_377 : vector<16xf32>
        %convert_element_type3A_379 = arith.fptosi %mul3A_378 : vector<16xf32> to vector<16xi32>
        %convert_element_type3A_380 = arith.sitofp %convert_element_type3A_379 : vector<16xi32> to vector<16xf32>
        %gt3A = arith.cmpf ogt, %convert_element_type3A_380, %mul3A_378 : vector<16xf32>
        %jit3A_381 = arith.constant 1 : i32
        %jit3A_382 = arith.constant 0 : i32
        %broadcast_in_dim3A_383 = vector.broadcast %jit3A_381 : i32 to vector<16xi32>
        %broadcast_in_dim3A_384 = vector.broadcast %jit3A_382 : i32 to vector<16xi32>
        %select_n3A_385 = arith.select %gt3A, %broadcast_in_dim3A_383, %broadcast_in_dim3A_384 : vector<16xi1>, vector<16xi32>
        %sub3A_386 = arith.subi %convert_element_type3A_379, %select_n3A_385 : vector<16xi32>
        %min3A = arith.constant 3 : i32
        %min3A_387 = vector.broadcast %min3A : i32 to vector<16xi32>
        %min3A_388 = arith.minsi %sub3A_386, %min3A_387 : vector<16xi32>
        %jit3A_389 = arith.constant 4 : i32
        %eq3A_390 = arith.constant 0 : i32
        %eq3A_391 = arith.cmpi eq, %jit3A_389, %eq3A_390 : i32
        %jit3A_392 = arith.constant 1 : i32
        %select_n3A_393 = arith.select %eq3A_391, %jit3A_392, %jit3A_389 : i32
        %rem3A_394 = vector.broadcast %select_n3A_393 : i32 to vector<16xi32>
        %rem3A_395 = arith.remsi %min3A_388, %rem3A_394 : vector<16xi32>
        %ne3A_396 = arith.constant 0 : i32
        %ne3A_397 = vector.broadcast %ne3A_396 : i32 to vector<16xi32>
        %ne3A_398 = arith.cmpi ne, %rem3A_395, %ne3A_397 : vector<16xi32>
        %lt3A_399 = arith.constant 0 : i32
        %lt3A_400 = vector.broadcast %lt3A_399 : i32 to vector<16xi32>
        %lt3A_401 = arith.cmpi slt, %rem3A_395, %lt3A_400 : vector<16xi32>
        %lt3A_402 = arith.constant 0 : i32
        %lt3A_403 = arith.cmpi slt, %select_n3A_393, %lt3A_402 : i32
        %ne3A_404 = vector.broadcast %lt3A_403 : i1 to vector<16xi1>
        %ne3A_405 = vector.broadcast %ne3A_404 : vector<16xi1> to vector<16xi1>
        %ne3A_406 = arith.xori %lt3A_401, %ne3A_405 : vector<16xi1>
        %and3A_407 = arith.andi %ne3A_406, %ne3A_398 : vector<16xi1>
        %add3A_408 = vector.broadcast %select_n3A_393 : i32 to vector<16xi32>
        %add3A_409 = arith.addi %rem3A_395, %add3A_408 : vector<16xi32>
        %select_n3A_410 = arith.select %and3A_407, %add3A_409, %rem3A_395 : vector<16xi1>, vector<16xi32>
        %add3A_411 = arith.constant 4 : i32
        %add3A_412 = vector.broadcast %add3A_411 : i32 to vector<16xi32>
        %add3A_413 = arith.addi %select_n3A_410, %add3A_412 : vector<16xi32>
        %jit3A_414 = arith.constant 4 : i32
        %eq3A_415 = arith.constant 0 : i32
        %eq3A_416 = arith.cmpi eq, %jit3A_414, %eq3A_415 : i32
        %jit3A_417 = arith.constant 1 : i32
        %select_n3A_418 = arith.select %eq3A_416, %jit3A_417, %jit3A_414 : i32
        %rem3A_419 = vector.broadcast %select_n3A_418 : i32 to vector<16xi32>
        %rem3A_420 = arith.remsi %add3A_413, %rem3A_419 : vector<16xi32>
        %ne3A_421 = arith.constant 0 : i32
        %ne3A_422 = vector.broadcast %ne3A_421 : i32 to vector<16xi32>
        %ne3A_423 = arith.cmpi ne, %rem3A_420, %ne3A_422 : vector<16xi32>
        %lt3A_424 = arith.constant 0 : i32
        %lt3A_425 = vector.broadcast %lt3A_424 : i32 to vector<16xi32>
        %lt3A_426 = arith.cmpi slt, %rem3A_420, %lt3A_425 : vector<16xi32>
        %lt3A_427 = arith.constant 0 : i32
        %lt3A_428 = arith.cmpi slt, %select_n3A_418, %lt3A_427 : i32
        %ne3A_429 = vector.broadcast %lt3A_428 : i1 to vector<16xi1>
        %ne3A_430 = vector.broadcast %ne3A_429 : vector<16xi1> to vector<16xi1>
        %ne3A_431 = arith.xori %lt3A_426, %ne3A_430 : vector<16xi1>
        %and3A_432 = arith.andi %ne3A_431, %ne3A_423 : vector<16xi1>
        %add3A_433 = vector.broadcast %select_n3A_418 : i32 to vector<16xi32>
        %add3A_434 = arith.addi %rem3A_420, %add3A_433 : vector<16xi32>
        %select_n3A_435 = arith.select %and3A_432, %add3A_434, %rem3A_420 : vector<16xi1>, vector<16xi32>
        %mul3A_436 = arith.constant 3 : i32
        %mul3A_437 = vector.broadcast %mul3A_436 : i32 to vector<16xi32>
        %mul3A_438 = arith.muli %select_n3A_435, %mul3A_437 : vector<16xi32>
        %add3A_439 = arith.addi %mul3A_438, %broadcast_in_dim3A_375 : vector<16xi32>
        %mul3A_440 = arith.constant 0.00961538497 : f32
        %mul3A_441 = vector.broadcast %mul3A_440 : f32 to vector<16xf32>
        %mul3A_442 = arith.mulf %div3A_358, %mul3A_441 : vector<16xf32>
        %convert_element_type3A_443 = arith.fptosi %mul3A_442 : vector<16xf32> to vector<16xi32>
        %convert_element_type3A_444 = arith.sitofp %convert_element_type3A_443 : vector<16xi32> to vector<16xf32>
        %gt3A_445 = arith.cmpf ogt, %convert_element_type3A_444, %mul3A_442 : vector<16xf32>
        %jit3A_446 = arith.constant 1 : i32
        %jit3A_447 = arith.constant 0 : i32
        %broadcast_in_dim3A_448 = vector.broadcast %jit3A_446 : i32 to vector<16xi32>
        %broadcast_in_dim3A_449 = vector.broadcast %jit3A_447 : i32 to vector<16xi32>
        %select_n3A_450 = arith.select %gt3A_445, %broadcast_in_dim3A_448, %broadcast_in_dim3A_449 : vector<16xi1>, vector<16xi32>
        %sub3A_451 = arith.subi %convert_element_type3A_443, %select_n3A_450 : vector<16xi32>
        %min3A_452 = arith.constant 3 : i32
        %min3A_453 = vector.broadcast %min3A_452 : i32 to vector<16xi32>
        %min3A_454 = arith.minsi %sub3A_451, %min3A_453 : vector<16xi32>
        %jit3A_455 = arith.constant 4 : i32
        %eq3A_456 = arith.constant 0 : i32
        %eq3A_457 = arith.cmpi eq, %jit3A_455, %eq3A_456 : i32
        %jit3A_458 = arith.constant 1 : i32
        %select_n3A_459 = arith.select %eq3A_457, %jit3A_458, %jit3A_455 : i32
        %rem3A_460 = vector.broadcast %select_n3A_459 : i32 to vector<16xi32>
        %rem3A_461 = arith.remsi %min3A_454, %rem3A_460 : vector<16xi32>
        %ne3A_462 = arith.constant 0 : i32
        %ne3A_463 = vector.broadcast %ne3A_462 : i32 to vector<16xi32>
        %ne3A_464 = arith.cmpi ne, %rem3A_461, %ne3A_463 : vector<16xi32>
        %lt3A_465 = arith.constant 0 : i32
        %lt3A_466 = vector.broadcast %lt3A_465 : i32 to vector<16xi32>
        %lt3A_467 = arith.cmpi slt, %rem3A_461, %lt3A_466 : vector<16xi32>
        %lt3A_468 = arith.constant 0 : i32
        %lt3A_469 = arith.cmpi slt, %select_n3A_459, %lt3A_468 : i32
        %ne3A_470 = vector.broadcast %lt3A_469 : i1 to vector<16xi1>
        %ne3A_471 = vector.broadcast %ne3A_470 : vector<16xi1> to vector<16xi1>
        %ne3A_472 = arith.xori %lt3A_467, %ne3A_471 : vector<16xi1>
        %and3A_473 = arith.andi %ne3A_472, %ne3A_464 : vector<16xi1>
        %add3A_474 = vector.broadcast %select_n3A_459 : i32 to vector<16xi32>
        %add3A_475 = arith.addi %rem3A_461, %add3A_474 : vector<16xi32>
        %select_n3A_476 = arith.select %and3A_473, %add3A_475, %rem3A_461 : vector<16xi1>, vector<16xi32>
        %add3A_477 = arith.constant 4 : i32
        %add3A_478 = vector.broadcast %add3A_477 : i32 to vector<16xi32>
        %add3A_479 = arith.addi %select_n3A_476, %add3A_478 : vector<16xi32>
        %jit3A_480 = arith.constant 4 : i32
        %eq3A_481 = arith.constant 0 : i32
        %eq3A_482 = arith.cmpi eq, %jit3A_480, %eq3A_481 : i32
        %jit3A_483 = arith.constant 1 : i32
        %select_n3A_484 = arith.select %eq3A_482, %jit3A_483, %jit3A_480 : i32
        %rem3A_485 = vector.broadcast %select_n3A_484 : i32 to vector<16xi32>
        %rem3A_486 = arith.remsi %add3A_479, %rem3A_485 : vector<16xi32>
        %ne3A_487 = arith.constant 0 : i32
        %ne3A_488 = vector.broadcast %ne3A_487 : i32 to vector<16xi32>
        %ne3A_489 = arith.cmpi ne, %rem3A_486, %ne3A_488 : vector<16xi32>
        %lt3A_490 = arith.constant 0 : i32
        %lt3A_491 = vector.broadcast %lt3A_490 : i32 to vector<16xi32>
        %lt3A_492 = arith.cmpi slt, %rem3A_486, %lt3A_491 : vector<16xi32>
        %lt3A_493 = arith.constant 0 : i32
        %lt3A_494 = arith.cmpi slt, %select_n3A_484, %lt3A_493 : i32
        %ne3A_495 = vector.broadcast %lt3A_494 : i1 to vector<16xi1>
        %ne3A_496 = vector.broadcast %ne3A_495 : vector<16xi1> to vector<16xi1>
        %ne3A_497 = arith.xori %lt3A_492, %ne3A_496 : vector<16xi1>
        %and3A_498 = arith.andi %ne3A_497, %ne3A_489 : vector<16xi1>
        %add3A_499 = vector.broadcast %select_n3A_484 : i32 to vector<16xi32>
        %add3A_500 = arith.addi %rem3A_486, %add3A_499 : vector<16xi32>
        %select_n3A_501 = arith.select %and3A_498, %add3A_500, %rem3A_486 : vector<16xi1>, vector<16xi32>
        %mul3A_502 = arith.constant 3 : i32
        %mul3A_503 = vector.broadcast %mul3A_502 : i32 to vector<16xi32>
        %mul3A_504 = arith.muli %select_n3A_501, %mul3A_503 : vector<16xi32>
        %add3A_505 = arith.addi %mul3A_504, %broadcast_in_dim3A_375 : vector<16xi32>
        %mul3A_506 = arith.constant 0.00961538497 : f32
        %mul3A_507 = vector.broadcast %mul3A_506 : f32 to vector<16xf32>
        %mul3A_508 = arith.mulf %div3A_352, %mul3A_507 : vector<16xf32>
        %convert_element_type3A_509 = arith.fptosi %mul3A_508 : vector<16xf32> to vector<16xi32>
        %convert_element_type3A_510 = arith.sitofp %convert_element_type3A_509 : vector<16xi32> to vector<16xf32>
        %gt3A_511 = arith.cmpf ogt, %convert_element_type3A_510, %mul3A_508 : vector<16xf32>
        %jit3A_512 = arith.constant 1 : i32
        %jit3A_513 = arith.constant 0 : i32
        %broadcast_in_dim3A_514 = vector.broadcast %jit3A_512 : i32 to vector<16xi32>
        %broadcast_in_dim3A_515 = vector.broadcast %jit3A_513 : i32 to vector<16xi32>
        %select_n3A_516 = arith.select %gt3A_511, %broadcast_in_dim3A_514, %broadcast_in_dim3A_515 : vector<16xi1>, vector<16xi32>
        %sub3A_517 = arith.subi %convert_element_type3A_509, %select_n3A_516 : vector<16xi32>
        %min3A_518 = arith.constant 3 : i32
        %min3A_519 = vector.broadcast %min3A_518 : i32 to vector<16xi32>
        %min3A_520 = arith.minsi %sub3A_517, %min3A_519 : vector<16xi32>
        %jit3A_521 = arith.constant 4 : i32
        %eq3A_522 = arith.constant 0 : i32
        %eq3A_523 = arith.cmpi eq, %jit3A_521, %eq3A_522 : i32
        %jit3A_524 = arith.constant 1 : i32
        %select_n3A_525 = arith.select %eq3A_523, %jit3A_524, %jit3A_521 : i32
        %rem3A_526 = vector.broadcast %select_n3A_525 : i32 to vector<16xi32>
        %rem3A_527 = arith.remsi %min3A_520, %rem3A_526 : vector<16xi32>
        %ne3A_528 = arith.constant 0 : i32
        %ne3A_529 = vector.broadcast %ne3A_528 : i32 to vector<16xi32>
        %ne3A_530 = arith.cmpi ne, %rem3A_527, %ne3A_529 : vector<16xi32>
        %lt3A_531 = arith.constant 0 : i32
        %lt3A_532 = vector.broadcast %lt3A_531 : i32 to vector<16xi32>
        %lt3A_533 = arith.cmpi slt, %rem3A_527, %lt3A_532 : vector<16xi32>
        %lt3A_534 = arith.constant 0 : i32
        %lt3A_535 = arith.cmpi slt, %select_n3A_525, %lt3A_534 : i32
        %ne3A_536 = vector.broadcast %lt3A_535 : i1 to vector<16xi1>
        %ne3A_537 = vector.broadcast %ne3A_536 : vector<16xi1> to vector<16xi1>
        %ne3A_538 = arith.xori %lt3A_533, %ne3A_537 : vector<16xi1>
        %and3A_539 = arith.andi %ne3A_538, %ne3A_530 : vector<16xi1>
        %add3A_540 = vector.broadcast %select_n3A_525 : i32 to vector<16xi32>
        %add3A_541 = arith.addi %rem3A_527, %add3A_540 : vector<16xi32>
        %select_n3A_542 = arith.select %and3A_539, %add3A_541, %rem3A_527 : vector<16xi1>, vector<16xi32>
        %add3A_543 = arith.constant 4 : i32
        %add3A_544 = vector.broadcast %add3A_543 : i32 to vector<16xi32>
        %add3A_545 = arith.addi %select_n3A_542, %add3A_544 : vector<16xi32>
        %jit3A_546 = arith.constant 4 : i32
        %eq3A_547 = arith.constant 0 : i32
        %eq3A_548 = arith.cmpi eq, %jit3A_546, %eq3A_547 : i32
        %jit3A_549 = arith.constant 1 : i32
        %select_n3A_550 = arith.select %eq3A_548, %jit3A_549, %jit3A_546 : i32
        %rem3A_551 = vector.broadcast %select_n3A_550 : i32 to vector<16xi32>
        %rem3A_552 = arith.remsi %add3A_545, %rem3A_551 : vector<16xi32>
        %ne3A_553 = arith.constant 0 : i32
        %ne3A_554 = vector.broadcast %ne3A_553 : i32 to vector<16xi32>
        %ne3A_555 = arith.cmpi ne, %rem3A_552, %ne3A_554 : vector<16xi32>
        %lt3A_556 = arith.constant 0 : i32
        %lt3A_557 = vector.broadcast %lt3A_556 : i32 to vector<16xi32>
        %lt3A_558 = arith.cmpi slt, %rem3A_552, %lt3A_557 : vector<16xi32>
        %lt3A_559 = arith.constant 0 : i32
        %lt3A_560 = arith.cmpi slt, %select_n3A_550, %lt3A_559 : i32
        %ne3A_561 = vector.broadcast %lt3A_560 : i1 to vector<16xi1>
        %ne3A_562 = vector.broadcast %ne3A_561 : vector<16xi1> to vector<16xi1>
        %ne3A_563 = arith.xori %lt3A_558, %ne3A_562 : vector<16xi1>
        %and3A_564 = arith.andi %ne3A_563, %ne3A_555 : vector<16xi1>
        %add3A_565 = vector.broadcast %select_n3A_550 : i32 to vector<16xi32>
        %add3A_566 = arith.addi %rem3A_552, %add3A_565 : vector<16xi32>
        %select_n3A_567 = arith.select %and3A_564, %add3A_566, %rem3A_552 : vector<16xi1>, vector<16xi32>
        %mul3A_568 = arith.constant 3 : i32
        %mul3A_569 = vector.broadcast %mul3A_568 : i32 to vector<16xi32>
        %mul3A_570 = arith.muli %select_n3A_567, %mul3A_569 : vector<16xi32>
        %add3A_571 = arith.addi %mul3A_570, %broadcast_in_dim3A_375 : vector<16xi32>
        %mul3A_572 = arith.constant 0.00961538497 : f32
        %mul3A_573 = vector.broadcast %mul3A_572 : f32 to vector<16xf32>
        %mul3A_574 = arith.mulf %gather3A_273, %mul3A_573 : vector<16xf32>
        %convert_element_type3A_575 = arith.fptosi %mul3A_574 : vector<16xf32> to vector<16xi32>
        %convert_element_type3A_576 = arith.sitofp %convert_element_type3A_575 : vector<16xi32> to vector<16xf32>
        %gt3A_577 = arith.cmpf ogt, %convert_element_type3A_576, %mul3A_574 : vector<16xf32>
        %jit3A_578 = arith.constant 1 : i32
        %jit3A_579 = arith.constant 0 : i32
        %broadcast_in_dim3A_580 = vector.broadcast %jit3A_578 : i32 to vector<16xi32>
        %broadcast_in_dim3A_581 = vector.broadcast %jit3A_579 : i32 to vector<16xi32>
        %select_n3A_582 = arith.select %gt3A_577, %broadcast_in_dim3A_580, %broadcast_in_dim3A_581 : vector<16xi1>, vector<16xi32>
        %sub3A_583 = arith.subi %convert_element_type3A_575, %select_n3A_582 : vector<16xi32>
        %min3A_584 = arith.constant 3 : i32
        %min3A_585 = vector.broadcast %min3A_584 : i32 to vector<16xi32>
        %min3A_586 = arith.minsi %sub3A_583, %min3A_585 : vector<16xi32>
        %jit3A_587 = arith.constant 4 : i32
        %eq3A_588 = arith.constant 0 : i32
        %eq3A_589 = arith.cmpi eq, %jit3A_587, %eq3A_588 : i32
        %jit3A_590 = arith.constant 1 : i32
        %select_n3A_591 = arith.select %eq3A_589, %jit3A_590, %jit3A_587 : i32
        %rem3A_592 = vector.broadcast %select_n3A_591 : i32 to vector<16xi32>
        %rem3A_593 = arith.remsi %min3A_586, %rem3A_592 : vector<16xi32>
        %ne3A_594 = arith.constant 0 : i32
        %ne3A_595 = vector.broadcast %ne3A_594 : i32 to vector<16xi32>
        %ne3A_596 = arith.cmpi ne, %rem3A_593, %ne3A_595 : vector<16xi32>
        %lt3A_597 = arith.constant 0 : i32
        %lt3A_598 = vector.broadcast %lt3A_597 : i32 to vector<16xi32>
        %lt3A_599 = arith.cmpi slt, %rem3A_593, %lt3A_598 : vector<16xi32>
        %lt3A_600 = arith.constant 0 : i32
        %lt3A_601 = arith.cmpi slt, %select_n3A_591, %lt3A_600 : i32
        %ne3A_602 = vector.broadcast %lt3A_601 : i1 to vector<16xi1>
        %ne3A_603 = vector.broadcast %ne3A_602 : vector<16xi1> to vector<16xi1>
        %ne3A_604 = arith.xori %lt3A_599, %ne3A_603 : vector<16xi1>
        %and3A_605 = arith.andi %ne3A_604, %ne3A_596 : vector<16xi1>
        %add3A_606 = vector.broadcast %select_n3A_591 : i32 to vector<16xi32>
        %add3A_607 = arith.addi %rem3A_593, %add3A_606 : vector<16xi32>
        %select_n3A_608 = arith.select %and3A_605, %add3A_607, %rem3A_593 : vector<16xi1>, vector<16xi32>
        %add3A_609 = arith.constant 4 : i32
        %add3A_610 = vector.broadcast %add3A_609 : i32 to vector<16xi32>
        %add3A_611 = arith.addi %select_n3A_608, %add3A_610 : vector<16xi32>
        %jit3A_612 = arith.constant 4 : i32
        %eq3A_613 = arith.constant 0 : i32
        %eq3A_614 = arith.cmpi eq, %jit3A_612, %eq3A_613 : i32
        %jit3A_615 = arith.constant 1 : i32
        %select_n3A_616 = arith.select %eq3A_614, %jit3A_615, %jit3A_612 : i32
        %rem3A_617 = vector.broadcast %select_n3A_616 : i32 to vector<16xi32>
        %rem3A_618 = arith.remsi %add3A_611, %rem3A_617 : vector<16xi32>
        %ne3A_619 = arith.constant 0 : i32
        %ne3A_620 = vector.broadcast %ne3A_619 : i32 to vector<16xi32>
        %ne3A_621 = arith.cmpi ne, %rem3A_618, %ne3A_620 : vector<16xi32>
        %lt3A_622 = arith.constant 0 : i32
        %lt3A_623 = vector.broadcast %lt3A_622 : i32 to vector<16xi32>
        %lt3A_624 = arith.cmpi slt, %rem3A_618, %lt3A_623 : vector<16xi32>
        %lt3A_625 = arith.constant 0 : i32
        %lt3A_626 = arith.cmpi slt, %select_n3A_616, %lt3A_625 : i32
        %ne3A_627 = vector.broadcast %lt3A_626 : i1 to vector<16xi1>
        %ne3A_628 = vector.broadcast %ne3A_627 : vector<16xi1> to vector<16xi1>
        %ne3A_629 = arith.xori %lt3A_624, %ne3A_628 : vector<16xi1>
        %and3A_630 = arith.andi %ne3A_629, %ne3A_621 : vector<16xi1>
        %add3A_631 = vector.broadcast %select_n3A_616 : i32 to vector<16xi32>
        %add3A_632 = arith.addi %rem3A_618, %add3A_631 : vector<16xi32>
        %select_n3A_633 = arith.select %and3A_630, %add3A_632, %rem3A_618 : vector<16xi1>, vector<16xi32>
        %mul3A_634 = arith.constant 3 : i32
        %mul3A_635 = vector.broadcast %mul3A_634 : i32 to vector<16xi32>
        %mul3A_636 = arith.muli %select_n3A_633, %mul3A_635 : vector<16xi32>
        %add3A_637 = arith.addi %mul3A_636, %broadcast_in_dim3A_375 : vector<16xi32>
        %eq3A_638 = arith.cmpi eq, %iota3A_167, %add3A_439 : vector<16xi32>
        %jit3A_639 = arith.constant 0.000000e+00 : f32
        %broadcast_in_dim3A_640 = vector.broadcast %jit3A_639 : f32 to vector<16xf32>
        %select_n3A_641 = arith.select %eq3A_638, %gather3A_273, %broadcast_in_dim3A_640 : vector<16xi1>, vector<16xf32>
        %add3A_642 = arith.addf %while3A_267, %select_n3A_641 : vector<16xf32>
        %eq3A_643 = arith.cmpi eq, %iota3A_167, %add3A_505 : vector<16xi32>
        %ne3A_644 = arith.cmpi ne, %add3A_439, %add3A_505 : vector<16xi32>
        %and3A_645 = arith.andi %eq3A_643, %ne3A_644 : vector<16xi1>
        %jit3A_646 = arith.constant 0.000000e+00 : f32
        %broadcast_in_dim3A_647 = vector.broadcast %jit3A_646 : f32 to vector<16xf32>
        %select_n3A_648 = arith.select %and3A_645, %gather3A_273, %broadcast_in_dim3A_647 : vector<16xi1>, vector<16xf32>
        %add3A_649 = arith.addf %add3A_642, %select_n3A_648 : vector<16xf32>
        %eq3A_650 = arith.cmpi eq, %iota3A_167, %add3A_571 : vector<16xi32>
        %jit3A_651 = arith.constant 0.000000e+00 : f32
        %broadcast_in_dim3A_652 = vector.broadcast %jit3A_651 : f32 to vector<16xf32>
        %select_n3A_653 = arith.select %eq3A_650, %gather3A_273, %broadcast_in_dim3A_652 : vector<16xi1>, vector<16xf32>
        %add3A_654 = arith.addf %while3A_268, %select_n3A_653 : vector<16xf32>
        %eq3A_655 = arith.cmpi eq, %iota3A_167, %add3A_637 : vector<16xi32>
        %ne3A_656 = arith.cmpi ne, %add3A_571, %add3A_637 : vector<16xi32>
        %and3A_657 = arith.andi %eq3A_655, %ne3A_656 : vector<16xi1>
        %jit3A_658 = arith.constant 0.000000e+00 : f32
        %broadcast_in_dim3A_659 = vector.broadcast %jit3A_658 : f32 to vector<16xf32>
        %select_n3A_660 = arith.select %and3A_657, %gather3A_273, %broadcast_in_dim3A_659 : vector<16xi1>, vector<16xf32>
        %add3A_661 = arith.addf %add3A_654, %select_n3A_660 : vector<16xf32>
        %reduce_max3A_662 = arith.constant true
        %reduce_max3A_663 = vector.broadcast %reduce_max3A_662 : i1 to vector<16xi1>
        %reduce_max3A_664 = tpu.scan <max>, %while3A_325#5 masked %reduce_max3A_663 : vector<16xf32>, vector<16xi1> -> vector<16xf32>
        %reduce_max3A_665 = vector.extract %reduce_max3A_664[15] : f32 from vector<16xf32>
        %eq3A_666 = vector.broadcast %reduce_max3A_665 : f32 to vector<16xf32>
        %eq3A_667 = arith.cmpf oeq, %while3A_325#5, %eq3A_666 : vector<16xf32>
        %jit3A_668 = arith.constant 20032 : i32
        %broadcast_in_dim3A_669 = vector.broadcast %jit3A_668 : i32 to vector<16xi32>
        %select_n3A_670 = arith.select %eq3A_667, %while3A_325#6, %broadcast_in_dim3A_669 : vector<16xi1>, vector<16xi32>
        %reduce_min3A_671 = arith.constant true
        %reduce_min3A_672 = vector.broadcast %reduce_min3A_671 : i1 to vector<16xi1>
        %reduce_min3A_673 = arith.constant -2147483648 : i32
        %reduce_min3A_674 = vector.broadcast %reduce_min3A_673 : i32 to vector<16xi32>
        %reduce_min3A_675 = arith.xori %select_n3A_670, %reduce_min3A_674 : vector<16xi32>
        %reduce_min3A_676 = tpu.scan <min>, %reduce_min3A_675 masked %reduce_min3A_672 : vector<16xi32>, vector<16xi1> -> vector<16xi32>
        %reduce_min3A_677 = arith.xori %reduce_min3A_676, %reduce_min3A_674 : vector<16xi32>
        %reduce_min3A_678 = vector.extract %reduce_min3A_677[15] : i32 from vector<16xi32>
        scf.yield %shift_right_arithmetic3A_331, %reduce_max3A_665, %reduce_min3A_678, %add3A_649, %add3A_661 : i32, f32, i32, vector<16xf32>, vector<16xf32>
      }
      %swap3A_256 = arith.constant 0 : i32
      %swap3A_257 = arith.index_cast %swap3A_256 : i32 to index
      %swap3A_258 = arith.constant 0 : index
      %swap3A_259 = tpu.vector_load %arg12[%swap3A_257, %swap3A_258] {strides = array<i32>} : memref<2x16xf32, #tpu.memory_space<vmem>>, vector<16xf32>,
      tpu.vector_store %arg12[%swap3A_257, %swap3A_258], %while3A_255#3 {strides = array<i32>} : memref<2x16xf32, #tpu.memory_space<vmem>>, vector<16xf32>,
      %swap3A_260 = arith.constant 1 : i32
      %swap3A_261 = arith.index_cast %swap3A_260 : i32 to index
      %swap3A_262 = arith.constant 0 : index
      %swap3A_263 = tpu.vector_load %arg12[%swap3A_261, %swap3A_262] {strides = array<i32>} : memref<2x16xf32, #tpu.memory_space<vmem>>, vector<16xf32>,
      tpu.vector_store %arg12[%swap3A_261, %swap3A_262], %while3A_255#4 {strides = array<i32>} : memref<2x16xf32, #tpu.memory_space<vmem>>, vector<16xf32>,
      "tpu.region"() ({
        %run_scoped3A = tpu.sem_alloc : memref<!tpu.dma_semaphore, #tpu.memory_space<semaphore_mem>>
        %dma_start3A_264 = arith.constant 0 : i32
        %dma_start3A_265 = arith.constant 0 : i32
        %dma_start3A_266 = tpu.memref_slice %arg3[%add3A_125, %dma_start3A_264, %dma_start3A_265] : memref<48x2x16xf32, #tpu.memory_space<hbm>> -> memref<1x2x16xf32, #tpu.memory_space<hbm>>
        %dma_start3A_267 = tpu.memref_squeeze %dma_start3A_266 : memref<1x2x16xf32, #tpu.memory_space<hbm>> -> memref<2x16xf32, #tpu.memory_space<hbm>>
        %dma_start3A_268 = arith.constant 0 : i32
        %dma_start3A_269 = arith.constant 0 : i32
        %dma_start3A_270 = tpu.memref_slice %arg3[%add3A_125, %dma_start3A_268, %dma_start3A_269] : memref<48x2x16xf32, #tpu.memory_space<hbm>> -> memref<1x2x16xf32, #tpu.memory_space<hbm>>
        %dma_start3A_271 = tpu.memref_squeeze %dma_start3A_270 : memref<1x2x16xf32, #tpu.memory_space<hbm>> -> memref<2x16xf32, #tpu.memory_space<hbm>>
        tpu.enqueue_dma source(%arg12 : memref<2x16xf32, #tpu.memory_space<vmem>>) target(%dma_start3A_271 : memref<2x16xf32, #tpu.memory_space<hbm>>) target_semaphore(%run_scoped3A : memref<!tpu.dma_semaphore, #tpu.memory_space<semaphore_mem>>)
        %dma_wait3A = arith.constant 0 : i32
        %dma_wait3A_272 = arith.constant 0 : i32
        %dma_wait3A_273 = tpu.memref_slice %arg3[%add3A_125, %dma_wait3A, %dma_wait3A_272] : memref<48x2x16xf32, #tpu.memory_space<hbm>> -> memref<1x2x16xf32, #tpu.memory_space<hbm>>
        %dma_wait3A_274 = tpu.memref_squeeze %dma_wait3A_273 : memref<1x2x16xf32, #tpu.memory_space<hbm>> -> memref<2x16xf32, #tpu.memory_space<hbm>>
        %dma_wait3A_275 = arith.constant 0 : i32
        %dma_wait3A_276 = arith.constant 0 : i32
        %dma_wait3A_277 = tpu.memref_slice %arg3[%add3A_125, %dma_wait3A_275, %dma_wait3A_276] : memref<48x2x16xf32, #tpu.memory_space<hbm>> -> memref<1x2x16xf32, #tpu.memory_space<hbm>>
        %dma_wait3A_278 = tpu.memref_squeeze %dma_wait3A_277 : memref<1x2x16xf32, #tpu.memory_space<hbm>> -> memref<2x16xf32, #tpu.memory_space<hbm>>
        tpu.wait_dma2 semaphore(%run_scoped3A : memref<!tpu.dma_semaphore, #tpu.memory_space<semaphore_mem>>) src(%arg12 : memref<2x16xf32, #tpu.memory_space<vmem>>) dst(%dma_wait3A_278 : memref<2x16xf32, #tpu.memory_space<hbm>>)
        tpu.yield
      }) : () -> ()
    } else {
    }
    return
  }
}

module attributes {stable_mosaic.version = 14 : i64} {
  func.func @_mlp_body(%arg0: memref<48x2x16xf32, #tpu.memory_space<vmem>>, %arg1: memref<12x64xf32, #tpu.memory_space<vmem>>, %arg2: memref<64xf32, #tpu.memory_space<vmem>>, %arg3: memref<64x32xf32, #tpu.memory_space<vmem>>, %arg4: memref<32xf32, #tpu.memory_space<vmem>>, %arg5: memref<32x24xf32, #tpu.memory_space<vmem>>, %arg6: memref<24xf32, #tpu.memory_space<vmem>>, %arg7: memref<24x4xf32, #tpu.memory_space<vmem>>, %arg8: memref<4xf32, #tpu.memory_space<vmem>>, %arg9: memref<12x64xf32, #tpu.memory_space<vmem>>, %arg10: memref<64xf32, #tpu.memory_space<vmem>>, %arg11: memref<64x32xf32, #tpu.memory_space<vmem>>, %arg12: memref<32xf32, #tpu.memory_space<vmem>>, %arg13: memref<32x24xf32, #tpu.memory_space<vmem>>, %arg14: memref<24xf32, #tpu.memory_space<vmem>>, %arg15: memref<24x4xf32, #tpu.memory_space<vmem>>, %arg16: memref<4xf32, #tpu.memory_space<vmem>>, %arg17: memref<16x4xf32, #tpu.memory_space<vmem>>, %arg18: memref<16x4xf32, #tpu.memory_space<vmem>>) attributes {dimension_semantics = [], scalar_prefetch = 0 : i64, scratch_operands = 0 : i64, tpu.core_type = #tpu.core_type<tc>} {
    %iota3A = tpu.iota {dimensions = array<i32: 0>} : vector<16x48xi32>
    %iota3A_0 = tpu.iota {dimensions = array<i32: 1>} : vector<16x48xi32>
    %jit3A = arith.constant 3 : i32
    %div3A = vector.broadcast %jit3A : i32 to vector<16x48xi32>
    %div3A_1 = arith.divsi %iota3A_0, %div3A : vector<16x48xi32>
    %sign3A = arith.constant 0 : i32
    %sign3A_2 = vector.broadcast %sign3A : i32 to vector<16x48xi32>
    %sign3A_3 = arith.cmpi sgt, %iota3A_0, %sign3A_2 : vector<16x48xi32>
    %sign3A_4 = arith.extui %sign3A_3 : vector<16x48xi1> to vector<16x48xi32>
    %sign3A_5 = arith.constant 0 : i32
    %sign3A_6 = vector.broadcast %sign3A_5 : i32 to vector<16x48xi32>
    %sign3A_7 = arith.cmpi slt, %iota3A_0, %sign3A_6 : vector<16x48xi32>
    %sign3A_8 = arith.extui %sign3A_7 : vector<16x48xi1> to vector<16x48xi32>
    %sign3A_9 = arith.subi %sign3A_4, %sign3A_8 : vector<16x48xi32>
    %sign3A_10 = arith.constant 0 : i32
    %sign3A_11 = arith.cmpi sgt, %jit3A, %sign3A_10 : i32
    %sign3A_12 = arith.extui %sign3A_11 : i1 to i32
    %sign3A_13 = arith.constant 0 : i32
    %sign3A_14 = arith.cmpi slt, %jit3A, %sign3A_13 : i32
    %sign3A_15 = arith.extui %sign3A_14 : i1 to i32
    %sign3A_16 = arith.subi %sign3A_12, %sign3A_15 : i32
    %ne3A = vector.broadcast %sign3A_16 : i32 to vector<16x48xi32>
    %ne3A_17 = arith.cmpi ne, %sign3A_9, %ne3A : vector<16x48xi32>
    %rem3A = vector.broadcast %jit3A : i32 to vector<16x48xi32>
    %rem3A_18 = arith.remsi %iota3A_0, %rem3A : vector<16x48xi32>
    %ne3A_19 = arith.constant 0 : i32
    %ne3A_20 = vector.broadcast %ne3A_19 : i32 to vector<16x48xi32>
    %ne3A_21 = arith.cmpi ne, %rem3A_18, %ne3A_20 : vector<16x48xi32>
    %and3A = arith.andi %ne3A_17, %ne3A_21 : vector<16x48xi1>
    %sub3A = arith.constant 1 : i32
    %sub3A_22 = vector.broadcast %sub3A : i32 to vector<16x48xi32>
    %sub3A_23 = arith.subi %div3A_1, %sub3A_22 : vector<16x48xi32>
    %select_n3A = arith.select %and3A, %sub3A_23, %div3A_1 : vector<16x48xi1>, vector<16x48xi32>
    %eq3A = arith.cmpi eq, %select_n3A, %iota3A : vector<16x48xi32>
    %convert_element_type3A = arith.extui %eq3A : vector<16x48xi1> to vector<16x48xi32>
    %convert_element_type3A_24 = arith.sitofp %convert_element_type3A : vector<16x48xi32> to vector<16x48xf32>
    %get3A = arith.constant 0 : index
    %get3A_25 = arith.constant 0 : index
    %get3A_26 = arith.constant 0 : index
    %get3A_27 = vector.load %arg0[%get3A, %get3A_25, %get3A_26] : memref<48x2x16xf32, #tpu.memory_space<vmem>>, vector<48x1x16xf32>
    %get3A_28 = vector.shape_cast %get3A_27 : vector<48x1x16xf32> to vector<48x16xf32>
    %dot_general3A = arith.constant dense<0.000000e+00> : vector<16x16xf32>
    %dot_general3A_29 = tpu.matmul %convert_element_type3A_24, %get3A_28, %dot_general3A {dimension_numbers = #tpu.dot_dimension_numbers<[1], [0], [0], [1], [0, 0, 1, 1], [], []>, precision = #tpu.contract_precision<fp32>, transpose_lhs_hint = false} : vector<16x48xf32>, vector<48x16xf32>, vector<16x16xf32> -> vector<16x16xf32>
    %slice3A = vector.extract_strided_slice %dot_general3A_29 {offsets = [0, 0], sizes = [16, 12], strides = [1, 1]} : vector<16x16xf32> to vector<16x12xf32>
    %get3A_30 = arith.constant 0 : index
    %get3A_31 = arith.constant 0 : index
    %get3A_32 = vector.load %arg1[%get3A_30, %get3A_31] : memref<12x64xf32, #tpu.memory_space<vmem>>, vector<12x64xf32>
    %dot_general3A_33 = arith.constant dense<0.000000e+00> : vector<16x64xf32>
    %dot_general3A_34 = tpu.matmul %slice3A, %get3A_32, %dot_general3A_33 {dimension_numbers = #tpu.dot_dimension_numbers<[1], [0], [0], [1], [0, 0, 1, 1], [], []>, precision = #tpu.contract_precision<fp32>, transpose_lhs_hint = false} : vector<16x12xf32>, vector<12x64xf32>, vector<16x64xf32> -> vector<16x64xf32>
    %get3A_35 = arith.constant 0 : index
    %get3A_36 = vector.load %arg2[%get3A_35] : memref<64xf32, #tpu.memory_space<vmem>>, vector<64xf32>
    %broadcast_in_dim3A = vector.shape_cast %get3A_36 : vector<64xf32> to vector<1x64xf32>
    %add3A = vector.broadcast %broadcast_in_dim3A : vector<1x64xf32> to vector<16x64xf32>
    %add3A_37 = arith.addf %dot_general3A_34, %add3A : vector<16x64xf32>
    %max3A = arith.constant 0.000000e+00 : f32
    %max3A_38 = vector.broadcast %max3A : f32 to vector<16x64xf32>
    %max3A_39 = arith.maximumf %add3A_37, %max3A_38 : vector<16x64xf32>
    %get3A_40 = arith.constant 0 : index
    %get3A_41 = arith.constant 0 : index
    %get3A_42 = vector.load %arg3[%get3A_40, %get3A_41] : memref<64x32xf32, #tpu.memory_space<vmem>>, vector<64x32xf32>
    %dot_general3A_43 = arith.constant dense<0.000000e+00> : vector<16x32xf32>
    %dot_general3A_44 = tpu.matmul %max3A_39, %get3A_42, %dot_general3A_43 {dimension_numbers = #tpu.dot_dimension_numbers<[1], [0], [0], [1], [0, 0, 1, 1], [], []>, precision = #tpu.contract_precision<fp32>, transpose_lhs_hint = false} : vector<16x64xf32>, vector<64x32xf32>, vector<16x32xf32> -> vector<16x32xf32>
    %get3A_45 = arith.constant 0 : index
    %get3A_46 = vector.load %arg4[%get3A_45] : memref<32xf32, #tpu.memory_space<vmem>>, vector<32xf32>
    %broadcast_in_dim3A_47 = vector.shape_cast %get3A_46 : vector<32xf32> to vector<1x32xf32>
    %add3A_48 = vector.broadcast %broadcast_in_dim3A_47 : vector<1x32xf32> to vector<16x32xf32>
    %add3A_49 = arith.addf %dot_general3A_44, %add3A_48 : vector<16x32xf32>
    %max3A_50 = arith.constant 0.000000e+00 : f32
    %max3A_51 = vector.broadcast %max3A_50 : f32 to vector<16x32xf32>
    %max3A_52 = arith.maximumf %add3A_49, %max3A_51 : vector<16x32xf32>
    %get3A_53 = arith.constant 0 : index
    %get3A_54 = arith.constant 0 : index
    %get3A_55 = vector.load %arg5[%get3A_53, %get3A_54] : memref<32x24xf32, #tpu.memory_space<vmem>>, vector<32x24xf32>
    %dot_general3A_56 = arith.constant dense<0.000000e+00> : vector<16x24xf32>
    %dot_general3A_57 = tpu.matmul %max3A_52, %get3A_55, %dot_general3A_56 {dimension_numbers = #tpu.dot_dimension_numbers<[1], [0], [0], [1], [0, 0, 1, 1], [], []>, precision = #tpu.contract_precision<fp32>, transpose_lhs_hint = false} : vector<16x32xf32>, vector<32x24xf32>, vector<16x24xf32> -> vector<16x24xf32>
    %get3A_58 = arith.constant 0 : index
    %get3A_59 = vector.load %arg6[%get3A_58] : memref<24xf32, #tpu.memory_space<vmem>>, vector<24xf32>
    %broadcast_in_dim3A_60 = vector.shape_cast %get3A_59 : vector<24xf32> to vector<1x24xf32>
    %add3A_61 = vector.broadcast %broadcast_in_dim3A_60 : vector<1x24xf32> to vector<16x24xf32>
    %add3A_62 = arith.addf %dot_general3A_57, %add3A_61 : vector<16x24xf32>
    %max3A_63 = arith.constant 0.000000e+00 : f32
    %max3A_64 = vector.broadcast %max3A_63 : f32 to vector<16x24xf32>
    %max3A_65 = arith.maximumf %add3A_62, %max3A_64 : vector<16x24xf32>
    %get3A_66 = arith.constant 0 : index
    %get3A_67 = arith.constant 0 : index
    %get3A_68 = vector.load %arg7[%get3A_66, %get3A_67] : memref<24x4xf32, #tpu.memory_space<vmem>>, vector<24x4xf32>
    %dot_general3A_69 = arith.constant dense<0.000000e+00> : vector<16x4xf32>
    %dot_general3A_70 = tpu.matmul %max3A_65, %get3A_68, %dot_general3A_69 {dimension_numbers = #tpu.dot_dimension_numbers<[1], [0], [0], [1], [0, 0, 1, 1], [], []>, precision = #tpu.contract_precision<fp32>, transpose_lhs_hint = false} : vector<16x24xf32>, vector<24x4xf32>, vector<16x4xf32> -> vector<16x4xf32>
    %get3A_71 = arith.constant 0 : index
    %get3A_72 = vector.load %arg8[%get3A_71] : memref<4xf32, #tpu.memory_space<vmem>>, vector<4xf32>
    %broadcast_in_dim3A_73 = vector.shape_cast %get3A_72 : vector<4xf32> to vector<1x4xf32>
    %add3A_74 = vector.broadcast %broadcast_in_dim3A_73 : vector<1x4xf32> to vector<16x4xf32>
    %add3A_75 = arith.addf %dot_general3A_70, %add3A_74 : vector<16x4xf32>
    %swap3A = arith.constant 0 : index
    %swap3A_76 = arith.constant 0 : index
    %swap3A_77 = vector.load %arg17[%swap3A, %swap3A_76] : memref<16x4xf32, #tpu.memory_space<vmem>>, vector<16x4xf32>
    tpu.vector_store %arg17[%swap3A, %swap3A_76], %add3A_75 {strides = array<i32>} : memref<16x4xf32, #tpu.memory_space<vmem>>, vector<16x4xf32>,
    %get3A_78 = arith.constant 0 : index
    %get3A_79 = arith.constant 1 : index
    %get3A_80 = arith.constant 0 : index
    %get3A_81 = vector.load %arg0[%get3A_78, %get3A_79, %get3A_80] : memref<48x2x16xf32, #tpu.memory_space<vmem>>, vector<48x1x16xf32>
    %get3A_82 = vector.shape_cast %get3A_81 : vector<48x1x16xf32> to vector<48x16xf32>
    %dot_general3A_83 = arith.constant dense<0.000000e+00> : vector<16x16xf32>
    %dot_general3A_84 = tpu.matmul %convert_element_type3A_24, %get3A_82, %dot_general3A_83 {dimension_numbers = #tpu.dot_dimension_numbers<[1], [0], [0], [1], [0, 0, 1, 1], [], []>, precision = #tpu.contract_precision<fp32>, transpose_lhs_hint = false} : vector<16x48xf32>, vector<48x16xf32>, vector<16x16xf32> -> vector<16x16xf32>
    %slice3A_85 = vector.extract_strided_slice %dot_general3A_84 {offsets = [0, 0], sizes = [16, 12], strides = [1, 1]} : vector<16x16xf32> to vector<16x12xf32>
    %get3A_86 = arith.constant 0 : index
    %get3A_87 = arith.constant 0 : index
    %get3A_88 = vector.load %arg9[%get3A_86, %get3A_87] : memref<12x64xf32, #tpu.memory_space<vmem>>, vector<12x64xf32>
    %dot_general3A_89 = arith.constant dense<0.000000e+00> : vector<16x64xf32>
    %dot_general3A_90 = tpu.matmul %slice3A_85, %get3A_88, %dot_general3A_89 {dimension_numbers = #tpu.dot_dimension_numbers<[1], [0], [0], [1], [0, 0, 1, 1], [], []>, precision = #tpu.contract_precision<fp32>, transpose_lhs_hint = false} : vector<16x12xf32>, vector<12x64xf32>, vector<16x64xf32> -> vector<16x64xf32>
    %get3A_91 = arith.constant 0 : index
    %get3A_92 = vector.load %arg10[%get3A_91] : memref<64xf32, #tpu.memory_space<vmem>>, vector<64xf32>
    %broadcast_in_dim3A_93 = vector.shape_cast %get3A_92 : vector<64xf32> to vector<1x64xf32>
    %add3A_94 = vector.broadcast %broadcast_in_dim3A_93 : vector<1x64xf32> to vector<16x64xf32>
    %add3A_95 = arith.addf %dot_general3A_90, %add3A_94 : vector<16x64xf32>
    %max3A_96 = arith.constant 0.000000e+00 : f32
    %max3A_97 = vector.broadcast %max3A_96 : f32 to vector<16x64xf32>
    %max3A_98 = arith.maximumf %add3A_95, %max3A_97 : vector<16x64xf32>
    %get3A_99 = arith.constant 0 : index
    %get3A_100 = arith.constant 0 : index
    %get3A_101 = vector.load %arg11[%get3A_99, %get3A_100] : memref<64x32xf32, #tpu.memory_space<vmem>>, vector<64x32xf32>
    %dot_general3A_102 = arith.constant dense<0.000000e+00> : vector<16x32xf32>
    %dot_general3A_103 = tpu.matmul %max3A_98, %get3A_101, %dot_general3A_102 {dimension_numbers = #tpu.dot_dimension_numbers<[1], [0], [0], [1], [0, 0, 1, 1], [], []>, precision = #tpu.contract_precision<fp32>, transpose_lhs_hint = false} : vector<16x64xf32>, vector<64x32xf32>, vector<16x32xf32> -> vector<16x32xf32>
    %get3A_104 = arith.constant 0 : index
    %get3A_105 = vector.load %arg12[%get3A_104] : memref<32xf32, #tpu.memory_space<vmem>>, vector<32xf32>
    %broadcast_in_dim3A_106 = vector.shape_cast %get3A_105 : vector<32xf32> to vector<1x32xf32>
    %add3A_107 = vector.broadcast %broadcast_in_dim3A_106 : vector<1x32xf32> to vector<16x32xf32>
    %add3A_108 = arith.addf %dot_general3A_103, %add3A_107 : vector<16x32xf32>
    %max3A_109 = arith.constant 0.000000e+00 : f32
    %max3A_110 = vector.broadcast %max3A_109 : f32 to vector<16x32xf32>
    %max3A_111 = arith.maximumf %add3A_108, %max3A_110 : vector<16x32xf32>
    %get3A_112 = arith.constant 0 : index
    %get3A_113 = arith.constant 0 : index
    %get3A_114 = vector.load %arg13[%get3A_112, %get3A_113] : memref<32x24xf32, #tpu.memory_space<vmem>>, vector<32x24xf32>
    %dot_general3A_115 = arith.constant dense<0.000000e+00> : vector<16x24xf32>
    %dot_general3A_116 = tpu.matmul %max3A_111, %get3A_114, %dot_general3A_115 {dimension_numbers = #tpu.dot_dimension_numbers<[1], [0], [0], [1], [0, 0, 1, 1], [], []>, precision = #tpu.contract_precision<fp32>, transpose_lhs_hint = false} : vector<16x32xf32>, vector<32x24xf32>, vector<16x24xf32> -> vector<16x24xf32>
    %get3A_117 = arith.constant 0 : index
    %get3A_118 = vector.load %arg14[%get3A_117] : memref<24xf32, #tpu.memory_space<vmem>>, vector<24xf32>
    %broadcast_in_dim3A_119 = vector.shape_cast %get3A_118 : vector<24xf32> to vector<1x24xf32>
    %add3A_120 = vector.broadcast %broadcast_in_dim3A_119 : vector<1x24xf32> to vector<16x24xf32>
    %add3A_121 = arith.addf %dot_general3A_116, %add3A_120 : vector<16x24xf32>
    %max3A_122 = arith.constant 0.000000e+00 : f32
    %max3A_123 = vector.broadcast %max3A_122 : f32 to vector<16x24xf32>
    %max3A_124 = arith.maximumf %add3A_121, %max3A_123 : vector<16x24xf32>
    %get3A_125 = arith.constant 0 : index
    %get3A_126 = arith.constant 0 : index
    %get3A_127 = vector.load %arg15[%get3A_125, %get3A_126] : memref<24x4xf32, #tpu.memory_space<vmem>>, vector<24x4xf32>
    %dot_general3A_128 = arith.constant dense<0.000000e+00> : vector<16x4xf32>
    %dot_general3A_129 = tpu.matmul %max3A_124, %get3A_127, %dot_general3A_128 {dimension_numbers = #tpu.dot_dimension_numbers<[1], [0], [0], [1], [0, 0, 1, 1], [], []>, precision = #tpu.contract_precision<fp32>, transpose_lhs_hint = false} : vector<16x24xf32>, vector<24x4xf32>, vector<16x4xf32> -> vector<16x4xf32>
    %get3A_130 = arith.constant 0 : index
    %get3A_131 = vector.load %arg16[%get3A_130] : memref<4xf32, #tpu.memory_space<vmem>>, vector<4xf32>
    %broadcast_in_dim3A_132 = vector.shape_cast %get3A_131 : vector<4xf32> to vector<1x4xf32>
    %add3A_133 = vector.broadcast %broadcast_in_dim3A_132 : vector<1x4xf32> to vector<16x4xf32>
    %add3A_134 = arith.addf %dot_general3A_129, %add3A_133 : vector<16x4xf32>
    %swap3A_135 = arith.constant 0 : index
    %swap3A_136 = arith.constant 0 : index
    %swap3A_137 = vector.load %arg18[%swap3A_135, %swap3A_136] : memref<16x4xf32, #tpu.memory_space<vmem>>, vector<16x4xf32>
    tpu.vector_store %arg18[%swap3A_135, %swap3A_136], %add3A_134 {strides = array<i32>} : memref<16x4xf32, #tpu.memory_space<vmem>>, vector<16x4xf32>,
    return
  }
}

</mosaic_0001>

<sc_bundles>
// kernel: kernel.4.cloned.1.call-start
scs
__scs_entry_jumppad:
0x0: {  	(pc) =	sbr.rel $0x88, $3  }
0x1: {  	(tag) =	ssettag $0x0;
	lr =	simm.s32 $0x1  }
0x2: {  	[smem:$0x3F90] =	sst lr;
	_ =	strace $0xD0000000  }
0x3: {  	_ = 	snop  }
0x4: {  	_ = 	snop  }
0x5: {  	_ = 	snop  }
0x6: {  	_ = 	snop  }
0x7: {  	_ = 	snop  }
__scs_overlays_trampoline_lowered:
0x8: {  	[smem:$0x3F9F] =	sst s0  }
0x9: {  	[smem:$0x3FA0] =	sst s1  }
0xa: {  	[smem:$0x3FA1] =	sst s2  }
0xb: {  	[smem:$0x3FA2] =	sst s3  }
0xc: {  	[smem:$0x3FA3] =	sst s4  }
0xd: {  	[smem:$0x3FA4] =	sst s5  }
0xe: {  	[smem:$0x3FA5] =	sst s6  }
0xf: {  	[smem:$0x3FA6] =	sst s7  }
0x10: {  	[smem:$0x3FA7] =	sst s8  }
0x11: {  	[smem:$0x3FA8] =	sst s9;
	s0 =	simm.s32 @!p0 $0x0  }
0x12: {  	s1 =	sld [smem:$0x3F8E];
	s0 =	simm.s32 @p0 $0x1  }
0x13: {  	[smem:$0x3FA9] =	sst s0;
	s0 =	simm.s32 @!p1 $0x0  }
0x14: {  	s2 =	sld [smem:$0x3F8D];
	s0 =	simm.s32 @p1 $0x1  }
0x15: {  	[smem:$0x3FAA] =	sst s0;
	s0 =	simm.s32 @!p2 $0x0  }
0x16: {  	s3 =	sld [smem:$0x3FDB];
	s0 =	simm.s32 @p2 $0x1  }
0x17: {  	s4 =	simm.s32 $0x1BF5;
	[smem:$0x3FAC] =	sst s0  }
0x18: {  	s0 =	sld [smem:$0x3F8F];
	_ =	swait.ge [sflag:s4], $0x0  }
0x19: {  	s7 =	sld [smem:$0x3F90]  }
0x1a: {  	s8 =	sadd.s32 $0xFFFFE003, lr  }
0x1b: {  	s9 =	sadd.s32 $0xFFFFFEF7, lr;
	s5 =	simm.s32 $0xFFFFFFFF;
	p2 =	slt.u32 s8, $0xFFFFF086  }
0x1c: {  	p1 =	slt.u32 s9, $0xF7A;
	s5 =	simm.s32 @!p2 $0x0  }
0x1d: {  	s5 =	simm.s32 @p1 $0x1;
	p0 =	seq.s32 s7, s2  }
0x1e: {  	s7 =	smul.u32 @!p0 $0xF7A, s2;
	p2 =	seq.s32 @!p0 s5, $0x0  }
0x1f: {  	s9 =	smul.u32 $0xF7A, s1;
	s8 =	simm.s32 @!p0 $0x1BF5;
	p2 =	por !p2, p0  }
0x20: {  	[sflag:s8] =	ssyncset.s32 @!p0 $0xFFFFF086;
	s6 =	sadd.s32 @!p0 s3, s7;
	s7 =	simm.s32 @!p0 $0x108  }
0x21: {  	s3 =	sadd.s32 s3, s9;
	s6 =	sadd.s32 @!p0 $0x88, s6;
	s7 =	simm.s32 @p2 $0x1082  }
0x22: {  	[simem:s7], [sflag:s8] =	dma.local @!p0 [hbm:s6], $0xF7A  }
0x23: {  	s9 =	sor.u32 $0xD0000000, s2;
	s6 =	simm.s32 $0x108;
	_ =	swait.ge @!p0 [sflag:s8], $0x0  }
0x24: {  	s3 =	sadd.s32 $0x88, s3;
	s6 =	simm.s32 @!p1 $0x1082;
	[sflag:s4] =	ssyncset.s32 $0xFFFFF086  }
0x25: {  	[simem:s6], [sflag:s4] =	dma.local [hbm:s3], $0xF7A  }
0x26: {  	[smem:$0x3F90] =	sst s1;
	(tag) =	ssettag s2;
	_ =	strace s9  }
0x27: {  	s1 =	sld [smem:$0x3FA0]  }
0x28: {  	s2 =	sld [smem:$0x3FA1]  }
0x29: {  	s4 =	sld [smem:$0x3FA3]  }
0x2a: {  	p0 =	seq.s32 s5, $0x0;
	s5 =	sld [smem:$0x3FA4]  }
0x2b: {  	s6 =	sld [smem:$0x3FA5]  }
0x2c: {  	s7 =	sld [smem:$0x3FA6]  }
0x2d: {  	s3 =	simm.s32 $0x108;
	s8 =	sld [smem:$0x3FA7]  }
0x2e: {  	s3 =	simm.s32 @!p0 $0x1082;
	s9 =	sld [smem:$0x3FA8]  }
0x2f: {  	lr =	sadd.s32 s0, s3;
	s0 =	sld [smem:$0x3F9F]  }
0x30: {  	s3 =	sld [smem:$0x3FA2]  }
0x31: {  	[smem:$0x3FAB] =	sst s10  }
0x32: {  	s10 =	sld [smem:$0x3FA9];
	_ =	sdelay $0x3  }
0x33: {  	p0 =	seq.s32 s10, $0x1;
	s10 =	sld [smem:$0x3FAB];
	_ =	sdelay $0x3  }
0x34: {  	[smem:$0x3FAB] =	sst s10  }
0x35: {  	s10 =	sld [smem:$0x3FAA];
	_ =	sdelay $0x3  }
0x36: {  	p1 =	seq.s32 s10, $0x1;
	s10 =	sld [smem:$0x3FAB];
	_ =	sdelay $0x3  }
0x37: {  	[smem:$0x3FAB] =	sst s10  }
0x38: {  	s10 =	sld [smem:$0x3FAC]  }
0x39: {  	_ = 	snop;
	(pc) =	sbr.ind lr, $3  }
0x3a: {  	_ = 	snop  }
0x3b: {  	_ = 	snop  }
0x3c: {  	p2 =	seq.s32 s10, $0x1;
	s10 =	sld [smem:$0x3FAB]  }
0x3d: {  	_ =	shalt  }
0x3e: {  	_ =	shalt  }
0x3f: {  	_ =	shalt  }
0x40: {  	_ =	shalt  }
0x41: {  	_ =	shalt  }
0x42: {  	_ =	shalt  }
0x43: {  	_ =	shalt  }
0x44: {  	_ =	shalt  }
0x45: {  	_ =	shalt  }
0x46: {  	_ =	shalt  }
0x47: {  	_ =	shalt  }
0x48: {  	_ =	shalt  }
0x49: {  	_ =	shalt  }
0x4a: {  	_ =	shalt  }
0x4b: {  	_ =	shalt  }
0x4c: {  	_ =	shalt  }
0x4d: {  	_ =	shalt  }
0x4e: {  	_ =	shalt  }
0x4f: {  	_ =	shalt  }
0x50: {  	_ =	shalt  }
0x51: {  	_ =	shalt  }
0x52: {  	_ =	shalt  }
0x53: {  	_ =	shalt  }
0x54: {  	_ =	shalt  }
0x55: {  	_ =	shalt  }
0x56: {  	_ =	shalt  }
0x57: {  	_ =	shalt  }
0x58: {  	_ =	shalt  }
0x59: {  	_ =	shalt  }
0x5a: {  	_ =	shalt  }
0x5b: {  	_ =	shalt  }
0x5c: {  	_ =	shalt  }
0x5d: {  	_ =	shalt  }
0x5e: {  	_ =	shalt  }
0x5f: {  	_ =	shalt  }
0x60: {  	_ =	shalt  }
0x61: {  	_ =	shalt  }
0x62: {  	_ =	shalt  }
0x63: {  	_ =	shalt  }
0x64: {  	_ =	shalt  }
0x65: {  	_ =	shalt  }
0x66: {  	_ =	shalt  }
0x67: {  	_ =	shalt  }
0x68: {  	_ =	shalt  }
0x69: {  	_ =	shalt  }
0x6a: {  	_ =	shalt  }
0x6b: {  	_ =	shalt  }
0x6c: {  	_ =	shalt  }
0x6d: {  	_ =	shalt  }
0x6e: {  	_ =	shalt  }
0x6f: {  	_ =	shalt  }
0x70: {  	_ =	shalt  }
0x71: {  	_ =	shalt  }
0x72: {  	_ =	shalt  }
0x73: {  	_ =	shalt  }
0x74: {  	_ =	shalt  }
0x75: {  	_ =	shalt  }
0x76: {  	_ =	shalt  }
0x77: {  	_ =	shalt  }
0x78: {  	_ =	shalt  }
0x79: {  	_ =	shalt  }
0x7a: {  	_ =	shalt  }
0x7b: {  	_ =	shalt  }
0x7c: {  	_ =	shalt  }
0x7d: {  	_ =	shalt  }
0x7e: {  	_ =	shalt  }
0x7f: {  	_ =	shalt  }
0x80: {  	_ =	shalt  }
0x81: {  	_ =	shalt  }
0x82: {  	_ =	shalt  }
0x83: {  	_ =	shalt  }
0x84: {  	_ =	shalt  }
0x85: {  	_ =	shalt  }
0x86: {  	_ =	shalt  }
0x87: {  	_ =	shalt  }
.Lfunc_end0:
.L_simem_size_0:
called_computation_lowered:
.L_overlay_start_0:
0x88: {  	s2 =	sld [smem:$0x3FD9]  }
0x89: {  	s3 =	sld [smem:$0x3FFE];
	_ =	sdelay $0x1  }
0x8a: {  	s1 =	srdreg.scid  }
0x8b: {  	s0 =	sand.u32 $0x1, s1  }
0x8c: {  	s16 =	sshll.u32 s0, $0xA;
	s2 =	sadd.s32 s3, s2  }
0x8d: {  	s2 =	sadd.s32 s2, s16  }
0x8e: {  	[smem:$0x3FB7] =	sst s2  }
0x8f: {  	_ = 	snop  }
0x90: {  	(tm) =	ssettm $0x1  }
0x91: {  	s17 =	sld [smem:$0x3FFB];
	_ =	sdelay $0x3  }
0x92: {  	_ =	strace s17  }
0x93: {  	s2 =	sld [smem:$0x3FFC];
	_ =	sdelay $0x3  }
0x94: {  	_ =	strace s2  }
0x95: {  	s2 =	sld [smem:$0x3FFD];
	_ =	sdelay $0x3  }
0x96: {  	_ =	strace s2  }
0x97: {  	_ =	strace $0x8FFFFFFF  }
0x98: {  	s18 =	sld [smem:$0x3FDB];
	_ =	sdelay $0x1  }
0x99: {  	s19 =	simm.s32 $_scs_section_size  }
0x9a: {  	s4 =	simm.s32 $_size__tile_overlayer_lowered;
	s5 =	simm.s32 $_tile_overlayer_lowered  }
0x9b: {  	s22 =	simm.s32 $0x1BFF;
	s21 =	sshll.u32 s5, $0x1;
	s2 =	sadd.s32 s19, s18  }
0x9c: {  	s6 =	simm.s32 $0x0;
	s20 =	sshll.u32 s4, $0x1;
	s4 =	sadd.s32 s21, s2  }
0x9d: {  	[timem:s6], [sflag:s22] =	dma.local [hbm:s4], s20  }
0x9e: {  	_ =	swait.ge [sflag:s22], s20  }
0x9f: {  	s3 =	ssub.s32 $0x0, s20;
	[sflag:s22] =	ssyncset.done $0x0  }
0xa0: {  	[sflag:s22] =	ssyncadd.s32 s3;
	_ =	sdelay $0x1  }
0xa1: {  	s23 =	simm.s32 $0x1B8B  }
0xa2: {  	_ =	swait.ge [sflag:s23], $0x1  }
0xa3: {  	[sflag:s23] =	ssyncset.done $0x0  }
0xa4: {  	s25 =	simm.s32 $0x1B8E;
	s24 =	sld [smem:$0x3FFE];
	[sflag:s23] =	ssyncadd.s32 $0xFFFFFFFF  }
0xa5: {  	s26 =	simm.s32 $execute0_lowered;
	[smem:$0x3FD2] =	sst s25  }
0xa6: {  	s4 =	sshll.u32 s26, $0x1;
	_ =	strace $0x80000046;
	[dreg:$0x1] =	wrdreg $0xFFFFFFFF  }
0xa7: {  	s28 =	simm.s32 $_size_execute0_lowered;
	s2 =	sadd.s32 s2, s4;
	[dreg:$0x0] =	wrdreg $0x0  }
0xa8: {  	s4 =	sshll.u32 s28, $0x1;
	[dreg:$0x2] =	wrdreg s2  }
0xa9: {  	[dreg:$0x3] =	wrdreg s4  }
0xaa: {  	[dreg:$0x4] =	wrdreg $0xC0  }
0xab: {  	_ =	task [dreg:s6], $0x5FFFF  }
0xac: {  	[dreg:$0x1] =	wrdreg $0xFFFFFFFF  }
0xad: {  	[dreg:$0x0] =	wrdreg $0x60  }
0xae: {  	[dreg:$0x2] =	wrdreg s24  }
0xaf: {  	[dreg:$0x3] =	wrdreg $0x9  }
0xb0: {  	_ =	task.clear_ibuf [dreg:s6], $0x4FFFF;
	_ =	strace $0x90000046  }
0xb1: {  	s29 =	simm.s32 $0x9;
	_ =	strace $0x80000048  }
0xb2: {  	_ =	swait.ge [sflag:s29], $0x1  }
0xb3: {  	[sflag:s29] =	ssyncadd.s32 $0xFFFFFFFF  }
0xb4: {  	_ =	strace $0x90000048  }
0xb5: {  	_ =	sfence  }
0xb6: {  	s30 =	sld [smem:$0x0];
	_ =	sdelay $0x2  }
0xb7: {  	s31 =	sshll.u32 s1, $0xD;
	s1 =	sshrl.u32 s1, $0x2  }
0xb8: {  	s3 =	sand.u32 $0x4000, s31;
	s1 =	sadd.s32 s1, s30  }
0xb9: {  	s0 =	sor.u32 s3, s0;
	s1 =	sshll.u32 s1, $0x11  }
0xba: {  	s0 =	sor.u32 s1, s0  }
0xbb: {  	s0 =	sadd.s32 $0x8F2B, s0  }
0xbc: {  	[sflag:s0] =	ssyncadd.remote.s32 $0x1  }
0xbd: {  	_ =	sfence.sel $0xFFFF  }
0xbe: {  	[dreg:$0x0] =	wrdreg $0xFFFFFFFF;
	(pc) =	sbr.abs _section_cstart, $3  }
0xbf: {  	[dreg:$0x1] =	wrdreg $0xFFFFFFFF  }
0xc0: {  	_ =	task.clear_ibuf [dreg:s6], $0x2FFFF;
	_ =	strace $0x9FFFFFFF  }
0xc1: {  	(tm) =	ssettm $0x7FFFFFFF  }
tec
execute0_lowered:
.L_overlay_start_1:
0x0: {  	(tag) =	ssettag $0x1  }
0x1: {  	s0 =	srdreg.scid  }
0x2: {  	s24 =	stileid.u32;
	s1 =	rddreg [dreg:$0x0]  }
0x3: {  	s2 =	simm.s32 $0x0;
	s13 =	simm.s32 $0x80;
	s14 =	simm.s32 $0x400  }
0x4: {  	s15 =	simm.s32 $0xC80;
	s18 =	simm.s32 $0x6780;
	s19 =	simm.s32 $0xB600  }
0x5: {  	s20 =	simm.s32 $0x10480;
	s21 =	simm.s32 $0x15300;
	s22 =	simm.s32 $0x1A180  }
0x6: {  	s23 =	simm.s32 $0x2;
	s25 =	simm.s32 $0x3;
	s26 =	simm.s32 $0x0  }
0x7: {  	s0 =	sand.u32 $0x1, s0;
	s3 =	sshll.u32 s24, $0x1;
	[smem:$0x7FF] =	sst s2  }
0x8: {  	p0 =	sgt.u32 s24, $0x7;
	s7 =	sor.u32 s0, s3;
	_ =	strace $0x80000047  }
0x9: {  	s24 =	simm.s32 $0x1F000;
	s3 =	sadd.s32 $0x273800, s1;
	s4 =	smul.u32 $0x56, s7  }
0xa: {  	s1 =	sadd.s32 $0x2800, s1;
	s0 =	ssub.s32 $0x2, s0;
	s8 =	sor.u32 $0x20, s7  }
0xb: {  	s9 =	sshrl.u32 s0, $0x1;
	s10 =	smul.u32 $0x56, s8;
	s5 =	sshrl.u32 s4, $0x8  }
0xc: {  	s0 =	ssub.s32 s0, s9;
	s6 =	sshrl.u32 s4, $0xB;
	s5 =	smul.u32 $0x3, s5  }
0xd: {  	s4 =	sshrl.u32 s4, $0x1;
	s12 =	smax.u32 s0, $0x1;
	s6 =	smul.u32 $0x138800, s6  }
0xe: {  	s4 =	sand.u32 $0x380, s4;
	s29 =	sshrl.u32 s10, $0x8;
	s10 =	sshrl.u32 s10, $0x1  }
0xf: {  	s30 =	smul.u32 $0x3, s29;
	s10 =	sand.u32 $0x380, s10;
	s5 =	ssub.s32 s7, s5  }
0x10: {  	s6 =	sor.u32 s4, s6;
	s7 =	sshll.u32 s7, $0x5;
	s11 =	sshrl.u32 s10, $0x3  }
0x11: {  	v0 =	vlaneseq.u32;
	s16 =	sand.u32 $0xFF, s5;
	s4 =	sshrl.u32 s6, $0x3;
	s5 =	sadd.s32 $0x6400, s6  }
.Ltmp0:
0x12: {  	v1 =	vmul.u32 $0x8, v0;
	s6 =	sadd.s32 $0xC800, s6;
	s9 =	ssub.s32 s8, s30;
	(pc) =	sbr.rel .LBB2_1-.Ltmp0, $4  }
0x13: {  	v11 =	vimm.s32 $0x2;
	v12 =	vimm.s32 $0x0;
	v13 =	vimm.f32 $-1.000000000e+00;
	s7 =	sadd.s32 s1, s7;
	s31 =	sadd.s32 s11, s3;
	s8 =	sshll.u32 s8, $0x5  }
0x14: {  	v4 =	vor.u32 $0x1, v1;
	v5 =	vor.u32 $0x2, v1;
	v6 =	vor.u32 $0x3, v1;
	s4 =	sadd.s32 s3, s4;
	s17 =	sand.u32 $0xFF, s9;
	s9 =	sadd.s32 $0x27100, s31  }
0x15: {  	v7 =	vor.u32 $0x4, v1;
	v8 =	vor.u32 $0x5, v1;
	s11 =	sadd.s32 s1, s8;
	v2 =	vmov s16;
	s16 =	simm.s32 $0x1;
	[dreg:$0x2] =	wrdreg s9  }
0x16: {  	v9 =	vor.u32 $0x6, v1;
	v10 =	vor.u32 $0x7, v1;
	s9 =	sor.u32 $0x13EC00, s10;
	s10 =	sor.u32 $0x145000, s10;
	v3 =	vmov s17;
	s17 =	simm.s32 $0x1900  }
.LBB2_38:
0x17: {  	[tilespmem:$0x1F000] =	vst v16  }
0x18: {  	[tilespmem:$0x1F080] =	vst v15  }
0x19: {  	[hbm4b:s11+s2] =	stream.linear.scatter [tilespmem:s24], [sflag:$0x3], $0x100, $0x38;
	[tilespmem:$0x1F100] =	vst v63  }
0x1a: {  	_ =	swait.ge [sflag:s25], $0x100  }
0x1b: {  	[sflag:s25] =	ssyncset.done $0x0  }
0x1c: {  	[sflag:s25] =	ssyncadd.s32 $0xFFFFFF00  }
.LBB2_39:
0x1d: {  	s26 =	sadd.s32 $0x1, s26  }
0x1e: {  	p1 =	sne.s32 s26, s12  }
.Ltmp1:
0x1f: {  	_ = 	snop;
	(pc) =	sbr.rel @!p1 .LBB2_40-.Ltmp1, $1  }
0x20: {  	_ =	sdelay $0x3  }
.LBB2_1:
0x21: {  	[tilespmem:s2], [sflag:$0x1] =	stream.strided.gather [hbm4b:s4+s13], $0xC80, s14, s13, $0x38;
	[tilespmem:$0x1F100] =	vst v63  }
0x22: {  	v14 =	vimm.s32 $0x0;
	s28 =	simm.s32 $0x0  }
.LBB2_2:
0x23: {  	s29 =	smul.u32 $0xC800, s28;
	_ =	sdelay $0x1  }
0x24: {  	s0 =	sadd.s32 s29, s5  }
0x25: {  	s1 =	simm.s32 $0x0;
	s0 =	sshrl.u32 s0, $0x3  }
0x26: {  	v15 =	vor.u32 s1, v10;
	s0 =	sadd.s32 s3, s0  }
0x27: {  	v16 =	vor.u32 s1, v9;
	[tilespmem:s15], [sflag:$0x2] =	stream.strided.gather [hbm4b:s0+s13], $0xC80, s14, s13, $0x38;
	[tilespmem:$0x1F100] =	vst v63  }
0x28: {  	v17 =	vor.u32 s1, v8;
	_ =	swait.ge [sflag:s16], $0xC80  }
0x29: {  	[sflag:s16] =	ssyncset.done $0x0  }
0x2a: {  	[sflag:s16] =	ssyncadd.s32 $0xFFFFF380  }
0x2b: {  	v18 =	vor.u32 s1, v7;
	v15 =	vld.idx.msk [tilespmem:v15+s2+$0x0], $0xffff  }
0x2c: {  	v19 =	vld.idx.msk [tilespmem:v16+s2+$0x0], $0xffff  }
0x2d: {  	v17 =	vld.idx.msk [tilespmem:v17+s2+$0x0], $0xffff;
	_ =	sdelay $0x2  }
0x2e: {  	v21 =	vld.idx.msk [tilespmem:v18+s2+$0x0], $0xffff;
	_ =	sdelay $0x1  }
0x2f: {  	vm0 =	vge.f32 v19, v15;
	vm1 =	vge.f32 v17, v19;
	vm2 =	vge.f32 v17, v15  }
0x30: {  	vm1 =	vmand vm1, vm2;
	v16 =	vsel vm0, $0x1, v11  }
0x31: {  	v16 =	vsel vm1, $0x0, v16  }
0x32: {  	vm0 =	vge.f32 v21, $3.000000120e-01;
	vm1 =	veq.s32 v16, v2  }
0x33: {  	vm0 =	vmand vm0, vm1  }
0x34: {  	v16 =	vor.u32 s1, v5;
	v18 =	vsel vm0, $0x1, v12  }
0x35: {  	v20 =	vor.u32 s1, v6;
	(xrf0) =	vadd.scan.msk.s32 $0xffff, v18  }
0x36: {  	v18 =	vor.u32 s1, v1  }
0x37: {  	v22 =	vor.u32 s1, v4;
	_ =	sdelay $0x1  }
0x38: {  	v23 =	vld.idx.msk [tilespmem:v16+s2+$0x0], $0xffff  }
0x39: {  	v20 =	vld.idx.msk [tilespmem:v20+s2+$0x0], $0xffff  }
0x3a: {  	v18 =	vld.idx.msk [tilespmem:v18+s2+$0x0], $0xffff;
	v16, _, _ =	vpop (xrf0)  }
0x3b: {  	v22 =	vld.idx.msk [tilespmem:v22+s2+$0x0], $0xffff;
	v16 =	vadd.s32 v16, v14  }
0x3c: {  	v16 =	vadd.s32 $0xFFFFFFFF, v16  }
0x3d: {  	v23 =	vmul.f32 $5.000000000e-01, v23  }
0x3e: {  	v20 =	vmul.f32 $5.000000000e-01, v20  }
0x3f: {  	v24 =	vsub.f32 v18, v23  }
0x40: {  	v17 =	vmax.f32 v17, v19;
	v25 =	vsub.f32 v22, v20  }
0x41: {  	s0 =	simm.s32 $0x80;
	v15 =	vmax.f32 v17, v15;
	v18 =	vadd.f32 v23, v18;
	[tilespmem:v16+s17+$0x0] =	vst.idx.msk vm0, v24  }
0x42: {  	v17 =	vor.u32 s0, v10;
	v20 =	vadd.f32 v20, v22;
	v22 =	vmpcnt.ones.xlane vm0;
	[tilespmem:v16+s18+$0x0] =	vst.idx.msk vm0, v25  }
0x43: {  	[tilespmem:v16+s19+$0x0] =	vst.idx.msk vm0, v18;
	v18 =	vor.u32 s0, v9  }
0x44: {  	v19 =	vor.u32 s0, v8;
	v14 =	vadd.s32 v14, v22;
	[tilespmem:v16+s20+$0x0] =	vst.idx.msk vm0, v20;
	v20 =	vmul.f32 v15, v21  }
0x45: {  	s1 =	simm.s32 $0x100;
	v15 =	vmov v14;
	[tilespmem:v16+s21+$0x0] =	vst.idx.msk vm0, v21  }
.LBB2_3:
0x46: {  	p1 =	sne.s32 s1, $0xC00;
	[tilespmem:v16+s22+$0x0] =	vst.idx.msk vm0, v20;
	s8 =	smov.u32 s1;
	s1 =	sadd.s32 $0x80, s1  }
0x47: {  	v16 =	vor.u32 s0, v7;
	v17 =	vld.idx.msk [tilespmem:v17+s2+$0x0], $0xffff  }
0x48: {  	v18 =	vld.idx.msk [tilespmem:v18+s2+$0x0], $0xffff  }
0x49: {  	v19 =	vld.idx.msk [tilespmem:v19+s2+$0x0], $0xffff;
	_ =	sdelay $0x2  }
0x4a: {  	v21 =	vld.idx.msk [tilespmem:v16+s2+$0x0], $0xffff;
	_ =	sdelay $0x1  }
0x4b: {  	vm0 =	vge.f32 v18, v17  }
0x4c: {  	v16 =	vmax.f32 v19, v18;
	vm1 =	vge.f32 v19, v18;
	vm2 =	vge.f32 v19, v17  }
0x4d: {  	v20 =	vmax.f32 v16, v17;
	vm1 =	vmand vm1, vm2;
	v16 =	vsel vm0, $0x1, v11  }
0x4e: {  	v16 =	vsel vm1, $0x0, v16  }
0x4f: {  	vm0 =	vge.f32 v21, $3.000000120e-01;
	vm1 =	veq.s32 v16, v2  }
0x50: {  	v16 =	vor.u32 s0, v5;
	vm0 =	vmand vm0, vm1  }
0x51: {  	v17 =	vor.u32 s0, v6;
	v18 =	vsel vm0, $0x1, v12;
	v19 =	vmpcnt.ones.xlane vm0  }
0x52: {  	v22 =	vor.u32 s0, v1;
	(xrf0) =	vadd.scan.msk.s32 $0xffff, v18  }
0x53: {  	v18 =	vor.u32 s0, v4;
	v14 =	vadd.s32 v14, v19;
	s0 =	smov.u32 s8;
	_ =	sdelay $0x1  }
0x54: {  	v19 =	vld.idx.msk [tilespmem:v16+s2+$0x0], $0xffff  }
0x55: {  	v17 =	vld.idx.msk [tilespmem:v17+s2+$0x0], $0xffff  }
0x56: {  	v22 =	vld.idx.msk [tilespmem:v22+s2+$0x0], $0xffff  }
0x57: {  	v18 =	vld.idx.msk [tilespmem:v18+s2+$0x0], $0xffff;
	v16, _, _ =	vpop (xrf0)  }
0x58: {  	v16 =	vadd.s32 v16, v15;
	v15 =	vmov v14  }
0x59: {  	v16 =	vadd.s32 $0xFFFFFFFF, v16  }
0x5a: {  	v19 =	vmul.f32 $5.000000000e-01, v19  }
0x5b: {  	v17 =	vmul.f32 $5.000000000e-01, v17  }
0x5c: {  	v23 =	vsub.f32 v22, v19;
	v19 =	vadd.f32 v19, v22  }
0x5d: {  	v22 =	vsub.f32 v18, v17;
	v24 =	vadd.f32 v17, v18  }
.Ltmp2:
0x5e: {  	[tilespmem:v16+s17+$0x0] =	vst.idx.msk vm0, v23;
	(pc) =	sbr.rel @p1 .LBB2_3-.Ltmp2, $4  }
0x5f: {  	v17 =	vor.u32 s0, v10;
	[tilespmem:v16+s18+$0x0] =	vst.idx.msk vm0, v22  }
0x60: {  	v18 =	vor.u32 s0, v9;
	[tilespmem:v16+s19+$0x0] =	vst.idx.msk vm0, v19  }
0x61: {  	v20 =	vmul.f32 v20, v21;
	v19 =	vor.u32 s0, v8;
	[tilespmem:v16+s20+$0x0] =	vst.idx.msk vm0, v24  }
0x62: {  	[tilespmem:v16+s21+$0x0] =	vst.idx.msk vm0, v21  }
0x63: {  	_ =	sdelay $0x4  }
0x64: {  	[tilespmem:v16+s22+$0x0] =	vst.idx.msk vm0, v20  }
0x65: {  	v16 =	vor.u32 s0, v7;
	v17 =	vld.idx.msk [tilespmem:v17+s2+$0x0], $0xffff  }
0x66: {  	v18 =	vld.idx.msk [tilespmem:v18+s2+$0x0], $0xffff  }
0x67: {  	v19 =	vld.idx.msk [tilespmem:v19+s2+$0x0], $0xffff;
	_ =	sdelay $0x2  }
0x68: {  	v16 =	vld.idx.msk [tilespmem:v16+s2+$0x0], $0xffff;
	_ =	sdelay $0x1  }
0x69: {  	vm0 =	vge.f32 v18, v17;
	vm1 =	vge.f32 v19, v18;
	vm2 =	vge.f32 v19, v17  }
0x6a: {  	vm1 =	vmand vm1, vm2;
	v20 =	vsel vm0, $0x1, v11  }
0x6b: {  	v20 =	vsel vm1, $0x0, v20  }
0x6c: {  	vm1 =	veq.s32 v20, v2;
	vm0 =	vge.f32 v16, $3.000000120e-01  }
0x6d: {  	vm1 =	vmand vm0, vm1  }
0x6e: {  	v20 =	vor.u32 s0, v5;
	v21 =	vsel vm1, $0x1, v12  }
0x6f: {  	v22 =	vor.u32 s0, v6;
	(xrf0) =	vadd.scan.msk.s32 $0xffff, v21  }
0x70: {  	v21 =	vor.u32 s0, v1  }
0x71: {  	v23 =	vor.u32 s0, v4;
	_ =	sdelay $0x1  }
0x72: {  	v20 =	vld.idx.msk [tilespmem:v20+s2+$0x0], $0xffff  }
0x73: {  	v22 =	vld.idx.msk [tilespmem:v22+s2+$0x0], $0xffff  }
0x74: {  	v21 =	vld.idx.msk [tilespmem:v21+s2+$0x0], $0xffff;
	v24, _, _ =	vpop (xrf0)  }
0x75: {  	v23 =	vld.idx.msk [tilespmem:v23+s2+$0x0], $0xffff;
	v15 =	vadd.s32 v24, v15  }
0x76: {  	v15 =	vadd.s32 $0xFFFFFFFF, v15  }
0x77: {  	v20 =	vmul.f32 $5.000000000e-01, v20  }
0x78: {  	v22 =	vmul.f32 $5.000000000e-01, v22  }
0x79: {  	v61 =	vsub.f32 v21, v20  }
0x7a: {  	v25 =	vsub.f32 v23, v22  }
0x7b: {  	v20 =	vadd.f32 v20, v21;
	[tilespmem:v15+s17+$0x0] =	vst.idx.msk vm1, v61  }
0x7c: {  	v18 =	vmax.f32 v19, v18;
	v19 =	vadd.f32 v22, v23;
	[tilespmem:v15+s18+$0x0] =	vst.idx.msk vm1, v25  }
0x7d: {  	p1 =	seq.s32 s28, $0x18;
	v17 =	vmax.f32 v18, v17;
	[tilespmem:v15+s19+$0x0] =	vst.idx.msk vm1, v20  }
0x7e: {  	v17 =	vmul.f32 v17, v16;
	s0 =	sadd.s32 @!p1 s29, s6;
	[tilespmem:v15+s20+$0x0] =	vst.idx.msk vm1, v19  }
0x7f: {  	s1 =	simm.s32 $0x0;
	s8 =	simm.s32 @!p1 $0x80;
	s0 =	sshrl.u32 @!p1 s0, $0x3;
	[tilespmem:v15+s21+$0x0] =	vst.idx.msk vm1, v16  }
0x80: {  	s30 =	simm.s32 @!p1 $0x0;
	s29 =	simm.s32 @!p1 $0x400;
	s0 =	sadd.s32 @!p1 s3, s0;
	[tilespmem:v15+s22+$0x0] =	vst.idx.msk vm1, v17;
	v15 =	vor.u32 s1, v10  }
0x81: {  	v16 =	vor.u32 s1, v9;
	[tilespmem:s30], [sflag:$0x1] =	stream.strided.gather @!p1 [hbm4b:s0+s8], $0xC80, s29, s8, $0x38;
	[tilespmem:$0x1F100] =	vst v63  }
0x82: {  	v17 =	vor.u32 s1, v8;
	_ =	swait.ge [sflag:s23], $0xC80  }
0x83: {  	[sflag:s23] =	ssyncset.done $0x0  }
0x84: {  	[sflag:s23] =	ssyncadd.s32 $0xFFFFF380  }
0x85: {  	v18 =	vor.u32 s1, v7;
	v15 =	vld.idx.msk [tilespmem:v15+s15+$0x0], $0xffff  }
0x86: {  	v19 =	vld.idx.msk [tilespmem:v16+s15+$0x0], $0xffff  }
0x87: {  	v17 =	vld.idx.msk [tilespmem:v17+s15+$0x0], $0xffff;
	_ =	sdelay $0x2  }
0x88: {  	v21 =	vld.idx.msk [tilespmem:v18+s15+$0x0], $0xffff;
	_ =	sdelay $0x1  }
0x89: {  	vm0 =	vge.f32 v19, v15;
	vm2 =	vge.f32 v17, v19;
	vm3 =	vge.f32 v17, v15  }
0x8a: {  	vm2 =	vmand vm2, vm3;
	v16 =	vsel vm0, $0x1, v11  }
0x8b: {  	v16 =	vsel vm2, $0x0, v16  }
0x8c: {  	vm0 =	vge.f32 v21, $3.000000120e-01;
	vm2 =	veq.s32 v16, v2  }
0x8d: {  	vm0 =	vmand vm0, vm2  }
0x8e: {  	v16 =	vor.u32 s1, v5;
	v18 =	vsel vm0, $0x1, v12  }
0x8f: {  	v20 =	vor.u32 s1, v6;
	(xrf0) =	vadd.scan.msk.s32 $0xffff, v18  }
0x90: {  	v18 =	vor.u32 s1, v1  }
0x91: {  	v22 =	vor.u32 s1, v4;
	_ =	sdelay $0x1  }
0x92: {  	v23 =	vmpcnt.ones.xlane vm1;
	v62 =	vld.idx.msk [tilespmem:v16+s15+$0x0], $0xffff  }
0x93: {  	v20 =	vld.idx.msk [tilespmem:v20+s15+$0x0], $0xffff  }
0x94: {  	v14 =	vadd.s32 v14, v23;
	v18 =	vld.idx.msk [tilespmem:v18+s15+$0x0], $0xffff;
	v16, _, _ =	vpop (xrf0)  }
0x95: {  	v22 =	vld.idx.msk [tilespmem:v22+s15+$0x0], $0xffff;
	v16 =	vadd.s32 v16, v14  }
0x96: {  	v16 =	vadd.s32 $0xFFFFFFFF, v16  }
0x97: {  	v23 =	vmul.f32 $5.000000000e-01, v62  }
0x98: {  	v20 =	vmul.f32 $5.000000000e-01, v20  }
0x99: {  	v24 =	vsub.f32 v18, v23  }
0x9a: {  	v17 =	vmax.f32 v17, v19;
	v63 =	vsub.f32 v22, v20  }
0x9b: {  	s0 =	simm.s32 $0x80;
	v15 =	vmax.f32 v17, v15;
	v18 =	vadd.f32 v23, v18;
	[tilespmem:v16+s17+$0x0] =	vst.idx.msk vm0, v24  }
0x9c: {  	v17 =	vor.u32 s0, v10;
	v20 =	vadd.f32 v20, v22;
	v22 =	vmpcnt.ones.xlane vm0;
	[tilespmem:v16+s18+$0x0] =	vst.idx.msk vm0, v63  }
0x9d: {  	[tilespmem:v16+s19+$0x0] =	vst.idx.msk vm0, v18;
	v18 =	vor.u32 s0, v9  }
0x9e: {  	v19 =	vor.u32 s0, v8;
	v14 =	vadd.s32 v14, v22;
	[tilespmem:v16+s20+$0x0] =	vst.idx.msk vm0, v20;
	v20 =	vmul.f32 v15, v21  }
0x9f: {  	s1 =	simm.s32 $0x100;
	v15 =	vmov v14;
	[tilespmem:v16+s21+$0x0] =	vst.idx.msk vm0, v21  }
.LBB2_5:
0xa0: {  	p1 =	sne.s32 s1, $0xC00;
	[tilespmem:v16+s22+$0x0] =	vst.idx.msk vm0, v20;
	s8 =	smov.u32 s1;
	s1 =	sadd.s32 $0x80, s1  }
0xa1: {  	v16 =	vor.u32 s0, v7;
	v17 =	vld.idx.msk [tilespmem:v17+s15+$0x0], $0xffff  }
0xa2: {  	v18 =	vld.idx.msk [tilespmem:v18+s15+$0x0], $0xffff  }
0xa3: {  	v19 =	vld.idx.msk [tilespmem:v19+s15+$0x0], $0xffff;
	_ =	sdelay $0x2  }
0xa4: {  	v21 =	vld.idx.msk [tilespmem:v16+s15+$0x0], $0xffff;
	_ =	sdelay $0x1  }
0xa5: {  	vm0 =	vge.f32 v18, v17  }
0xa6: {  	v16 =	vmax.f32 v19, v18;
	vm1 =	vge.f32 v19, v18;
	vm2 =	vge.f32 v19, v17  }
0xa7: {  	v20 =	vmax.f32 v16, v17;
	vm1 =	vmand vm1, vm2;
	v16 =	vsel vm0, $0x1, v11  }
0xa8: {  	v16 =	vsel vm1, $0x0, v16  }
0xa9: {  	vm0 =	vge.f32 v21, $3.000000120e-01;
	vm1 =	veq.s32 v16, v2  }
0xaa: {  	v16 =	vor.u32 s0, v5;
	vm0 =	vmand vm0, vm1  }
0xab: {  	v17 =	vor.u32 s0, v6;
	v18 =	vsel vm0, $0x1, v12;
	v19 =	vmpcnt.ones.xlane vm0  }
0xac: {  	v22 =	vor.u32 s0, v1;
	(xrf0) =	vadd.scan.msk.s32 $0xffff, v18  }
0xad: {  	v18 =	vor.u32 s0, v4;
	v14 =	vadd.s32 v14, v19;
	s0 =	smov.u32 s8;
	_ =	sdelay $0x1  }
0xae: {  	v19 =	vld.idx.msk [tilespmem:v16+s15+$0x0], $0xffff  }
0xaf: {  	v17 =	vld.idx.msk [tilespmem:v17+s15+$0x0], $0xffff  }
0xb0: {  	v22 =	vld.idx.msk [tilespmem:v22+s15+$0x0], $0xffff  }
0xb1: {  	v18 =	vld.idx.msk [tilespmem:v18+s15+$0x0], $0xffff;
	v16, _, _ =	vpop (xrf0)  }
0xb2: {  	v16 =	vadd.s32 v16, v15;
	v15 =	vmov v14  }
0xb3: {  	v16 =	vadd.s32 $0xFFFFFFFF, v16  }
0xb4: {  	v19 =	vmul.f32 $5.000000000e-01, v19  }
0xb5: {  	v17 =	vmul.f32 $5.000000000e-01, v17  }
0xb6: {  	v23 =	vsub.f32 v22, v19;
	v19 =	vadd.f32 v19, v22  }
0xb7: {  	v22 =	vsub.f32 v18, v17;
	v24 =	vadd.f32 v17, v18  }
.Ltmp3:
0xb8: {  	[tilespmem:v16+s17+$0x0] =	vst.idx.msk vm0, v23;
	(pc) =	sbr.rel @p1 .LBB2_5-.Ltmp3, $4  }
0xb9: {  	v17 =	vor.u32 s0, v10;
	[tilespmem:v16+s18+$0x0] =	vst.idx.msk vm0, v22  }
0xba: {  	v18 =	vor.u32 s0, v9;
	[tilespmem:v16+s19+$0x0] =	vst.idx.msk vm0, v19  }
0xbb: {  	v20 =	vmul.f32 v20, v21;
	v19 =	vor.u32 s0, v8;
	[tilespmem:v16+s20+$0x0] =	vst.idx.msk vm0, v24  }
0xbc: {  	[tilespmem:v16+s21+$0x0] =	vst.idx.msk vm0, v21  }
0xbd: {  	_ =	sdelay $0x4  }
0xbe: {  	[tilespmem:v16+s22+$0x0] =	vst.idx.msk vm0, v20  }
0xbf: {  	v57 =	vor.u32 s0, v7;
	v17 =	vld.idx.msk [tilespmem:v17+s15+$0x0], $0xffff  }
0xc0: {  	v18 =	vld.idx.msk [tilespmem:v18+s15+$0x0], $0xffff  }
0xc1: {  	v19 =	vld.idx.msk [tilespmem:v19+s15+$0x0], $0xffff;
	_ =	sdelay $0x2  }
0xc2: {  	v16 =	vld.idx.msk [tilespmem:v57+s15+$0x0], $0xffff;
	_ =	sdelay $0x1  }
0xc3: {  	vm14 =	vge.f32 v18, v17;
	vm1 =	vge.f32 v19, v18;
	vm2 =	vge.f32 v19, v17  }
0xc4: {  	vm1 =	vmand vm1, vm2;
	v58 =	vsel vm14, $0x1, v11  }
0xc5: {  	v20 =	vsel vm1, $0x0, v58  }
0xc6: {  	vm1 =	veq.s32 v20, v2;
	vm15 =	vge.f32 v16, $3.000000120e-01  }
0xc7: {  	vm0 =	vmand vm15, vm1  }
0xc8: {  	v59 =	vor.u32 s0, v5;
	v21 =	vsel vm0, $0x1, v12  }
0xc9: {  	v22 =	vor.u32 s0, v6;
	(xrf0) =	vadd.scan.msk.s32 $0xffff, v21  }
0xca: {  	v60 =	vor.u32 s0, v1  }
0xcb: {  	v23 =	vor.u32 s0, v4;
	_ =	sdelay $0x1  }
0xcc: {  	v20 =	vld.idx.msk [tilespmem:v59+s15+$0x0], $0xffff  }
0xcd: {  	v22 =	vld.idx.msk [tilespmem:v22+s15+$0x0], $0xffff  }
0xce: {  	v21 =	vld.idx.msk [tilespmem:v60+s15+$0x0], $0xffff;
	v24, _, _ =	vpop (xrf0)  }
0xcf: {  	v23 =	vld.idx.msk [tilespmem:v23+s15+$0x0], $0xffff;
	v15 =	vadd.s32 v24, v15  }
0xd0: {  	v15 =	vadd.s32 $0xFFFFFFFF, v15  }
0xd1: {  	v20 =	vmul.f32 $5.000000000e-01, v20  }
0xd2: {  	v22 =	vmul.f32 $5.000000000e-01, v22  }
0xd3: {  	v61 =	vsub.f32 v21, v20  }
0xd4: {  	s28 =	sadd.s32 $0x1, s28;
	v25 =	vsub.f32 v23, v22  }
0xd5: {  	p1 =	sne.s32 s28, $0x19;
	v20 =	vadd.f32 v20, v21;
	[tilespmem:v15+s17+$0x0] =	vst.idx.msk vm0, v61  }
.Ltmp4:
0xd6: {  	v18 =	vmax.f32 v19, v18;
	v62 =	vadd.f32 v22, v23;
	[tilespmem:v15+s18+$0x0] =	vst.idx.msk vm0, v25;
	(pc) =	sbr.rel @p1 .LBB2_2-.Ltmp4, $4  }
0xd7: {  	v17 =	vmax.f32 v18, v17;
	[tilespmem:v15+s19+$0x0] =	vst.idx.msk vm0, v20  }
0xd8: {  	v17 =	vmul.f32 v17, v16;
	v63 =	vmpcnt.ones.xlane vm0;
	[tilespmem:v15+s20+$0x0] =	vst.idx.msk vm0, v62  }
0xd9: {  	[tilespmem:v15+s21+$0x0] =	vst.idx.msk vm0, v16  }
0xda: {  	v14 =	vadd.s32 v14, v63;
	[tilespmem:v15+s22+$0x0] =	vst.idx.msk vm0, v17  }
0xdb: {  	(xrf0) =	vadd.scan.msk.s32 $0xffff, v14;
	_ =	sdelay $0x5  }
0xdc: {  	v14, _, _ =	vpop (xrf0)  }
0xdd: {  	(v2sf) =	vpush v14, $0xF;
	_ =	sdelay $0xe  }
0xde: {  	s0 =	spop (v2sf)  }
0xdf: {  	s0 =	sshra.s32 s0, $0x4  }
0xe0: {  	s1 =	sadd.s32 $0xF, s0  }
0xe1: {  	s8 =	sand.u32 $0xF, s1  }
0xe2: {  	p1 =	slt.s32 s0, $0xFFFFFFF2;
	p2 =	sne.s32 s8, $0x0  }
0xe3: {  	s31 =	sshrl.u32 s1, $0x1C;
	p1 =	por !p1, !p2  }
0xe4: {  	s1 =	sadd.s32 s31, s1;
	s8 =	simm.s32 $0x1;
	p1 =	por !p1, !p1  }
0xe5: {  	s1 =	sshra.s32 s1, $0x4;
	s8 =	simm.s32 @!p1 $0x0  }
0xe6: {  	s8 =	ssub.s32 s1, s8  }
0xe7: {  	p1 =	slt.s32 s8, $0x1  }
.Ltmp5:
0xe8: {  	_ = 	snop;
	(pc) =	sbr.rel @p1 .LBB2_8-.Ltmp5, $3  }
0xe9: {  	_ =	sdelay $0x1  }
0xea: {  	v14 =	vimm.f32 $-1.000000000e+00  }
0xeb: {  	[tilespmem:s0+$0x1A180] =	vst v14  }
0xec: {  	s1 =	simm.s32 $0x1A180  }
0xed: {  	p1 =	sne.s32 s8, $0x1;
	v15 =	vld [tilespmem:s1+$0x0]  }
.Ltmp6:
0xee: {  	_ = 	snop;
	(pc) =	sbr.rel @!p1 .LBB2_11-.Ltmp6, $3  }
0xef: {  	_ =	sdelay $0x1  }
0xf0: {  	s1 =	simm.s32 $0x0  }
0xf1: {  	v16 =	vimm.s32 $0x0;
	s8 =	sadd.s32 $0xFFFFFFFF, s8;
	s28 =	simm.s32 $0x1A190;
	v17 =	vor.u32 s1, v0;
	vm0 =	vgt.f32 v15, v14  }
.LBB2_10:
0xf2: {  	p1 =	sne.s32 s8, $0x1;
	s8 =	sadd.s32 $0xFFFFFFFF, s8;
	v14 =	vsel vm0, v15, v14;
	v15 =	vld [tilespmem:s28+$0x0];
	v16 =	vsel vm0, v17, v16  }
.Ltmp7:
0xf3: {  	(pc) =	sbr.rel @p1 .LBB2_10-.Ltmp7, $3  }
0xf4: {  	_ =	sdelay $0x1  }
0xf5: {  	s1 =	sadd.s32 $0x10, s1  }
0xf6: {  	s28 =	sadd.s32 $0x10, s28;
	v17 =	vor.u32 s1, v0;
	vm0 =	vgt.f32 v15, v14  }
.LBB2_11:
.Ltmp8:
0xf7: {  	(pc) =	sbr.rel .LBB2_12-.Ltmp8, $3  }
0xf8: {  	_ =	sdelay $0x1  }
0xf9: {  	v16 =	vsel vm0, v17, v16  }
0xfa: {  	v14 =	vsel vm0, v15, v14;
	v17 =	vxor.u32 $0x80000000, v16  }
.LBB2_8:
0xfb: {  	v17 =	vimm.s32 $0x80000000  }
.LBB2_12:
0xfc: {  	(xrf0) =	vmax.scan.msk.f32 $0xffff, v14;
	_ =	sdelay $0x5  }
0xfd: {  	v18, _, _ =	vpop (xrf0)  }
0xfe: {  	(v2sf) =	vpush v18, $0xF;
	_ =	sdelay $0xe  }
0xff: {  	s1 =	spop (v2sf)  }
0x100: {  	p1 =	sge.f32 s1, $0.0e+00  }
.Ltmp9:
0x101: {  	_ = 	snop;
	(pc) =	sbr.rel @p1 .LBB2_13-.Ltmp9, $2  }
0x102: {  	_ =	sdelay $0x2  }
0x103: {  	v16 =	vimm.f32 $0.0e+00;
	v15 =	vimm.f32 $0.0e+00  }
.LBB2_19:
0x104: {  	[tilespmem:$0x1F000] =	vst v16  }
.Ltmp10:
0x105: {  	[tilespmem:$0x1F080] =	vst v15;
	(pc) =	sbr.rel @p0 .LBB2_39-.Ltmp10, $4  }
0x106: {  	[hbm4b:s7+s2] =	stream.linear.scatter [tilespmem:s24], [sflag:$0x3], $0x100, $0x38;
	[tilespmem:$0x1F100] =	vst v63  }
0x107: {  	_ =	swait.ge [sflag:s25], $0x100  }
0x108: {  	[sflag:s25] =	ssyncset.done $0x0  }
0x109: {  	[sflag:s25] =	ssyncadd.s32 $0xFFFFFF00  }
0x10a: {  	s28 =	simm.s32 $0x0;
	s0 =	rddreg [dreg:$0x2];
	s29 =	simm.s32 $0x0  }
0x10b: {  	v14 =	vimm.s32 $0x0;
	[tilespmem:s28], [sflag:$0x1] =	stream.strided.gather [hbm4b:s0+s13], $0xC80, s14, s13, $0x38;
	[tilespmem:$0x1F100] =	vst v63  }
.LBB2_21:
0x10c: {  	s30 =	smul.u32 $0xC800, s29;
	_ =	sdelay $0x1  }
0x10d: {  	s0 =	sadd.s32 s9, s30  }
0x10e: {  	s0 =	sshrl.u32 s0, $0x3  }
0x10f: {  	v15 =	vor.u32 s28, v10;
	s0 =	sadd.s32 s3, s0  }
0x110: {  	v16 =	vor.u32 s28, v9;
	[tilespmem:s15], [sflag:$0x2] =	stream.strided.gather [hbm4b:s0+s13], $0xC80, s14, s13, $0x38;
	[tilespmem:$0x1F100] =	vst v63  }
0x111: {  	v17 =	vor.u32 s28, v8;
	_ =	swait.ge [sflag:s16], $0xC80  }
0x112: {  	[sflag:s16] =	ssyncset.done $0x0  }
0x113: {  	[sflag:s16] =	ssyncadd.s32 $0xFFFFF380  }
0x114: {  	v18 =	vor.u32 s28, v7;
	v15 =	vld.idx.msk [tilespmem:v15+s2+$0x0], $0xffff  }
0x115: {  	v19 =	vld.idx.msk [tilespmem:v16+s2+$0x0], $0xffff  }
0x116: {  	v17 =	vld.idx.msk [tilespmem:v17+s2+$0x0], $0xffff;
	_ =	sdelay $0x2  }
0x117: {  	v21 =	vld.idx.msk [tilespmem:v18+s2+$0x0], $0xffff;
	_ =	sdelay $0x1  }
0x118: {  	vm0 =	vge.f32 v19, v15;
	vm1 =	vge.f32 v17, v19;
	vm2 =	vge.f32 v17, v15  }
0x119: {  	vm1 =	vmand vm1, vm2;
	v16 =	vsel vm0, $0x1, v11  }
0x11a: {  	v16 =	vsel vm1, $0x0, v16  }
0x11b: {  	vm0 =	vge.f32 v21, $3.000000120e-01;
	vm1 =	veq.s32 v16, v3  }
0x11c: {  	vm0 =	vmand vm0, vm1  }
0x11d: {  	v16 =	vor.u32 s28, v5;
	v18 =	vsel vm0, $0x1, v12  }
0x11e: {  	v20 =	vor.u32 s28, v6;
	(xrf0) =	vadd.scan.msk.s32 $0xffff, v18  }
0x11f: {  	v18 =	vor.u32 s28, v1  }
0x120: {  	v22 =	vor.u32 s28, v4;
	_ =	sdelay $0x1  }
0x121: {  	v23 =	vld.idx.msk [tilespmem:v16+s2+$0x0], $0xffff  }
0x122: {  	v20 =	vld.idx.msk [tilespmem:v20+s2+$0x0], $0xffff  }
0x123: {  	v18 =	vld.idx.msk [tilespmem:v18+s2+$0x0], $0xffff;
	v16, _, _ =	vpop (xrf0)  }
0x124: {  	v22 =	vld.idx.msk [tilespmem:v22+s2+$0x0], $0xffff;
	v16 =	vadd.s32 v16, v14  }
0x125: {  	v16 =	vadd.s32 $0xFFFFFFFF, v16  }
0x126: {  	v23 =	vmul.f32 $5.000000000e-01, v23  }
0x127: {  	v20 =	vmul.f32 $5.000000000e-01, v20  }
0x128: {  	v24 =	vsub.f32 v18, v23  }
0x129: {  	v17 =	vmax.f32 v17, v19;
	v25 =	vsub.f32 v22, v20  }
0x12a: {  	s0 =	simm.s32 $0x80;
	v15 =	vmax.f32 v17, v15;
	v18 =	vadd.f32 v23, v18;
	[tilespmem:v16+s17+$0x0] =	vst.idx.msk vm0, v24  }
0x12b: {  	v17 =	vor.u32 s0, v10;
	v20 =	vadd.f32 v20, v22;
	v22 =	vmpcnt.ones.xlane vm0;
	[tilespmem:v16+s18+$0x0] =	vst.idx.msk vm0, v25  }
0x12c: {  	[tilespmem:v16+s19+$0x0] =	vst.idx.msk vm0, v18;
	v18 =	vor.u32 s0, v9  }
0x12d: {  	v19 =	vor.u32 s0, v8;
	v14 =	vadd.s32 v14, v22;
	[tilespmem:v16+s20+$0x0] =	vst.idx.msk vm0, v20;
	v20 =	vmul.f32 v15, v21  }
0x12e: {  	s1 =	simm.s32 $0x100;
	v15 =	vmov v14;
	[tilespmem:v16+s21+$0x0] =	vst.idx.msk vm0, v21  }
.LBB2_22:
0x12f: {  	p1 =	sne.s32 s1, $0xC00;
	[tilespmem:v16+s22+$0x0] =	vst.idx.msk vm0, v20;
	s8 =	smov.u32 s1;
	s1 =	sadd.s32 $0x80, s1  }
0x130: {  	v16 =	vor.u32 s0, v7;
	v17 =	vld.idx.msk [tilespmem:v17+s2+$0x0], $0xffff  }
0x131: {  	v18 =	vld.idx.msk [tilespmem:v18+s2+$0x0], $0xffff  }
0x132: {  	v19 =	vld.idx.msk [tilespmem:v19+s2+$0x0], $0xffff;
	_ =	sdelay $0x2  }
0x133: {  	v21 =	vld.idx.msk [tilespmem:v16+s2+$0x0], $0xffff;
	_ =	sdelay $0x1  }
0x134: {  	vm0 =	vge.f32 v18, v17  }
0x135: {  	v16 =	vmax.f32 v19, v18;
	vm1 =	vge.f32 v19, v18;
	vm2 =	vge.f32 v19, v17  }
0x136: {  	v20 =	vmax.f32 v16, v17;
	vm1 =	vmand vm1, vm2;
	v16 =	vsel vm0, $0x1, v11  }
0x137: {  	v16 =	vsel vm1, $0x0, v16  }
0x138: {  	vm0 =	vge.f32 v21, $3.000000120e-01;
	vm1 =	veq.s32 v16, v3  }
0x139: {  	v16 =	vor.u32 s0, v5;
	vm0 =	vmand vm0, vm1  }
0x13a: {  	v17 =	vor.u32 s0, v6;
	v18 =	vsel vm0, $0x1, v12;
	v19 =	vmpcnt.ones.xlane vm0  }
0x13b: {  	v22 =	vor.u32 s0, v1;
	(xrf0) =	vadd.scan.msk.s32 $0xffff, v18  }
0x13c: {  	v18 =	vor.u32 s0, v4;
	v14 =	vadd.s32 v14, v19;
	s0 =	smov.u32 s8;
	_ =	sdelay $0x1  }
0x13d: {  	v19 =	vld.idx.msk [tilespmem:v16+s2+$0x0], $0xffff  }
0x13e: {  	v17 =	vld.idx.msk [tilespmem:v17+s2+$0x0], $0xffff  }
0x13f: {  	v22 =	vld.idx.msk [tilespmem:v22+s2+$0x0], $0xffff  }
0x140: {  	v18 =	vld.idx.msk [tilespmem:v18+s2+$0x0], $0xffff;
	v16, _, _ =	vpop (xrf0)  }
0x141: {  	v16 =	vadd.s32 v16, v15;
	v15 =	vmov v14  }
0x142: {  	v16 =	vadd.s32 $0xFFFFFFFF, v16  }
0x143: {  	v19 =	vmul.f32 $5.000000000e-01, v19  }
0x144: {  	v17 =	vmul.f32 $5.000000000e-01, v17  }
0x145: {  	v23 =	vsub.f32 v22, v19;
	v19 =	vadd.f32 v19, v22  }
0x146: {  	v22 =	vsub.f32 v18, v17;
	v24 =	vadd.f32 v17, v18  }
.Ltmp11:
0x147: {  	[tilespmem:v16+s17+$0x0] =	vst.idx.msk vm0, v23;
	(pc) =	sbr.rel @p1 .LBB2_22-.Ltmp11, $4  }
0x148: {  	v17 =	vor.u32 s0, v10;
	[tilespmem:v16+s18+$0x0] =	vst.idx.msk vm0, v22  }
0x149: {  	v18 =	vor.u32 s0, v9;
	[tilespmem:v16+s19+$0x0] =	vst.idx.msk vm0, v19  }
0x14a: {  	v20 =	vmul.f32 v20, v21;
	v19 =	vor.u32 s0, v8;
	[tilespmem:v16+s20+$0x0] =	vst.idx.msk vm0, v24  }
0x14b: {  	[tilespmem:v16+s21+$0x0] =	vst.idx.msk vm0, v21  }
0x14c: {  	_ =	sdelay $0x4  }
0x14d: {  	[tilespmem:v16+s22+$0x0] =	vst.idx.msk vm0, v20  }
0x14e: {  	v16 =	vor.u32 s0, v7;
	v17 =	vld.idx.msk [tilespmem:v17+s2+$0x0], $0xffff  }
0x14f: {  	v18 =	vld.idx.msk [tilespmem:v18+s2+$0x0], $0xffff  }
0x150: {  	v19 =	vld.idx.msk [tilespmem:v19+s2+$0x0], $0xffff;
	_ =	sdelay $0x2  }
0x151: {  	v16 =	vld.idx.msk [tilespmem:v16+s2+$0x0], $0xffff;
	_ =	sdelay $0x1  }
0x152: {  	vm0 =	vge.f32 v18, v17;
	vm1 =	vge.f32 v19, v18;
	vm2 =	vge.f32 v19, v17  }
0x153: {  	vm1 =	vmand vm1, vm2;
	v20 =	vsel vm0, $0x1, v11  }
0x154: {  	v20 =	vsel vm1, $0x0, v20  }
0x155: {  	vm1 =	veq.s32 v20, v3;
	vm0 =	vge.f32 v16, $3.000000120e-01  }
0x156: {  	vm1 =	vmand vm0, vm1  }
0x157: {  	v20 =	vor.u32 s0, v5;
	v21 =	vsel vm1, $0x1, v12  }
0x158: {  	v22 =	vor.u32 s0, v6;
	(xrf0) =	vadd.scan.msk.s32 $0xffff, v21  }
0x159: {  	v21 =	vor.u32 s0, v1  }
0x15a: {  	v23 =	vor.u32 s0, v4;
	_ =	sdelay $0x1  }
0x15b: {  	v20 =	vld.idx.msk [tilespmem:v20+s2+$0x0], $0xffff  }
0x15c: {  	v22 =	vld.idx.msk [tilespmem:v22+s2+$0x0], $0xffff  }
0x15d: {  	v21 =	vld.idx.msk [tilespmem:v21+s2+$0x0], $0xffff;
	v24, _, _ =	vpop (xrf0)  }
0x15e: {  	v23 =	vld.idx.msk [tilespmem:v23+s2+$0x0], $0xffff;
	v15 =	vadd.s32 v24, v15  }
0x15f: {  	v15 =	vadd.s32 $0xFFFFFFFF, v15  }
0x160: {  	v20 =	vmul.f32 $5.000000000e-01, v20  }
0x161: {  	v22 =	vmul.f32 $5.000000000e-01, v22  }
0x162: {  	v61 =	vsub.f32 v21, v20  }
0x163: {  	v25 =	vsub.f32 v23, v22  }
0x164: {  	v20 =	vadd.f32 v20, v21;
	[tilespmem:v15+s17+$0x0] =	vst.idx.msk vm1, v61  }
0x165: {  	v18 =	vmax.f32 v19, v18;
	v19 =	vadd.f32 v22, v23;
	[tilespmem:v15+s18+$0x0] =	vst.idx.msk vm1, v25  }
0x166: {  	p1 =	seq.s32 s29, $0x18;
	v17 =	vmax.f32 v18, v17;
	[tilespmem:v15+s19+$0x0] =	vst.idx.msk vm1, v20  }
0x167: {  	v17 =	vmul.f32 v17, v16;
	s0 =	sadd.s32 @!p1 s10, s30;
	[tilespmem:v15+s20+$0x0] =	vst.idx.msk vm1, v19  }
0x168: {  	s1 =	simm.s32 $0x0;
	s8 =	simm.s32 @!p1 $0x80;
	s0 =	sshrl.u32 @!p1 s0, $0x3;
	[tilespmem:v15+s21+$0x0] =	vst.idx.msk vm1, v16  }
0x169: {  	s31 =	simm.s32 @!p1 $0x0;
	s30 =	simm.s32 @!p1 $0x400;
	s0 =	sadd.s32 @!p1 s3, s0;
	[tilespmem:v15+s22+$0x0] =	vst.idx.msk vm1, v17;
	v15 =	vor.u32 s1, v10  }
0x16a: {  	v16 =	vor.u32 s1, v9;
	[tilespmem:s31], [sflag:$0x1] =	stream.strided.gather @!p1 [hbm4b:s0+s8], $0xC80, s30, s8, $0x38;
	[tilespmem:$0x1F100] =	vst v63  }
0x16b: {  	v17 =	vor.u32 s1, v8;
	_ =	swait.ge [sflag:s23], $0xC80  }
0x16c: {  	[sflag:s23] =	ssyncset.done $0x0  }
0x16d: {  	[sflag:s23] =	ssyncadd.s32 $0xFFFFF380  }
0x16e: {  	v18 =	vor.u32 s1, v7;
	v15 =	vld.idx.msk [tilespmem:v15+s15+$0x0], $0xffff  }
0x16f: {  	v19 =	vld.idx.msk [tilespmem:v16+s15+$0x0], $0xffff  }
0x170: {  	v17 =	vld.idx.msk [tilespmem:v17+s15+$0x0], $0xffff;
	_ =	sdelay $0x2  }
0x171: {  	v21 =	vld.idx.msk [tilespmem:v18+s15+$0x0], $0xffff;
	_ =	sdelay $0x1  }
0x172: {  	vm0 =	vge.f32 v19, v15;
	vm2 =	vge.f32 v17, v19;
	vm3 =	vge.f32 v17, v15  }
0x173: {  	vm2 =	vmand vm2, vm3;
	v16 =	vsel vm0, $0x1, v11  }
0x174: {  	v16 =	vsel vm2, $0x0, v16  }
0x175: {  	vm0 =	vge.f32 v21, $3.000000120e-01;
	vm2 =	veq.s32 v16, v3  }
0x176: {  	vm0 =	vmand vm0, vm2  }
0x177: {  	v16 =	vor.u32 s1, v5;
	v18 =	vsel vm0, $0x1, v12  }
0x178: {  	v20 =	vor.u32 s1, v6;
	(xrf0) =	vadd.scan.msk.s32 $0xffff, v18  }
0x179: {  	v18 =	vor.u32 s1, v1  }
0x17a: {  	v22 =	vor.u32 s1, v4;
	_ =	sdelay $0x1  }
0x17b: {  	v23 =	vmpcnt.ones.xlane vm1;
	v62 =	vld.idx.msk [tilespmem:v16+s15+$0x0], $0xffff  }
0x17c: {  	v20 =	vld.idx.msk [tilespmem:v20+s15+$0x0], $0xffff  }
0x17d: {  	v14 =	vadd.s32 v14, v23;
	v18 =	vld.idx.msk [tilespmem:v18+s15+$0x0], $0xffff;
	v16, _, _ =	vpop (xrf0)  }
0x17e: {  	v22 =	vld.idx.msk [tilespmem:v22+s15+$0x0], $0xffff;
	v16 =	vadd.s32 v16, v14  }
0x17f: {  	v16 =	vadd.s32 $0xFFFFFFFF, v16  }
0x180: {  	v23 =	vmul.f32 $5.000000000e-01, v62  }
0x181: {  	v20 =	vmul.f32 $5.000000000e-01, v20  }
0x182: {  	v24 =	vsub.f32 v18, v23  }
0x183: {  	v17 =	vmax.f32 v17, v19;
	v63 =	vsub.f32 v22, v20  }
0x184: {  	s0 =	simm.s32 $0x80;
	v15 =	vmax.f32 v17, v15;
	v18 =	vadd.f32 v23, v18;
	[tilespmem:v16+s17+$0x0] =	vst.idx.msk vm0, v24  }
0x185: {  	v17 =	vor.u32 s0, v10;
	v20 =	vadd.f32 v20, v22;
	v22 =	vmpcnt.ones.xlane vm0;
	[tilespmem:v16+s18+$0x0] =	vst.idx.msk vm0, v63  }
0x186: {  	[tilespmem:v16+s19+$0x0] =	vst.idx.msk vm0, v18;
	v18 =	vor.u32 s0, v9  }
0x187: {  	v19 =	vor.u32 s0, v8;
	v14 =	vadd.s32 v14, v22;
	[tilespmem:v16+s20+$0x0] =	vst.idx.msk vm0, v20;
	v20 =	vmul.f32 v15, v21  }
0x188: {  	s1 =	simm.s32 $0x100;
	v15 =	vmov v14;
	[tilespmem:v16+s21+$0x0] =	vst.idx.msk vm0, v21  }
.LBB2_24:
0x189: {  	p1 =	sne.s32 s1, $0xC00;
	[tilespmem:v16+s22+$0x0] =	vst.idx.msk vm0, v20;
	s8 =	smov.u32 s1;
	s1 =	sadd.s32 $0x80, s1  }
0x18a: {  	v16 =	vor.u32 s0, v7;
	v17 =	vld.idx.msk [tilespmem:v17+s15+$0x0], $0xffff  }
0x18b: {  	v18 =	vld.idx.msk [tilespmem:v18+s15+$0x0], $0xffff  }
0x18c: {  	v19 =	vld.idx.msk [tilespmem:v19+s15+$0x0], $0xffff;
	_ =	sdelay $0x2  }
0x18d: {  	v21 =	vld.idx.msk [tilespmem:v16+s15+$0x0], $0xffff;
	_ =	sdelay $0x1  }
0x18e: {  	vm0 =	vge.f32 v18, v17  }
0x18f: {  	v16 =	vmax.f32 v19, v18;
	vm1 =	vge.f32 v19, v18;
	vm2 =	vge.f32 v19, v17  }
0x190: {  	v20 =	vmax.f32 v16, v17;
	vm1 =	vmand vm1, vm2;
	v16 =	vsel vm0, $0x1, v11  }
0x191: {  	v16 =	vsel vm1, $0x0, v16  }
0x192: {  	vm0 =	vge.f32 v21, $3.000000120e-01;
	vm1 =	veq.s32 v16, v3  }
0x193: {  	v16 =	vor.u32 s0, v5;
	vm0 =	vmand vm0, vm1  }
0x194: {  	v17 =	vor.u32 s0, v6;
	v18 =	vsel vm0, $0x1, v12;
	v19 =	vmpcnt.ones.xlane vm0  }
0x195: {  	v22 =	vor.u32 s0, v1;
	(xrf0) =	vadd.scan.msk.s32 $0xffff, v18  }
0x196: {  	v18 =	vor.u32 s0, v4;
	v14 =	vadd.s32 v14, v19;
	s0 =	smov.u32 s8;
	_ =	sdelay $0x1  }
0x197: {  	v19 =	vld.idx.msk [tilespmem:v16+s15+$0x0], $0xffff  }
0x198: {  	v17 =	vld.idx.msk [tilespmem:v17+s15+$0x0], $0xffff  }
0x199: {  	v22 =	vld.idx.msk [tilespmem:v22+s15+$0x0], $0xffff  }
0x19a: {  	v18 =	vld.idx.msk [tilespmem:v18+s15+$0x0], $0xffff;
	v16, _, _ =	vpop (xrf0)  }
0x19b: {  	v16 =	vadd.s32 v16, v15;
	v15 =	vmov v14  }
0x19c: {  	v16 =	vadd.s32 $0xFFFFFFFF, v16  }
0x19d: {  	v19 =	vmul.f32 $5.000000000e-01, v19  }
0x19e: {  	v17 =	vmul.f32 $5.000000000e-01, v17  }
0x19f: {  	v23 =	vsub.f32 v22, v19;
	v19 =	vadd.f32 v19, v22  }
0x1a0: {  	v22 =	vsub.f32 v18, v17;
	v24 =	vadd.f32 v17, v18  }
.Ltmp12:
0x1a1: {  	[tilespmem:v16+s17+$0x0] =	vst.idx.msk vm0, v23;
	(pc) =	sbr.rel @p1 .LBB2_24-.Ltmp12, $4  }
0x1a2: {  	v17 =	vor.u32 s0, v10;
	[tilespmem:v16+s18+$0x0] =	vst.idx.msk vm0, v22  }
0x1a3: {  	v18 =	vor.u32 s0, v9;
	[tilespmem:v16+s19+$0x0] =	vst.idx.msk vm0, v19  }
0x1a4: {  	v20 =	vmul.f32 v20, v21;
	v19 =	vor.u32 s0, v8;
	[tilespmem:v16+s20+$0x0] =	vst.idx.msk vm0, v24  }
0x1a5: {  	[tilespmem:v16+s21+$0x0] =	vst.idx.msk vm0, v21  }
0x1a6: {  	_ =	sdelay $0x4  }
0x1a7: {  	[tilespmem:v16+s22+$0x0] =	vst.idx.msk vm0, v20  }
0x1a8: {  	v57 =	vor.u32 s0, v7;
	v17 =	vld.idx.msk [tilespmem:v17+s15+$0x0], $0xffff  }
0x1a9: {  	v18 =	vld.idx.msk [tilespmem:v18+s15+$0x0], $0xffff  }
0x1aa: {  	v19 =	vld.idx.msk [tilespmem:v19+s15+$0x0], $0xffff;
	_ =	sdelay $0x2  }
0x1ab: {  	v16 =	vld.idx.msk [tilespmem:v57+s15+$0x0], $0xffff;
	_ =	sdelay $0x1  }
0x1ac: {  	vm14 =	vge.f32 v18, v17;
	vm1 =	vge.f32 v19, v18;
	vm2 =	vge.f32 v19, v17  }
0x1ad: {  	vm1 =	vmand vm1, vm2;
	v58 =	vsel vm14, $0x1, v11  }
0x1ae: {  	v20 =	vsel vm1, $0x0, v58  }
0x1af: {  	vm1 =	veq.s32 v20, v3;
	vm15 =	vge.f32 v16, $3.000000120e-01  }
0x1b0: {  	vm0 =	vmand vm15, vm1  }
0x1b1: {  	v59 =	vor.u32 s0, v5;
	v21 =	vsel vm0, $0x1, v12  }
0x1b2: {  	v22 =	vor.u32 s0, v6;
	(xrf0) =	vadd.scan.msk.s32 $0xffff, v21  }
0x1b3: {  	v60 =	vor.u32 s0, v1  }
0x1b4: {  	v23 =	vor.u32 s0, v4;
	_ =	sdelay $0x1  }
0x1b5: {  	v20 =	vld.idx.msk [tilespmem:v59+s15+$0x0], $0xffff  }
0x1b6: {  	v22 =	vld.idx.msk [tilespmem:v22+s15+$0x0], $0xffff  }
0x1b7: {  	v21 =	vld.idx.msk [tilespmem:v60+s15+$0x0], $0xffff;
	v24, _, _ =	vpop (xrf0)  }
0x1b8: {  	v23 =	vld.idx.msk [tilespmem:v23+s15+$0x0], $0xffff;
	v15 =	vadd.s32 v24, v15  }
0x1b9: {  	v15 =	vadd.s32 $0xFFFFFFFF, v15  }
0x1ba: {  	v20 =	vmul.f32 $5.000000000e-01, v20  }
0x1bb: {  	v22 =	vmul.f32 $5.000000000e-01, v22  }
0x1bc: {  	v61 =	vsub.f32 v21, v20  }
0x1bd: {  	s29 =	sadd.s32 $0x1, s29;
	v25 =	vsub.f32 v23, v22  }
0x1be: {  	p1 =	sne.s32 s29, $0x19;
	v20 =	vadd.f32 v20, v21;
	[tilespmem:v15+s17+$0x0] =	vst.idx.msk vm0, v61  }
.Ltmp13:
0x1bf: {  	v18 =	vmax.f32 v19, v18;
	v62 =	vadd.f32 v22, v23;
	[tilespmem:v15+s18+$0x0] =	vst.idx.msk vm0, v25;
	(pc) =	sbr.rel @p1 .LBB2_21-.Ltmp13, $4  }
0x1c0: {  	v17 =	vmax.f32 v18, v17;
	[tilespmem:v15+s19+$0x0] =	vst.idx.msk vm0, v20  }
0x1c1: {  	v17 =	vmul.f32 v17, v16;
	v63 =	vmpcnt.ones.xlane vm0;
	[tilespmem:v15+s20+$0x0] =	vst.idx.msk vm0, v62  }
0x1c2: {  	[tilespmem:v15+s21+$0x0] =	vst.idx.msk vm0, v16  }
0x1c3: {  	v14 =	vadd.s32 v14, v63;
	[tilespmem:v15+s22+$0x0] =	vst.idx.msk vm0, v17  }
0x1c4: {  	(xrf0) =	vadd.scan.msk.s32 $0xffff, v14;
	_ =	sdelay $0x5  }
0x1c5: {  	v14, _, _ =	vpop (xrf0)  }
0x1c6: {  	(v2sf) =	vpush v14, $0xF;
	_ =	sdelay $0xe  }
0x1c7: {  	s0 =	spop (v2sf)  }
0x1c8: {  	s0 =	sshra.s32 s0, $0x4  }
0x1c9: {  	s1 =	sadd.s32 $0xF, s0  }
0x1ca: {  	s8 =	sand.u32 $0xF, s1  }
0x1cb: {  	p1 =	slt.s32 s0, $0xFFFFFFF2;
	p2 =	sne.s32 s8, $0x0  }
0x1cc: {  	s31 =	sshrl.u32 s1, $0x1C;
	p1 =	por !p1, !p2  }
0x1cd: {  	s1 =	sadd.s32 s31, s1;
	s8 =	simm.s32 $0x1;
	p1 =	por !p1, !p1  }
0x1ce: {  	s1 =	sshra.s32 s1, $0x4;
	s8 =	simm.s32 @!p1 $0x0  }
0x1cf: {  	s8 =	ssub.s32 s1, s8  }
0x1d0: {  	p1 =	slt.s32 s8, $0x1  }
.Ltmp14:
0x1d1: {  	_ = 	snop;
	(pc) =	sbr.rel @p1 .LBB2_27-.Ltmp14, $3  }
0x1d2: {  	_ =	sdelay $0x1  }
0x1d3: {  	v14 =	vimm.f32 $-1.000000000e+00  }
0x1d4: {  	[tilespmem:s0+$0x1A180] =	vst v14  }
0x1d5: {  	s1 =	simm.s32 $0x1A180  }
0x1d6: {  	p1 =	sne.s32 s8, $0x1;
	v15 =	vld [tilespmem:s1+$0x0]  }
.Ltmp15:
0x1d7: {  	_ = 	snop;
	(pc) =	sbr.rel @!p1 .LBB2_30-.Ltmp15, $3  }
0x1d8: {  	_ =	sdelay $0x1  }
0x1d9: {  	s1 =	simm.s32 $0x0  }
0x1da: {  	v16 =	vimm.s32 $0x0;
	s8 =	sadd.s32 $0xFFFFFFFF, s8;
	s28 =	simm.s32 $0x1A190;
	v17 =	vor.u32 s1, v0;
	vm0 =	vgt.f32 v15, v14  }
.LBB2_29:
0x1db: {  	p1 =	sne.s32 s8, $0x1;
	s8 =	sadd.s32 $0xFFFFFFFF, s8;
	v14 =	vsel vm0, v15, v14;
	v15 =	vld [tilespmem:s28+$0x0];
	v16 =	vsel vm0, v17, v16  }
.Ltmp16:
0x1dc: {  	(pc) =	sbr.rel @p1 .LBB2_29-.Ltmp16, $3  }
0x1dd: {  	_ =	sdelay $0x1  }
0x1de: {  	s1 =	sadd.s32 $0x10, s1  }
0x1df: {  	s28 =	sadd.s32 $0x10, s28;
	v17 =	vor.u32 s1, v0;
	vm0 =	vgt.f32 v15, v14  }
.LBB2_30:
.Ltmp17:
0x1e0: {  	(pc) =	sbr.rel .LBB2_31-.Ltmp17, $3  }
0x1e1: {  	_ =	sdelay $0x1  }
0x1e2: {  	v16 =	vsel vm0, v17, v16  }
0x1e3: {  	v14 =	vsel vm0, v15, v14;
	v17 =	vxor.u32 $0x80000000, v16  }
.LBB2_13:
0x1e4: {  	v15 =	vbroadcast v18, $0xF;
	_ =	sdelay $0x1  }
0x1e5: {  	vm0 =	veq.f32 v14, v15  }
0x1e6: {  	v14 =	vnsel vm0, $0x80004E40, v17  }
0x1e7: {  	(xrf0) =	vmin.scan.msk.u32 $0xffff, v14;
	_ =	sdelay $0x5  }
0x1e8: {  	v14, _, _ =	vpop (xrf0)  }
0x1e9: {  	(v2sf) =	vpush v14, $0xF;
	_ =	sdelay $0xa  }
.Ltmp18:
0x1ea: {  	_ = 	snop;
	(pc) =	sbr.rel .LBB2_14-.Ltmp18, $2  }
0x1eb: {  	_ =	sdelay $0x2  }
0x1ec: {  	v16 =	vimm.f32 $0.0e+00;
	v15 =	vimm.f32 $0.0e+00;
	v14 =	vimm.f32 $0.0e+00;
	s1 =	spop (v2sf)  }
.LBB2_41:
0x1ed: {  	v19 =	vimm.s32 $0x80000000;
	v24 =	vimm.f32 $0.0e+00  }
0x1ee: {  	v25 =	vimm.f32 $0.0e+00;
	v26 =	vimm.f32 $0.0e+00;
	v27 =	vimm.f32 $0.0e+00  }
.LBB2_18:
0x1ef: {  	(xrf2) =	vadd.scan.msk.f32 $0xffff, v24;
	_ =	sdelay $0x8  }
0x1f0: {  	(xrf0) =	vadd.scan.msk.s32 $0xffff, v29  }
0x1f1: {  	v20, _, _ =	vpop (xrf2);
	(xrf2) =	vadd.scan.msk.f32 $0xffff, v25  }
0x1f2: {  	v20 =	vbroadcast v20, $0xF;
	(xrf2) =	vadd.scan.msk.f32 $0xffff, v26  }
0x1f3: {  	(xrf0) =	vmax.scan.msk.f32 $0xffff, v18  }
0x1f4: {  	(xrf2) =	vadd.scan.msk.f32 $0xffff, v27;
	(erf) = vrcp.f32 v20;
	_ =	sdelay $0x4  }
0x1f5: {  	v22, _, _ =	vpop (xrf0)  }
0x1f6: {  	v23, _, _ =	vpop (xrf0)  }
0x1f7: {  	v44, _, _ =	vpop (xrf2)  }
0x1f8: {  	v46 =	vbroadcast v23, $0xF;
	v45, _, _ =	vpop (xrf2)  }
0x1f9: {  	v20 =	vbroadcast v44, $0xF;
	v21 =	vpop (erf)  }
0x1fa: {  	vm0 =	veq.f32 v18, v46;
	v47, _, _ =	vpop (xrf2)  }
0x1fb: {  	v19 =	vnsel vm0, $0x80004E40, v19;
	v20 =	vmul.f32 v21, v20;
	v26 =	vbroadcast v47, $0xF  }
0x1fc: {  	v53 =	vmul.f32 $9.615384970e-03, v17;
	(xrf0) =	vmin.scan.msk.u32 $0xffff, v19  }
0x1fd: {  	(v2sf) =	vpush v22, $0xF;
	v20 =	vmul.f32 $9.615384970e-03, v20;
	v19 =	vmul.f32 v26, v21  }
0x1fe: {  	v57 =	vtrunc.f32 v53;
	(v2sf) =	vpush v23, $0xF;
	v49 =	vbroadcast v45, $0xF  }
0x1ff: {  	vm2 =	vlt.f32 v53, v57;
	v48 =	vtrunc.f32 v20;
	v19 =	vmul.f32 $9.615384970e-03, v19  }
0x200: {  	v18 =	vcvt.f32.s32 v48;
	vm1 =	vlt.f32 v20, v48;
	v20 =	vmul.f32 v49, v21  }
0x201: {  	v23 =	vsel vm2, $0xFFFFFFFF, v12;
	v50 =	vsel vm1, $0xFFFFFFFF, v12  }
0x202: {  	v55, _, _ =	vpop (xrf0);
	v52 =	vtrunc.f32 v19;
	v18 =	vadd.s32 v18, v50;
	v20 =	vmul.f32 $9.615384970e-03, v20  }
0x203: {  	(v2sf) =	vpush v55, $0xF;
	v54 =	vcvt.f32.s32 v52;
	vm15 =	vlt.s32 v18, $0x3  }
0x204: {  	vm4 =	vlt.f32 v19, v52;
	v18 =	vnsel vm15, $0x3, v18;
	v19 =	vtrunc.f32 v20  }
0x205: {  	v58 =	vsel vm4, $0xFFFFFFFF, v12;
	v18 =	vand.u32 $0x3, v18;
	v56 =	vcvt.f32.s32 v19  }
0x206: {  	vm5 =	vlt.f32 v20, v19;
	v19 =	vcvt.f32.s32 v57;
	v20 =	vadd.s32 v54, v58  }
0x207: {  	v51 =	vmul.u32 $0x3, v18;
	v59 =	vsel vm5, $0xFFFFFFFF, v12;
	vm6 =	vlt.s32 v20, $0x3  }
0x208: {  	v22 =	vadd.s32 v56, v59;
	v19 =	vadd.s32 v19, v23;
	v20 =	vnsel vm6, $0x3, v20  }
0x209: {  	vm7 =	vlt.s32 v22, $0x3;
	vm8 =	vlt.s32 v19, $0x3;
	v20 =	vand.u32 $0x3, v20  }
0x20a: {  	v21 =	vadd.s32 v2, v51;
	v22 =	vnsel vm7, $0x3, v22;
	v19 =	vnsel vm8, $0x3, v19  }
0x20b: {  	v60 =	vmul.u32 $0x3, v20;
	vm9 =	veq.s32 v21, v0;
	v22 =	vand.u32 $0x3, v22  }
0x20c: {  	s0 =	spop (v2sf);
	vm11 =	vne.s32 v18, v20;
	v19 =	vand.u32 $0x3, v19;
	v61 =	vmul.u32 $0x3, v22  }
0x20d: {  	s1 =	spop (v2sf);
	v18 =	vnsel vm9, $0x0, v17;
	v62 =	vmul.u32 $0x3, v19;
	v23 =	vadd.s32 v2, v60  }
0x20e: {  	p1 =	sge.f32 s1, $0.0e+00;
	vm15 =	vne.s32 v22, v19;
	v16 =	vadd.f32 v18, v16;
	v24 =	vadd.s32 v2, v61  }
.Ltmp19:
0x20f: {  	vm10 =	veq.s32 v23, v0;
	v25 =	vadd.s32 v2, v62;
	vm13 =	veq.s32 v24, v0;
	(pc) =	sbr.rel @!p1 .LBB2_19-.Ltmp19, $4  }
0x210: {  	vm12 =	vmand vm11, vm10;
	vm14 =	veq.s32 v25, v0;
	v63 =	vnsel vm13, $0x0, v17  }
0x211: {  	v18 =	vnsel vm12, $0x0, v17;
	vm1 =	vmand vm14, vm15;
	v15 =	vadd.f32 v63, v15  }
0x212: {  	s0 =	sshra.s32 s0, $0x4;
	v16 =	vadd.f32 v18, v16;
	v17 =	vnsel vm1, $0x0, v17  }
0x213: {  	[tilespmem:s0+$0x1A180] =	vst v13;
	s1 =	spop (v2sf);
	v15 =	vadd.f32 v15, v17  }
.LBB2_14:
0x214: {  	s8 =	sadd.s32 $0xF, s0  }
0x215: {  	s28 =	sand.u32 $0xF, s8  }
0x216: {  	p1 =	slt.s32 s0, $0xFFFFFFF2;
	s31 =	sshra.s32 s8, $0x1F;
	p2 =	sne.s32 s28, $0x0  }
0x217: {  	s1 =	sxor.u32 $0x80000000, s1;
	s0 =	sshrl.u32 s31, $0x1C;
	p1 =	por !p1, !p2  }
0x218: {  	v22 =	vmov s1;
	s1 =	simm.s32 $0x1;
	s0 =	sadd.s32 s0, s8;
	p1 =	por !p1, !p1  }
0x219: {  	s0 =	sshra.s32 s0, $0x4;
	s1 =	simm.s32 @!p1 $0x0  }
0x21a: {  	s0 =	ssub.s32 s0, s1  }
0x21b: {  	p1 =	slt.s32 s0, $0x1  }
.Ltmp20:
0x21c: {  	_ = 	snop;
	(pc) =	sbr.rel @p1 .LBB2_41-.Ltmp20, $3  }
0x21d: {  	_ =	sdelay $0x1  }
0x21e: {  	s1 =	simm.s32 $0x15300  }
0x21f: {  	v18 =	vimm.f32 $-1.000000000e+00;
	v29 =	vimm.s32 $0x0;
	v17 =	vld.idx.msk [tilespmem:v22+s1+$0x0], $0xffff  }
0x220: {  	_ =	sdelay $0x2  }
0x221: {  	s28 =	simm.s32 $0x1900  }
0x222: {  	s29 =	simm.s32 $0x6780;
	v19 =	vld.idx.msk [tilespmem:v22+s28+$0x0], $0xffff  }
0x223: {  	s30 =	simm.s32 $0xB600;
	v20 =	vld.idx.msk [tilespmem:v22+s29+$0x0], $0xffff  }
0x224: {  	s31 =	simm.s32 $0x10480;
	v21 =	vld.idx.msk [tilespmem:v22+s30+$0x0], $0xffff  }
0x225: {  	v22 =	vld.idx.msk [tilespmem:v22+s31+$0x0], $0xffff  }
0x226: {  	v26 =	vld [tilespmem:s30+$0x0]  }
0x227: {  	v32 =	vld [tilespmem:s31+$0x0]  }
0x228: {  	v25 =	vld [tilespmem:s28+$0x0]  }
0x229: {  	v27 =	vld [tilespmem:s29+$0x0];
	_ =	sdelay $0x1  }
0x22a: {  	v23 =	vsub.f32 v21, v19;
	v24 =	vsub.f32 v22, v20;
	_ =	sdelay $0x1  }
0x22b: {  	v28 =	vmax.f32 v19, v25;
	v23 =	vadd.f32 $1.000000000e+00, v23;
	v24 =	vadd.f32 $1.000000000e+00, v24  }
0x22c: {  	v30 =	vmin.f32 v22, v32;
	v31 =	vsub.f32 v26, v25;
	v33 =	vmax.f32 v20, v27  }
0x22d: {  	v34 =	vsub.f32 v32, v27;
	v23 =	vmul.f32 v24, v23;
	v24 =	vmin.f32 v21, v26  }
0x22e: {  	v24 =	vsub.f32 v24, v28;
	v28 =	vsub.f32 v30, v33  }
0x22f: {  	v30 =	vadd.f32 $1.000000000e+00, v31;
	v31 =	vadd.f32 $1.000000000e+00, v34  }
0x230: {  	v24 =	vadd.f32 $1.000000000e+00, v24;
	v28 =	vadd.f32 $1.000000000e+00, v28  }
0x231: {  	v30 =	vmul.f32 v31, v30  }
0x232: {  	v24 =	vmax.f32 v24, $0.0e+00;
	v28 =	vmax.f32 v28, $0.0e+00  }
0x233: {  	v24 =	vmul.f32 v28, v24;
	v28 =	vadd.f32 v30, v23;
	_ =	sdelay $0x1  }
0x234: {  	v28 =	vsub.f32 v28, v24;
	_ =	sdelay $0x1  }
0x235: {  	v28 =	vadd.f32 $1.000000020e-16, v28;
	_ =	sdelay $0x1  }
0x236: {  	(erf) = vrcp.f32 v28;
	_ =	sdelay $0x5  }
0x237: {  	s8 =	simm.s32 $0x1A180  }
0x238: {  	v30 =	vld [tilespmem:s8+$0x0];
	_ =	sdelay $0x1  }
0x239: {  	v28 =	vpop (erf)  }
0x23a: {  	v24 =	vmul.f32 v28, v24;
	_ =	sdelay $0x1  }
0x23b: {  	vm0 =	vge.f32 v30, $0.0e+00;
	vm1 =	vgt.f32 v24, $2.000000030e-01  }
0x23c: {  	vm1 =	vmand vm0, vm1  }
0x23d: {  	vm0 =	vmxor vm0, vm1  }
0x23e: {  	v24 =	vsel vm0, $0x1, v12  }
0x23f: {  	(xrf0) =	vadd.scan.msk.s32 $0xffff, v24;
	_ =	sdelay $0x5  }
0x240: {  	v24, _, _ =	vpop (xrf0)  }
0x241: {  	v62 =	vld [tilespmem:s1+$0x0];
	v24 =	vadd.s32 v24, v29  }
0x242: {  	v31 =	vadd.s32 $0xFFFFFFFF, v24;
	_ =	sdelay $0x3  }
0x243: {  	p1 =	sne.s32 s0, $0x1;
	v28 =	vnsel vm1, $0x0, v62;
	vm1 =	vgt.f32 v30, v18;
	v63 =	vmpcnt.ones.xlane vm0  }
.Ltmp21:
0x244: {  	v35 =	vmul.f32 v28, v25;
	v36 =	vmul.f32 v28, v27;
	vm1 =	vmand vm1, vm0;
	[tilespmem:v31+s17+$0x0] =	vst.idx.msk vm0, v25;
	(pc) =	sbr.rel @!p1 .LBB2_17-.Ltmp21, $4  }
0x245: {  	v37 =	vmul.f32 v28, v32;
	v18 =	vsel vm1, v30, v18;
	[tilespmem:v31+s18+$0x0] =	vst.idx.msk vm0, v27  }
0x246: {  	v24 =	vadd.f32 v28, v14;
	v28 =	vadd.s32 v29, v63;
	[tilespmem:v31+s19+$0x0] =	vst.idx.msk vm0, v26  }
0x247: {  	s1 =	simm.s32 $0x10490;
	v29 =	vsel vm1, v31, v29;
	v25 =	vadd.f32 v35, v14;
	[tilespmem:v31+s20+$0x0] =	vst.idx.msk vm0, v32  }
0x248: {  	s31 =	sadd.s32 $0xFFFFFFFF, s0;
	s0 =	simm.s32 $0x15310;
	s8 =	simm.s32 $0x1A190;
	v27 =	vadd.f32 v37, v14;
	v26 =	vadd.f32 v36, v14;
	[tilespmem:v31+s21+$0x0] =	vst.idx.msk vm0, v62  }
.LBB2_16:
0x249: {  	[tilespmem:v31+s22+$0x0] =	vst.idx.msk vm0, v30;
	s28 =	sadd.s32 $0x10, s28;
	s29 =	sadd.s32 $0x10, s29;
	s30 =	sadd.s32 $0x10, s30;
	v31 =	vmov v28  }
0x24a: {  	p1 =	sne.s32 s31, $0x1;
	s31 =	sadd.s32 $0xFFFFFFFF, s31;
	v32 =	vld [tilespmem:s30+$0x0]  }
0x24b: {  	v33 =	vld [tilespmem:s1+$0x0]  }
0x24c: {  	v34 =	vld [tilespmem:s28+$0x0]  }
0x24d: {  	v35 =	vld [tilespmem:s29+$0x0];
	_ =	sdelay $0x1  }
0x24e: {  	v30 =	vmin.f32 v21, v32;
	_ =	sdelay $0x1  }
0x24f: {  	v37 =	vmin.f32 v22, v33;
	v36 =	vmax.f32 v19, v34;
	v38 =	vsub.f32 v32, v34  }
0x250: {  	v30 =	vsub.f32 v30, v36;
	v36 =	vmax.f32 v20, v35;
	v39 =	vsub.f32 v33, v35  }
0x251: {  	v36 =	vsub.f32 v37, v36;
	v37 =	vadd.f32 $1.000000000e+00, v38  }
0x252: {  	v30 =	vadd.f32 $1.000000000e+00, v30;
	v38 =	vadd.f32 $1.000000000e+00, v39  }
0x253: {  	v36 =	vadd.f32 $1.000000000e+00, v36  }
0x254: {  	v30 =	vmax.f32 v30, $0.0e+00;
	v37 =	vmul.f32 v38, v37  }
0x255: {  	v36 =	vmax.f32 v36, $0.0e+00  }
0x256: {  	v36 =	vmul.f32 v36, v30;
	v30 =	vadd.f32 v37, v23;
	_ =	sdelay $0x1  }
0x257: {  	v30 =	vsub.f32 v30, v36;
	_ =	sdelay $0x1  }
0x258: {  	v30 =	vadd.f32 $1.000000020e-16, v30;
	_ =	sdelay $0x1  }
0x259: {  	(erf) = vrcp.f32 v30;
	_ =	sdelay $0x6  }
0x25a: {  	v30 =	vld [tilespmem:s8+$0x0];
	_ =	sdelay $0x1  }
0x25b: {  	v37 =	vld [tilespmem:s0+$0x0];
	v38 =	vpop (erf)  }
0x25c: {  	v36 =	vmul.f32 v38, v36;
	_ =	sdelay $0x1  }
0x25d: {  	vm0 =	vge.f32 v30, $0.0e+00;
	vm1 =	vgt.f32 v36, $2.000000030e-01  }
0x25e: {  	vm1 =	vmand vm0, vm1  }
0x25f: {  	v36 =	vnsel vm1, $0x0, v37;
	vm0 =	vmxor vm0, vm1  }
0x260: {  	v38 =	vsel vm0, $0x1, v12;
	v39 =	vmpcnt.ones.xlane vm0;
	v40 =	vmul.f32 v36, v34  }
0x261: {  	v24 =	vadd.f32 v36, v24;
	v41 =	vmul.f32 v36, v35;
	v36 =	vmul.f32 v36, v33;
	(xrf0) =	vadd.scan.msk.s32 $0xffff, v38  }
0x262: {  	v28 =	vadd.s32 v28, v39;
	v25 =	vadd.f32 v40, v25  }
0x263: {  	v26 =	vadd.f32 v41, v26;
	v27 =	vadd.f32 v36, v27;
	_ =	sdelay $0x3  }
0x264: {  	v36, _, _ =	vpop (xrf0)  }
0x265: {  	vm1 =	vgt.f32 v30, v18;
	v31 =	vadd.s32 v36, v31  }
0x266: {  	vm1 =	vmand vm1, vm0;
	v31 =	vadd.s32 $0xFFFFFFFF, v31  }
0x267: {  	v18 =	vsel vm1, v30, v18;
	v29 =	vsel vm1, v31, v29;
	_ =	sdelay $0x3  }
.Ltmp22:
0x268: {  	[tilespmem:v31+s17+$0x0] =	vst.idx.msk vm0, v34;
	(pc) =	sbr.rel @p1 .LBB2_16-.Ltmp22, $4  }
0x269: {  	[tilespmem:v31+s18+$0x0] =	vst.idx.msk vm0, v35  }
0x26a: {  	[tilespmem:v31+s19+$0x0] =	vst.idx.msk vm0, v32  }
0x26b: {  	[tilespmem:v31+s20+$0x0] =	vst.idx.msk vm0, v33  }
0x26c: {  	s1 =	sadd.s32 $0x10, s1;
	s8 =	sadd.s32 $0x10, s8;
	s0 =	sadd.s32 $0x10, s0;
	[tilespmem:v31+s21+$0x0] =	vst.idx.msk vm0, v37  }
.LBB2_17:
0x26d: {  	_ = 	snop  }
.Ltmp23:
0x26e: {  	_ = 	snop;
	(pc) =	sbr.rel .LBB2_18-.Ltmp23, $2  }
0x26f: {  	_ =	sdelay $0x2  }
0x270: {  	[tilespmem:v31+s22+$0x0] =	vst.idx.msk vm0, v30;
	v19 =	vxor.u32 $0x80000000, v29;
	v29 =	vmov v28  }
.LBB2_27:
0x271: {  	v17 =	vimm.s32 $0x80000000  }
.LBB2_31:
0x272: {  	(xrf0) =	vmax.scan.msk.f32 $0xffff, v14;
	_ =	sdelay $0x5  }
0x273: {  	v18, _, _ =	vpop (xrf0)  }
0x274: {  	(v2sf) =	vpush v18, $0xF;
	_ =	sdelay $0xe  }
0x275: {  	s1 =	spop (v2sf)  }
0x276: {  	p1 =	sge.f32 s1, $0.0e+00  }
.Ltmp24:
0x277: {  	_ = 	snop;
	(pc) =	sbr.rel @!p1 .LBB2_38-.Ltmp24, $2  }
0x278: {  	_ =	sdelay $0x2  }
0x279: {  	v16 =	vimm.f32 $0.0e+00;
	v15 =	vimm.f32 $0.0e+00  }
0x27a: {  	v15 =	vbroadcast v18, $0xF;
	_ =	sdelay $0x1  }
0x27b: {  	vm0 =	veq.f32 v14, v15  }
0x27c: {  	v14 =	vnsel vm0, $0x80004E40, v17  }
0x27d: {  	(xrf0) =	vmin.scan.msk.u32 $0xffff, v14;
	_ =	sdelay $0x5  }
0x27e: {  	v14, _, _ =	vpop (xrf0)  }
0x27f: {  	(v2sf) =	vpush v14, $0xF;
	_ =	sdelay $0xa  }
.Ltmp25:
0x280: {  	_ = 	snop;
	(pc) =	sbr.rel .LBB2_33-.Ltmp25, $2  }
0x281: {  	_ =	sdelay $0x2  }
0x282: {  	v16 =	vimm.f32 $0.0e+00;
	v15 =	vimm.f32 $0.0e+00;
	v14 =	vimm.f32 $0.0e+00;
	s1 =	spop (v2sf)  }
.LBB2_42:
0x283: {  	v19 =	vimm.s32 $0x80000000;
	v24 =	vimm.f32 $0.0e+00  }
0x284: {  	v25 =	vimm.f32 $0.0e+00;
	v26 =	vimm.f32 $0.0e+00;
	v27 =	vimm.f32 $0.0e+00  }
.LBB2_37:
0x285: {  	(xrf2) =	vadd.scan.msk.f32 $0xffff, v24;
	_ =	sdelay $0x8  }
0x286: {  	(xrf0) =	vadd.scan.msk.s32 $0xffff, v29  }
0x287: {  	v20, _, _ =	vpop (xrf2);
	(xrf2) =	vadd.scan.msk.f32 $0xffff, v25  }
0x288: {  	v20 =	vbroadcast v20, $0xF;
	(xrf2) =	vadd.scan.msk.f32 $0xffff, v26  }
0x289: {  	(xrf0) =	vmax.scan.msk.f32 $0xffff, v18  }
0x28a: {  	(xrf2) =	vadd.scan.msk.f32 $0xffff, v27;
	(erf) = vrcp.f32 v20;
	_ =	sdelay $0x4  }
0x28b: {  	v22, _, _ =	vpop (xrf0)  }
0x28c: {  	v23, _, _ =	vpop (xrf0)  }
0x28d: {  	v44, _, _ =	vpop (xrf2)  }
0x28e: {  	v46 =	vbroadcast v23, $0xF;
	v45, _, _ =	vpop (xrf2)  }
0x28f: {  	v20 =	vbroadcast v44, $0xF;
	v21 =	vpop (erf)  }
0x290: {  	vm0 =	veq.f32 v18, v46;
	v47, _, _ =	vpop (xrf2)  }
0x291: {  	v19 =	vnsel vm0, $0x80004E40, v19;
	v20 =	vmul.f32 v21, v20;
	v26 =	vbroadcast v47, $0xF  }
0x292: {  	v53 =	vmul.f32 $9.615384970e-03, v17;
	(xrf0) =	vmin.scan.msk.u32 $0xffff, v19  }
0x293: {  	(v2sf) =	vpush v22, $0xF;
	v20 =	vmul.f32 $9.615384970e-03, v20;
	v19 =	vmul.f32 v26, v21  }
0x294: {  	v57 =	vtrunc.f32 v53;
	(v2sf) =	vpush v23, $0xF;
	v49 =	vbroadcast v45, $0xF  }
0x295: {  	vm2 =	vlt.f32 v53, v57;
	v48 =	vtrunc.f32 v20;
	v19 =	vmul.f32 $9.615384970e-03, v19  }
0x296: {  	v18 =	vcvt.f32.s32 v48;
	vm1 =	vlt.f32 v20, v48;
	v20 =	vmul.f32 v49, v21  }
0x297: {  	v23 =	vsel vm2, $0xFFFFFFFF, v12;
	v50 =	vsel vm1, $0xFFFFFFFF, v12  }
0x298: {  	v55, _, _ =	vpop (xrf0);
	v52 =	vtrunc.f32 v19;
	v18 =	vadd.s32 v18, v50;
	v20 =	vmul.f32 $9.615384970e-03, v20  }
0x299: {  	(v2sf) =	vpush v55, $0xF;
	v54 =	vcvt.f32.s32 v52;
	vm15 =	vlt.s32 v18, $0x3  }
0x29a: {  	vm4 =	vlt.f32 v19, v52;
	v18 =	vnsel vm15, $0x3, v18;
	v19 =	vtrunc.f32 v20  }
0x29b: {  	v58 =	vsel vm4, $0xFFFFFFFF, v12;
	v18 =	vand.u32 $0x3, v18;
	v56 =	vcvt.f32.s32 v19  }
0x29c: {  	vm5 =	vlt.f32 v20, v19;
	v19 =	vcvt.f32.s32 v57;
	v20 =	vadd.s32 v54, v58  }
0x29d: {  	v51 =	vmul.u32 $0x3, v18;
	v59 =	vsel vm5, $0xFFFFFFFF, v12;
	vm6 =	vlt.s32 v20, $0x3  }
0x29e: {  	v22 =	vadd.s32 v56, v59;
	v19 =	vadd.s32 v19, v23;
	v20 =	vnsel vm6, $0x3, v20  }
0x29f: {  	vm7 =	vlt.s32 v22, $0x3;
	vm8 =	vlt.s32 v19, $0x3;
	v20 =	vand.u32 $0x3, v20  }
0x2a0: {  	v21 =	vadd.s32 v3, v51;
	v22 =	vnsel vm7, $0x3, v22;
	v19 =	vnsel vm8, $0x3, v19  }
0x2a1: {  	v60 =	vmul.u32 $0x3, v20;
	vm9 =	veq.s32 v21, v0;
	v22 =	vand.u32 $0x3, v22  }
0x2a2: {  	s0 =	spop (v2sf);
	vm11 =	vne.s32 v18, v20;
	v19 =	vand.u32 $0x3, v19;
	v61 =	vmul.u32 $0x3, v22  }
0x2a3: {  	s1 =	spop (v2sf);
	v18 =	vnsel vm9, $0x0, v17;
	v62 =	vmul.u32 $0x3, v19;
	v23 =	vadd.s32 v3, v60  }
0x2a4: {  	p1 =	sge.f32 s1, $0.0e+00;
	vm15 =	vne.s32 v22, v19;
	v16 =	vadd.f32 v18, v16;
	v24 =	vadd.s32 v3, v61  }
.Ltmp26:
0x2a5: {  	vm10 =	veq.s32 v23, v0;
	v25 =	vadd.s32 v3, v62;
	vm13 =	veq.s32 v24, v0;
	(pc) =	sbr.rel @!p1 .LBB2_38-.Ltmp26, $4  }
0x2a6: {  	vm12 =	vmand vm11, vm10;
	vm14 =	veq.s32 v25, v0;
	v63 =	vnsel vm13, $0x0, v17  }
0x2a7: {  	v18 =	vnsel vm12, $0x0, v17;
	vm1 =	vmand vm14, vm15;
	v15 =	vadd.f32 v63, v15  }
0x2a8: {  	s0 =	sshra.s32 s0, $0x4;
	v16 =	vadd.f32 v18, v16;
	v17 =	vnsel vm1, $0x0, v17  }
0x2a9: {  	[tilespmem:s0+$0x1A180] =	vst v13;
	s1 =	spop (v2sf);
	v15 =	vadd.f32 v15, v17  }
.LBB2_33:
0x2aa: {  	s8 =	sadd.s32 $0xF, s0  }
0x2ab: {  	s28 =	sand.u32 $0xF, s8  }
0x2ac: {  	p1 =	slt.s32 s0, $0xFFFFFFF2;
	s31 =	sshra.s32 s8, $0x1F;
	p2 =	sne.s32 s28, $0x0  }
0x2ad: {  	s1 =	sxor.u32 $0x80000000, s1;
	s0 =	sshrl.u32 s31, $0x1C;
	p1 =	por !p1, !p2  }
0x2ae: {  	v22 =	vmov s1;
	s1 =	simm.s32 $0x1;
	s0 =	sadd.s32 s0, s8;
	p1 =	por !p1, !p1  }
0x2af: {  	s0 =	sshra.s32 s0, $0x4;
	s1 =	simm.s32 @!p1 $0x0  }
0x2b0: {  	s0 =	ssub.s32 s0, s1  }
0x2b1: {  	p1 =	slt.s32 s0, $0x1  }
.Ltmp27:
0x2b2: {  	_ = 	snop;
	(pc) =	sbr.rel @p1 .LBB2_42-.Ltmp27, $3  }
0x2b3: {  	_ =	sdelay $0x1  }
0x2b4: {  	s1 =	simm.s32 $0x15300  }
0x2b5: {  	v18 =	vimm.f32 $-1.000000000e+00;
	v29 =	vimm.s32 $0x0;
	v17 =	vld.idx.msk [tilespmem:v22+s1+$0x0], $0xffff  }
0x2b6: {  	_ =	sdelay $0x2  }
0x2b7: {  	s28 =	simm.s32 $0x1900  }
0x2b8: {  	s29 =	simm.s32 $0x6780;
	v19 =	vld.idx.msk [tilespmem:v22+s28+$0x0], $0xffff  }
0x2b9: {  	s30 =	simm.s32 $0xB600;
	v20 =	vld.idx.msk [tilespmem:v22+s29+$0x0], $0xffff  }
0x2ba: {  	s31 =	simm.s32 $0x10480;
	v21 =	vld.idx.msk [tilespmem:v22+s30+$0x0], $0xffff  }
0x2bb: {  	v22 =	vld.idx.msk [tilespmem:v22+s31+$0x0], $0xffff  }
0x2bc: {  	v26 =	vld [tilespmem:s30+$0x0]  }
0x2bd: {  	v32 =	vld [tilespmem:s31+$0x0]  }
0x2be: {  	v25 =	vld [tilespmem:s28+$0x0]  }
0x2bf: {  	v27 =	vld [tilespmem:s29+$0x0];
	_ =	sdelay $0x1  }
0x2c0: {  	v23 =	vsub.f32 v21, v19;
	v24 =	vsub.f32 v22, v20;
	_ =	sdelay $0x1  }
0x2c1: {  	v28 =	vmax.f32 v19, v25;
	v23 =	vadd.f32 $1.000000000e+00, v23;
	v24 =	vadd.f32 $1.000000000e+00, v24  }
0x2c2: {  	v30 =	vmin.f32 v22, v32;
	v31 =	vsub.f32 v26, v25;
	v33 =	vmax.f32 v20, v27  }
0x2c3: {  	v34 =	vsub.f32 v32, v27;
	v23 =	vmul.f32 v24, v23;
	v24 =	vmin.f32 v21, v26  }
0x2c4: {  	v24 =	vsub.f32 v24, v28;
	v28 =	vsub.f32 v30, v33  }
0x2c5: {  	v30 =	vadd.f32 $1.000000000e+00, v31;
	v31 =	vadd.f32 $1.000000000e+00, v34  }
0x2c6: {  	v24 =	vadd.f32 $1.000000000e+00, v24;
	v28 =	vadd.f32 $1.000000000e+00, v28  }
0x2c7: {  	v30 =	vmul.f32 v31, v30  }
0x2c8: {  	v24 =	vmax.f32 v24, $0.0e+00;
	v28 =	vmax.f32 v28, $0.0e+00  }
0x2c9: {  	v24 =	vmul.f32 v28, v24;
	v28 =	vadd.f32 v30, v23;
	_ =	sdelay $0x1  }
0x2ca: {  	v28 =	vsub.f32 v28, v24;
	_ =	sdelay $0x1  }
0x2cb: {  	v28 =	vadd.f32 $1.000000020e-16, v28;
	_ =	sdelay $0x1  }
0x2cc: {  	(erf) = vrcp.f32 v28;
	_ =	sdelay $0x5  }
0x2cd: {  	s8 =	simm.s32 $0x1A180  }
0x2ce: {  	v30 =	vld [tilespmem:s8+$0x0];
	_ =	sdelay $0x1  }
0x2cf: {  	v28 =	vpop (erf)  }
0x2d0: {  	v24 =	vmul.f32 v28, v24;
	_ =	sdelay $0x1  }
0x2d1: {  	vm0 =	vge.f32 v30, $0.0e+00;
	vm1 =	vgt.f32 v24, $2.000000030e-01  }
0x2d2: {  	vm1 =	vmand vm0, vm1  }
0x2d3: {  	vm0 =	vmxor vm0, vm1  }
0x2d4: {  	v24 =	vsel vm0, $0x1, v12  }
0x2d5: {  	(xrf0) =	vadd.scan.msk.s32 $0xffff, v24;
	_ =	sdelay $0x5  }
0x2d6: {  	v24, _, _ =	vpop (xrf0)  }
0x2d7: {  	v62 =	vld [tilespmem:s1+$0x0];
	v24 =	vadd.s32 v24, v29  }
0x2d8: {  	v31 =	vadd.s32 $0xFFFFFFFF, v24;
	_ =	sdelay $0x3  }
0x2d9: {  	p1 =	sne.s32 s0, $0x1;
	v28 =	vnsel vm1, $0x0, v62;
	vm1 =	vgt.f32 v30, v18;
	v63 =	vmpcnt.ones.xlane vm0  }
.Ltmp28:
0x2da: {  	v35 =	vmul.f32 v28, v25;
	v36 =	vmul.f32 v28, v27;
	vm1 =	vmand vm1, vm0;
	[tilespmem:v31+s17+$0x0] =	vst.idx.msk vm0, v25;
	(pc) =	sbr.rel @!p1 .LBB2_36-.Ltmp28, $4  }
0x2db: {  	v37 =	vmul.f32 v28, v32;
	v18 =	vsel vm1, v30, v18;
	[tilespmem:v31+s18+$0x0] =	vst.idx.msk vm0, v27  }
0x2dc: {  	v24 =	vadd.f32 v28, v14;
	v28 =	vadd.s32 v29, v63;
	[tilespmem:v31+s19+$0x0] =	vst.idx.msk vm0, v26  }
0x2dd: {  	s1 =	simm.s32 $0x10490;
	v29 =	vsel vm1, v31, v29;
	v25 =	vadd.f32 v35, v14;
	[tilespmem:v31+s20+$0x0] =	vst.idx.msk vm0, v32  }
0x2de: {  	s31 =	sadd.s32 $0xFFFFFFFF, s0;
	s0 =	simm.s32 $0x15310;
	s8 =	simm.s32 $0x1A190;
	v27 =	vadd.f32 v37, v14;
	v26 =	vadd.f32 v36, v14;
	[tilespmem:v31+s21+$0x0] =	vst.idx.msk vm0, v62  }
.LBB2_35:
0x2df: {  	[tilespmem:v31+s22+$0x0] =	vst.idx.msk vm0, v30;
	s28 =	sadd.s32 $0x10, s28;
	s29 =	sadd.s32 $0x10, s29;
	s30 =	sadd.s32 $0x10, s30;
	v31 =	vmov v28  }
0x2e0: {  	p1 =	sne.s32 s31, $0x1;
	s31 =	sadd.s32 $0xFFFFFFFF, s31;
	v32 =	vld [tilespmem:s30+$0x0]  }
0x2e1: {  	v33 =	vld [tilespmem:s1+$0x0]  }
0x2e2: {  	v34 =	vld [tilespmem:s28+$0x0]  }
0x2e3: {  	v35 =	vld [tilespmem:s29+$0x0];
	_ =	sdelay $0x1  }
0x2e4: {  	v30 =	vmin.f32 v21, v32;
	_ =	sdelay $0x1  }
0x2e5: {  	v37 =	vmin.f32 v22, v33;
	v36 =	vmax.f32 v19, v34;
	v38 =	vsub.f32 v32, v34  }
0x2e6: {  	v30 =	vsub.f32 v30, v36;
	v36 =	vmax.f32 v20, v35;
	v39 =	vsub.f32 v33, v35  }
0x2e7: {  	v36 =	vsub.f32 v37, v36;
	v37 =	vadd.f32 $1.000000000e+00, v38  }
0x2e8: {  	v30 =	vadd.f32 $1.000000000e+00, v30;
	v38 =	vadd.f32 $1.000000000e+00, v39  }
0x2e9: {  	v36 =	vadd.f32 $1.000000000e+00, v36  }
0x2ea: {  	v30 =	vmax.f32 v30, $0.0e+00;
	v37 =	vmul.f32 v38, v37  }
0x2eb: {  	v36 =	vmax.f32 v36, $0.0e+00  }
0x2ec: {  	v36 =	vmul.f32 v36, v30;
	v30 =	vadd.f32 v37, v23;
	_ =	sdelay $0x1  }
0x2ed: {  	v30 =	vsub.f32 v30, v36;
	_ =	sdelay $0x1  }
0x2ee: {  	v30 =	vadd.f32 $1.000000020e-16, v30;
	_ =	sdelay $0x1  }
0x2ef: {  	(erf) = vrcp.f32 v30;
	_ =	sdelay $0x6  }
0x2f0: {  	v30 =	vld [tilespmem:s8+$0x0];
	_ =	sdelay $0x1  }
0x2f1: {  	v37 =	vld [tilespmem:s0+$0x0];
	v38 =	vpop (erf)  }
0x2f2: {  	v36 =	vmul.f32 v38, v36;
	_ =	sdelay $0x1  }
0x2f3: {  	vm0 =	vge.f32 v30, $0.0e+00;
	vm1 =	vgt.f32 v36, $2.000000030e-01  }
0x2f4: {  	vm1 =	vmand vm0, vm1  }
0x2f5: {  	v36 =	vnsel vm1, $0x0, v37;
	vm0 =	vmxor vm0, vm1  }
0x2f6: {  	v38 =	vsel vm0, $0x1, v12;
	v39 =	vmpcnt.ones.xlane vm0;
	v40 =	vmul.f32 v36, v34  }
0x2f7: {  	v24 =	vadd.f32 v36, v24;
	v41 =	vmul.f32 v36, v35;
	v36 =	vmul.f32 v36, v33;
	(xrf0) =	vadd.scan.msk.s32 $0xffff, v38  }
0x2f8: {  	v28 =	vadd.s32 v28, v39;
	v25 =	vadd.f32 v40, v25  }
0x2f9: {  	v26 =	vadd.f32 v41, v26;
	v27 =	vadd.f32 v36, v27;
	_ =	sdelay $0x3  }
0x2fa: {  	v36, _, _ =	vpop (xrf0)  }
0x2fb: {  	vm1 =	vgt.f32 v30, v18;
	v31 =	vadd.s32 v36, v31  }
0x2fc: {  	vm1 =	vmand vm1, vm0;
	v31 =	vadd.s32 $0xFFFFFFFF, v31  }
0x2fd: {  	v18 =	vsel vm1, v30, v18;
	v29 =	vsel vm1, v31, v29;
	_ =	sdelay $0x3  }
.Ltmp29:
0x2fe: {  	[tilespmem:v31+s17+$0x0] =	vst.idx.msk vm0, v34;
	(pc) =	sbr.rel @p1 .LBB2_35-.Ltmp29, $4  }
0x2ff: {  	[tilespmem:v31+s18+$0x0] =	vst.idx.msk vm0, v35  }
0x300: {  	[tilespmem:v31+s19+$0x0] =	vst.idx.msk vm0, v32  }
0x301: {  	[tilespmem:v31+s20+$0x0] =	vst.idx.msk vm0, v33  }
0x302: {  	s1 =	sadd.s32 $0x10, s1;
	s8 =	sadd.s32 $0x10, s8;
	s0 =	sadd.s32 $0x10, s0;
	[tilespmem:v31+s21+$0x0] =	vst.idx.msk vm0, v37  }
.LBB2_36:
0x303: {  	_ = 	snop  }
.Ltmp30:
0x304: {  	_ = 	snop;
	(pc) =	sbr.rel .LBB2_37-.Ltmp30, $2  }
0x305: {  	_ =	sdelay $0x2  }
0x306: {  	[tilespmem:v31+s22+$0x0] =	vst.idx.msk vm0, v30;
	v19 =	vxor.u32 $0x80000000, v29;
	v29 =	vmov v28  }
.LBB2_40:
0x307: {  	_ =	sfence.sel $0x180000  }
0x308: {  	[bflag:$0x0] =	sbarrier.arrive $0xFFFF  }
0x309: {  	_ =	strace $0x90000047  }
0x30a: {  	s0 =	stileid.u32;
	[bflag:$0x2] =	sbarrier.arrive $0xFFFF  }
0x30b: {  	p0 =	sne.s32 s0, $0x0;
	s0 =	rddreg [dreg:$0x1]  }
0x30c: {  	s0 =	sadd.s32 @!p0 $0x100000, s0  }
0x30d: {  	[sflag:s0] =	ssyncadd.tile.s32 @!p0 $0x1;
	_ =	shalt  }
.Lfunc_end2:
_tile_overlayer_lowered:
.L_overlay_start_2:
0x30e: {  	(tag) =	ssettag $0x2  }
0x30f: {  	s0 =	rddreg [dreg:$0x0];
	s2 =	stileid.u32  }
0x310: {  	s1 =	rddreg [dreg:$0x1];
	p0 =	sne.s32 s2, $0x0  }
0x311: {  	s3 =	rddreg [dreg:$0x2];
	[bflag:$0x3] =	sbarrier.arrive $0xFFFF;
	s2 =	simm.s32 @!p0 $0x1C03  }
0x312: {  	[timem:s3], [sflag:s2] =	dma.local @!p0 [hbm:s0], s1  }
0x313: {  	s0 =	simm.s32 @!p0 $0x3  }
0x314: {  	_ =	swait.ge @!p0 [sflag:s0], s1  }
0x315: {  	s1 =	ssub.s32 @!p0 $0x0, s1;
	[sflag:s0] =	ssyncset.done @!p0 $0x0  }
0x316: {  	[sflag:s0] =	ssyncadd.s32 @!p0 s1  }
0x317: {  	[bflag:$0x3] =	sbarrier.arrive $0xFFFF  }
0x318: {  	_ =	shalt  }

</sc_bundles>
